<compile_context>
chip_gen: v7x
topology: tpu7x:2x2x1
jax: 0.10.2.dev20260603
libtpu: 0.0.44.dev20260713+nightly
codegen_flags: <defaults>
</compile_context>

<pallas_src>
import functools

import jax
import jax.numpy as jnp
from jax import lax
from jax.experimental import pallas as pl
from jax.experimental.pallas import tpu as pltpu
from jax.experimental.pallas import tpu_sc as plsc

_M = 4194304
_B = 1048576
_CHUNK = 32768
_SUB = 4096
_NSUB = _CHUNK // _SUB
_NW = 32
_NCHUNK = _M // _CHUNK
_PER_W = _NCHUNK // _NW
_NROWS = 6
_L = 16
_NSETS = 3

_mesh = plsc.VectorSubcoreMesh(core_axis_name="c", subcore_axis_name="s")


@functools.partial(
    pl.kernel,
    out_type=jax.ShapeDtypeStruct((_NROWS, _M), jnp.float32),
    mesh=_mesh,
    scratch_types=[
        [pltpu.VMEM((_CHUNK,), jnp.float32)] * _NSETS,
        pltpu.VMEM((_L,), jnp.int32),
        [pltpu.SemaphoreType.DMA] * _NSETS,
        [pltpu.SemaphoreType.DMA] * _NSETS,
    ],
)
def _push_kernel(mem_x, mem_y, mem_r, mem_g, mem_b, mem_a,
                 px, py, pr, pg, pb, pa, idxv, out,
                 buf, idx_vm, in_sems, out_sems):
    wid = lax.axis_index("s") * 2 + lax.axis_index("c")
    pltpu.sync_copy(idxv, idx_vm)
    idx = idx_vm[...][0]

    mems = (mem_x, mem_y, mem_r, mem_g, mem_b, mem_a)
    pts = (px, py, pr, pg, pb, pa)

    def chunk_start(j):
        return pl.multiple_of((wid + j * _NW) * _CHUNK, _CHUNK)

    def chunk_conds(g0):
        fully_in = jnp.logical_and(g0 >= idx, g0 + _CHUNK <= idx + _B)
        fully_out = jnp.logical_or(g0 + _CHUNK <= idx, g0 >= idx + _B)
        strad = jnp.logical_not(jnp.logical_or(fully_in, fully_out))
        return fully_in, fully_out, strad

    def issue_ins(j, r, sel):
        g0 = chunk_start(j)
        fully_in, fully_out, strad = chunk_conds(g0)
        poff = pl.multiple_of(g0 - idx, _SUB)

        _H = _CHUNK // 2

        @pl.when(fully_in)
        def _():
            for h in range(2):
                pltpu.async_copy(
                    pts[r].at[pl.ds(pl.multiple_of(poff + h * _H, _SUB), _H)],
                    buf[sel].at[pl.ds(h * _H, _H)], in_sems[sel])

        @pl.when(fully_out)
        def _():
            for h in range(2):
                pltpu.async_copy(
                    mems[r].at[pl.ds(pl.multiple_of(g0 + h * _H, _SUB), _H)],
                    buf[sel].at[pl.ds(h * _H, _H)], in_sems[sel])

        @pl.when(strad)
        def _():
            def sub(u, _):
                s0 = pl.multiple_of(g0 + u * _SUB, _SUB)
                ins = jnp.logical_and(s0 >= idx, s0 < idx + _B)
                soff = pl.multiple_of(s0 - idx, _SUB)
                boff = pl.multiple_of(u * _SUB, _SUB)
                dst = buf[sel].at[pl.ds(boff, _SUB)]

                @pl.when(ins)
                def _():
                    pltpu.async_copy(pts[r].at[pl.ds(soff, _SUB)],
                                     dst, in_sems[sel])

                @pl.when(jnp.logical_not(ins))
                def _():
                    pltpu.async_copy(mems[r].at[pl.ds(s0, _SUB)],
                                     dst, in_sems[sel])
                return 0

            lax.fori_loop(0, _NSUB, sub, 0)

    def drain_ins(j, sel):
        g0 = chunk_start(j)
        _, _, strad = chunk_conds(g0)

        @pl.when(jnp.logical_not(strad))
        def _():
            for h in range(2):
                pltpu.make_async_copy(
                    mems[0].at[pl.ds(0, _CHUNK // 2)],
                    buf[sel].at[pl.ds(0, _CHUNK // 2)], in_sems[sel]).wait()

        @pl.when(strad)
        def _():
            def sub(u, _):
                pltpu.make_async_copy(
                    mems[0].at[pl.ds(0, _SUB)],
                    buf[sel].at[pl.ds(0, _SUB)], in_sems[sel]).wait()
                return 0

            lax.fori_loop(0, _NSUB, sub, 0)

    def drain_outs(sel):
        for h in range(2):
            pltpu.make_async_copy(
                mems[0].at[pl.ds(0, _CHUNK // 2)],
                buf[sel].at[pl.ds(0, _CHUNK // 2)], out_sems[sel]).wait()

    def clamp_stage(j, sel):
        g0 = chunk_start(j)

        def sub(u, _):
            s0 = g0 + u * _SUB
            ins = jnp.logical_and(s0 >= idx, s0 < idx + _B)

            base = pl.multiple_of(u * _SUB, _SUB)

            @pl.when(ins)
            def _():
                @plsc.parallel_loop(0, _SUB, _L, unroll=8)
                def _(i):
                    o = base + i
                    x = buf[sel][pl.ds(o, _L)]
                    buf[sel][pl.ds(o, _L)] = jnp.minimum(
                        jnp.maximum(x, jnp.float32(0.001)),
                        jnp.float32(0.999))
            return 0

        lax.fori_loop(0, _NSUB, sub, 0)

    def issue_outs(j, r, sel):
        g0 = chunk_start(j)
        _H = _CHUNK // 2
        for h in range(2):
            pltpu.async_copy(
                buf[sel].at[pl.ds(h * _H, _H)],
                out.at[r, pl.ds(pl.multiple_of(g0 + h * _H, _SUB), _H)],
                out_sems[sel])

    issue_ins(jnp.int32(0), 0, 0)

    def outer(j, _):
        for r in range(_NROWS):
            sel = r % _NSETS
            nsel = (r + 1) % _NSETS

            if r >= 2:
                drain_outs(nsel)
            else:
                @pl.when(j >= 1)
                def _():
                    drain_outs(nsel)

            if r + 1 < _NROWS:
                issue_ins(j, r + 1, nsel)
            else:
                @pl.when(j + 1 < _PER_W)
                def _():
                    issue_ins(j + 1, 0, nsel)

            drain_ins(j, sel)
            if r >= 2:
                clamp_stage(j, sel)
            issue_outs(j, r, sel)
        return 0

    lax.fori_loop(0, _PER_W, outer, 0)

    drain_outs((_NROWS * _PER_W - 2) % _NSETS)
    drain_outs((_NROWS * _PER_W - 1) % _NSETS)


def kernel(mem_x, mem_y, mem_r, mem_g, mem_b, mem_a,
           px, py, pr, pg, pb, pa, idx):
    idx32 = jnp.asarray(idx, dtype=jnp.int32)
    idxv = jnp.full((_L,), idx32, dtype=jnp.int32)
    out = _push_kernel(mem_x, mem_y, mem_r, mem_g, mem_b, mem_a,
                       px, py, pr, pg, pb, pa, idxv)
    return (idx32 + _B, out)

# --- scband reference (transcript-rebuilt; emitter-appended) ---
"""Pipeline reference for scband-plot-ctx-21784074125831 (READ-ONLY COPY).

The authoritative reference and input builder live on the scoring server;
editing this copy changes nothing except your own understanding.
"""

import jax, jax.numpy as jnp
import numpy as np

LIMIT = 4194304
BATCH = 1048576


def setup_inputs(seed: int = 0) -> dict:
    key = jax.random.key(seed)
    ks = jax.random.split(key, 12)
    M, B = LIMIT, BATCH
    return {
        "mem_x": jax.random.normal(ks[0], (M,), dtype=jnp.float32),
        "mem_y": jax.random.normal(ks[1], (M,), dtype=jnp.float32),
        "mem_r": jax.random.uniform(ks[2], (M,), dtype=jnp.float32),
        "mem_g": jax.random.uniform(ks[3], (M,), dtype=jnp.float32),
        "mem_b": jax.random.uniform(ks[4], (M,), dtype=jnp.float32),
        "mem_a": jax.random.uniform(ks[5], (M,), dtype=jnp.float32),
        "px": jax.random.normal(ks[6], (B,), dtype=jnp.float32),
        "py": jax.random.normal(ks[7], (B,), dtype=jnp.float32),
        "pr": jax.random.uniform(ks[8], (B,), dtype=jnp.float32, minval=-0.5, maxval=1.5),
        "pg": jax.random.uniform(ks[9], (B,), dtype=jnp.float32, minval=-0.5, maxval=1.5),
        "pb": jax.random.uniform(ks[10], (B,), dtype=jnp.float32, minval=-0.5, maxval=1.5),
        "pa": jax.random.uniform(ks[11], (B,), dtype=jnp.float32, minval=-0.5, maxval=1.5),
        "idx": 4096,
    }


def reference(mem_x, mem_y, mem_r, mem_g, mem_b, mem_a,
              px, py, pr, pg, pb, pa, idx):
    # plot_ctx.push_batched: vmap(_plot_point.clip) over the pushed batch,
    # then lax.dynamic_update_slice of each pytree leaf at offset idx.
    idx = jnp.asarray(idx, dtype=jnp.int32)
    clamp = lambda v: jax.lax.min(jax.lax.max(v, jnp.float32(0.001)), jnp.float32(0.999))
    # _plot_point.clip clips only the style fields (color rgb + alpha); x,y untouched.
    cr, cg, cb, ca = clamp(pr), clamp(pg), clamp(pb), clamp(pa)
    upd = lambda buf, vals: jax.lax.dynamic_update_slice(buf, vals, (idx,))
    nx = upd(mem_x, px)
    ny = upd(mem_y, py)
    nr = upd(mem_r, cr)
    ng = upd(mem_g, cg)
    nb = upd(mem_b, cb)
    na = upd(mem_a, ca)
    # new plot_ctx: idx advanced by batch size, updated point buffers
    new_idx = idx + px.shape[0]
    return (new_idx, jnp.stack([nx, ny, nr, ng, nb, na], axis=0))

if __name__ == "__main__":
    import jax
    _d = setup_inputs()
    print(jax.jit(kernel)(*tuple(_d.values())))

</pallas_src>

<mosaic_0001>
#map = affine_map<(d0, d1) -> (0)>
#map1 = affine_map<(d0, d1) -> (0, 0)>
module attributes {stable_mosaic.version = 14 : i64} {
  func.func @_push_kernel(%arg0: i32, %arg1: i32, %arg2: memref<4194304xf32, #tpu.memory_space<hbm>>, %arg3: memref<4194304xf32, #tpu.memory_space<hbm>>, %arg4: memref<4194304xf32, #tpu.memory_space<hbm>>, %arg5: memref<4194304xf32, #tpu.memory_space<hbm>>, %arg6: memref<4194304xf32, #tpu.memory_space<hbm>>, %arg7: memref<4194304xf32, #tpu.memory_space<hbm>>, %arg8: memref<1048576xf32, #tpu.memory_space<hbm>>, %arg9: memref<1048576xf32, #tpu.memory_space<hbm>>, %arg10: memref<1048576xf32, #tpu.memory_space<hbm>>, %arg11: memref<1048576xf32, #tpu.memory_space<hbm>>, %arg12: memref<1048576xf32, #tpu.memory_space<hbm>>, %arg13: memref<1048576xf32, #tpu.memory_space<hbm>>, %arg14: memref<16xi32, #tpu.memory_space<hbm>>, %arg15: memref<6x4194304xf32, #tpu.memory_space<hbm>>, %arg16: memref<32768xf32, #tpu.memory_space<vmem>>, %arg17: memref<32768xf32, #tpu.memory_space<vmem>>, %arg18: memref<32768xf32, #tpu.memory_space<vmem>>, %arg19: memref<16xi32, #tpu.memory_space<vmem>>, %arg20: memref<!tpu.dma_semaphore, #tpu.memory_space<semaphore_mem>>, %arg21: memref<!tpu.dma_semaphore, #tpu.memory_space<semaphore_mem>>, %arg22: memref<!tpu.dma_semaphore, #tpu.memory_space<semaphore_mem>>, %arg23: memref<!tpu.dma_semaphore, #tpu.memory_space<semaphore_mem>>, %arg24: memref<!tpu.dma_semaphore, #tpu.memory_space<semaphore_mem>>, %arg25: memref<!tpu.dma_semaphore, #tpu.memory_space<semaphore_mem>>) attributes {dimension_semantics = [#tpu.dimension_semantics<core_parallel>, #tpu.dimension_semantics<subcore_parallel>], iteration_bounds = array<i64: 2, 16>, scalar_prefetch = 0 : i64, scratch_operands = 10 : i64, tpu.core_type = #tpu.core_type<sc_vector_subcore>, window_params = [{transform_indices = #map}, {transform_indices = #map}, {transform_indices = #map}, {transform_indices = #map}, {transform_indices = #map}, {transform_indices = #map}, {transform_indices = #map}, {transform_indices = #map}, {transform_indices = #map}, {transform_indices = #map}, {transform_indices = #map}, {transform_indices = #map}, {transform_indices = #map}, {transform_indices = #map1}]} {
    %mul3A = arith.constant 2 : i32
    %mul3A_0 = arith.muli %arg1, %mul3A : i32
    %add3A = arith.addi %mul3A_0, %arg0 : i32
    "tpu.region"() ({
      %run_scoped3A = tpu.sem_alloc : memref<!tpu.dma_semaphore, #tpu.memory_space<semaphore_mem>>
      tpu.enqueue_dma source(%arg14 : memref<16xi32, #tpu.memory_space<hbm>>) target(%arg19 : memref<16xi32, #tpu.memory_space<vmem>>) target_semaphore(%run_scoped3A : memref<!tpu.dma_semaphore, #tpu.memory_space<semaphore_mem>>)
      tpu.wait_dma2 semaphore(%run_scoped3A : memref<!tpu.dma_semaphore, #tpu.memory_space<semaphore_mem>>) src(%arg14 : memref<16xi32, #tpu.memory_space<hbm>>) dst(%arg19 : memref<16xi32, #tpu.memory_space<vmem>>)
      tpu.yield
    }) : () -> ()
    %get3A = arith.constant 0 : index
    %get3A_1 = tpu.vector_load %arg19[%get3A] {strides = array<i32>} : memref<16xi32, #tpu.memory_space<vmem>>, vector<16xi32>,
    %get3A_2 = vector.shape_cast %get3A_1 : vector<16xi32> to vector<16xi32>
    %slice3A = vector.extract_strided_slice %get3A_2 {offsets = [0], sizes = [1], strides = [1]} : vector<16xi32> to vector<1xi32>
    %squeeze3A = vector.extract %slice3A[0] : i32 from vector<1xi32>
    %mul3A_3 = arith.constant 0 : i32
    %mul3A_4 = arith.constant 32 : i32
    %mul3A_5 = arith.muli %mul3A_3, %mul3A_4 : i32
    %add3A_6 = arith.addi %add3A, %mul3A_5 : i32
    %mul3A_7 = arith.constant 32768 : i32
    %mul3A_8 = arith.muli %add3A_6, %mul3A_7 : i32
    %multiple_of3A = tpu.assume_multiple %mul3A_8, 32768 : i32
    %ge3A = arith.cmpi sge, %multiple_of3A, %squeeze3A : i32
    %add3A_9 = arith.constant 32768 : i32
    %add3A_10 = arith.addi %multiple_of3A, %add3A_9 : i32
    %add3A_11 = arith.constant 1048576 : i32
    %add3A_12 = arith.addi %squeeze3A, %add3A_11 : i32
    %le3A = arith.cmpi sle, %add3A_10, %add3A_12 : i32
    %and3A = arith.andi %ge3A, %le3A : i1
    %add3A_13 = arith.constant 32768 : i32
    %add3A_14 = arith.addi %multiple_of3A, %add3A_13 : i32
    %le3A_15 = arith.cmpi sle, %add3A_14, %squeeze3A : i32
    %add3A_16 = arith.constant 1048576 : i32
    %add3A_17 = arith.addi %squeeze3A, %add3A_16 : i32
    %ge3A_18 = arith.cmpi sge, %multiple_of3A, %add3A_17 : i32
    %or3A = arith.ori %le3A_15, %ge3A_18 : i1
    %or3A_19 = arith.ori %and3A, %or3A : i1
    %not3A = arith.constant true
    %not3A_20 = arith.xori %or3A_19, %not3A : i1
    %sub3A = arith.subi %multiple_of3A, %squeeze3A : i32
    %multiple_of3A_21 = tpu.assume_multiple %sub3A, 4096 : i32
    %convert_element_type3A = arith.extui %and3A : i1 to i32
    %cond3A = arith.constant 0 : i32
    %cond3A_22 = arith.cmpi ne, %convert_element_type3A, %cond3A : i32
    scf.if %cond3A_22 {
      %add3A_66 = arith.constant 0 : i32
      %add3A_67 = arith.addi %multiple_of3A_21, %add3A_66 : i32
      %multiple_of3A_68 = tpu.assume_multiple %add3A_67, 4096 : i32
      %dma_start3A = arith.constant 0 : i32
      %dma_start3A_69 = tpu.memref_slice %arg16[%dma_start3A] : memref<32768xf32, #tpu.memory_space<vmem>> -> memref<16384xf32, #tpu.memory_space<vmem>>
      %dma_start3A_70 = tpu.memref_slice %arg8[%multiple_of3A_68] : memref<1048576xf32, #tpu.memory_space<hbm>> -> memref<16384xf32, #tpu.memory_space<hbm>>
      %dma_start3A_71 = arith.constant 0 : i32
      %dma_start3A_72 = tpu.memref_slice %arg16[%dma_start3A_71] : memref<32768xf32, #tpu.memory_space<vmem>> -> memref<16384xf32, #tpu.memory_space<vmem>>
      %dma_start3A_73 = tpu.memref_slice %arg8[%multiple_of3A_68] : memref<1048576xf32, #tpu.memory_space<hbm>> -> memref<16384xf32, #tpu.memory_space<hbm>>
      tpu.enqueue_dma source(%dma_start3A_73 : memref<16384xf32, #tpu.memory_space<hbm>>) target(%dma_start3A_72 : memref<16384xf32, #tpu.memory_space<vmem>>) target_semaphore(%arg20 : memref<!tpu.dma_semaphore, #tpu.memory_space<semaphore_mem>>)
      %add3A_74 = arith.constant 16384 : i32
      %add3A_75 = arith.addi %multiple_of3A_21, %add3A_74 : i32
      %multiple_of3A_76 = tpu.assume_multiple %add3A_75, 4096 : i32
      %dma_start3A_77 = arith.constant 16384 : i32
      %dma_start3A_78 = tpu.memref_slice %arg16[%dma_start3A_77] : memref<32768xf32, #tpu.memory_space<vmem>> -> memref<16384xf32, #tpu.memory_space<vmem>>
      %dma_start3A_79 = tpu.memref_slice %arg8[%multiple_of3A_76] : memref<1048576xf32, #tpu.memory_space<hbm>> -> memref<16384xf32, #tpu.memory_space<hbm>>
      %dma_start3A_80 = arith.constant 16384 : i32
      %dma_start3A_81 = tpu.memref_slice %arg16[%dma_start3A_80] : memref<32768xf32, #tpu.memory_space<vmem>> -> memref<16384xf32, #tpu.memory_space<vmem>>
      %dma_start3A_82 = tpu.memref_slice %arg8[%multiple_of3A_76] : memref<1048576xf32, #tpu.memory_space<hbm>> -> memref<16384xf32, #tpu.memory_space<hbm>>
      tpu.enqueue_dma source(%dma_start3A_82 : memref<16384xf32, #tpu.memory_space<hbm>>) target(%dma_start3A_81 : memref<16384xf32, #tpu.memory_space<vmem>>) target_semaphore(%arg20 : memref<!tpu.dma_semaphore, #tpu.memory_space<semaphore_mem>>)
    } else {
    }
    %convert_element_type3A_23 = arith.extui %or3A : i1 to i32
    %cond3A_24 = arith.constant 0 : i32
    %cond3A_25 = arith.cmpi ne, %convert_element_type3A_23, %cond3A_24 : i32
    scf.if %cond3A_25 {
      %add3A_66 = arith.constant 0 : i32
      %add3A_67 = arith.addi %multiple_of3A, %add3A_66 : i32
      %multiple_of3A_68 = tpu.assume_multiple %add3A_67, 4096 : i32
      %dma_start3A = arith.constant 0 : i32
      %dma_start3A_69 = tpu.memref_slice %arg16[%dma_start3A] : memref<32768xf32, #tpu.memory_space<vmem>> -> memref<16384xf32, #tpu.memory_space<vmem>>
      %dma_start3A_70 = tpu.memref_slice %arg2[%multiple_of3A_68] : memref<4194304xf32, #tpu.memory_space<hbm>> -> memref<16384xf32, #tpu.memory_space<hbm>>
      %dma_start3A_71 = arith.constant 0 : i32
      %dma_start3A_72 = tpu.memref_slice %arg16[%dma_start3A_71] : memref<32768xf32, #tpu.memory_space<vmem>> -> memref<16384xf32, #tpu.memory_space<vmem>>
      %dma_start3A_73 = tpu.memref_slice %arg2[%multiple_of3A_68] : memref<4194304xf32, #tpu.memory_space<hbm>> -> memref<16384xf32, #tpu.memory_space<hbm>>
      tpu.enqueue_dma source(%dma_start3A_73 : memref<16384xf32, #tpu.memory_space<hbm>>) target(%dma_start3A_72 : memref<16384xf32, #tpu.memory_space<vmem>>) target_semaphore(%arg20 : memref<!tpu.dma_semaphore, #tpu.memory_space<semaphore_mem>>)
      %add3A_74 = arith.constant 16384 : i32
      %add3A_75 = arith.addi %multiple_of3A, %add3A_74 : i32
      %multiple_of3A_76 = tpu.assume_multiple %add3A_75, 4096 : i32
      %dma_start3A_77 = arith.constant 16384 : i32
      %dma_start3A_78 = tpu.memref_slice %arg16[%dma_start3A_77] : memref<32768xf32, #tpu.memory_space<vmem>> -> memref<16384xf32, #tpu.memory_space<vmem>>
      %dma_start3A_79 = tpu.memref_slice %arg2[%multiple_of3A_76] : memref<4194304xf32, #tpu.memory_space<hbm>> -> memref<16384xf32, #tpu.memory_space<hbm>>
      %dma_start3A_80 = arith.constant 16384 : i32
      %dma_start3A_81 = tpu.memref_slice %arg16[%dma_start3A_80] : memref<32768xf32, #tpu.memory_space<vmem>> -> memref<16384xf32, #tpu.memory_space<vmem>>
      %dma_start3A_82 = tpu.memref_slice %arg2[%multiple_of3A_76] : memref<4194304xf32, #tpu.memory_space<hbm>> -> memref<16384xf32, #tpu.memory_space<hbm>>
      tpu.enqueue_dma source(%dma_start3A_82 : memref<16384xf32, #tpu.memory_space<hbm>>) target(%dma_start3A_81 : memref<16384xf32, #tpu.memory_space<vmem>>) target_semaphore(%arg20 : memref<!tpu.dma_semaphore, #tpu.memory_space<semaphore_mem>>)
    } else {
    }
    %convert_element_type3A_26 = arith.extui %not3A_20 : i1 to i32
    %cond3A_27 = arith.constant 0 : i32
    %cond3A_28 = arith.cmpi ne, %convert_element_type3A_26, %cond3A_27 : i32
    scf.if %cond3A_28 {
      %scan3A_66 = arith.constant 0 : i32
      %scan3A_67 = arith.constant 0 : i32
      %scan3A_68 = arith.constant 8 : i32
      %scan3A_69 = arith.addi %scan3A_67, %scan3A_68 : i32
      %scan3A_70 = arith.constant 1 : i32
      %scan3A_71 = scf.for %scan3A_73 = %scan3A_67 to %scan3A_69 step %scan3A_70 iter_args(%scan3A_74 = %scan3A_66) -> (i32)  : i32 {
        %mul3A_75 = arith.constant 4096 : i32
        %mul3A_76 = arith.muli %scan3A_73, %mul3A_75 : i32
        %add3A_77 = arith.addi %multiple_of3A, %mul3A_76 : i32
        %multiple_of3A_78 = tpu.assume_multiple %add3A_77, 4096 : i32
        %ge3A_79 = arith.cmpi sge, %multiple_of3A_78, %squeeze3A : i32
        %add3A_80 = arith.constant 1048576 : i32
        %add3A_81 = arith.addi %squeeze3A, %add3A_80 : i32
        %lt3A = arith.cmpi slt, %multiple_of3A_78, %add3A_81 : i32
        %and3A_82 = arith.andi %ge3A_79, %lt3A : i1
        %sub3A_83 = arith.subi %multiple_of3A_78, %squeeze3A : i32
        %multiple_of3A_84 = tpu.assume_multiple %sub3A_83, 4096 : i32
        %mul3A_85 = arith.constant 4096 : i32
        %mul3A_86 = arith.muli %scan3A_73, %mul3A_85 : i32
        %multiple_of3A_87 = tpu.assume_multiple %mul3A_86, 4096 : i32
        %convert_element_type3A_88 = arith.extui %and3A_82 : i1 to i32
        %cond3A_89 = arith.constant 0 : i32
        %cond3A_90 = arith.cmpi ne, %convert_element_type3A_88, %cond3A_89 : i32
        scf.if %cond3A_90 {
          %dma_start3A = tpu.memref_slice %arg16[%multiple_of3A_87] : memref<32768xf32, #tpu.memory_space<vmem>> -> memref<4096xf32, #tpu.memory_space<vmem>>
          %dma_start3A_97 = tpu.memref_slice %arg8[%multiple_of3A_84] : memref<1048576xf32, #tpu.memory_space<hbm>> -> memref<4096xf32, #tpu.memory_space<hbm>>
          %dma_start3A_98 = tpu.memref_slice %arg16[%multiple_of3A_87] : memref<32768xf32, #tpu.memory_space<vmem>> -> memref<4096xf32, #tpu.memory_space<vmem>>
          %dma_start3A_99 = tpu.memref_slice %arg8[%multiple_of3A_84] : memref<1048576xf32, #tpu.memory_space<hbm>> -> memref<4096xf32, #tpu.memory_space<hbm>>
          tpu.enqueue_dma source(%dma_start3A_99 : memref<4096xf32, #tpu.memory_space<hbm>>) target(%dma_start3A_98 : memref<4096xf32, #tpu.memory_space<vmem>>) target_semaphore(%arg20 : memref<!tpu.dma_semaphore, #tpu.memory_space<semaphore_mem>>)
        } else {
        }
        %not3A_91 = arith.constant true
        %not3A_92 = arith.xori %and3A_82, %not3A_91 : i1
        %convert_element_type3A_93 = arith.extui %not3A_92 : i1 to i32
        %cond3A_94 = arith.constant 0 : i32
        %cond3A_95 = arith.cmpi ne, %convert_element_type3A_93, %cond3A_94 : i32
        scf.if %cond3A_95 {
          %dma_start3A = tpu.memref_slice %arg16[%multiple_of3A_87] : memref<32768xf32, #tpu.memory_space<vmem>> -> memref<4096xf32, #tpu.memory_space<vmem>>
          %dma_start3A_97 = tpu.memref_slice %arg2[%multiple_of3A_78] : memref<4194304xf32, #tpu.memory_space<hbm>> -> memref<4096xf32, #tpu.memory_space<hbm>>
          %dma_start3A_98 = tpu.memref_slice %arg16[%multiple_of3A_87] : memref<32768xf32, #tpu.memory_space<vmem>> -> memref<4096xf32, #tpu.memory_space<vmem>>
          %dma_start3A_99 = tpu.memref_slice %arg2[%multiple_of3A_78] : memref<4194304xf32, #tpu.memory_space<hbm>> -> memref<4096xf32, #tpu.memory_space<hbm>>
          tpu.enqueue_dma source(%dma_start3A_99 : memref<4096xf32, #tpu.memory_space<hbm>>) target(%dma_start3A_98 : memref<4096xf32, #tpu.memory_space<vmem>>) target_semaphore(%arg20 : memref<!tpu.dma_semaphore, #tpu.memory_space<semaphore_mem>>)
        } else {
        }
        %scan3A_96 = arith.constant 0 : i32
        scf.yield %scan3A_96 : i32
      }
      %scan3A_72 = arith.constant 8 : i32
    } else {
    }
    %scan3A = arith.constant 0 : i32
    %scan3A_29 = arith.constant 0 : i32
    %scan3A_30 = arith.constant 4 : i32
    %scan3A_31 = arith.addi %scan3A_29, %scan3A_30 : i32
    %scan3A_32 = arith.constant 1 : i32
    %scan3A_33 = scf.for %scan3A_66 = %scan3A_29 to %scan3A_31 step %scan3A_32 iter_args(%scan3A_67 = %scan3A) -> (i32)  : i32 {
      %ge3A_68 = arith.constant 1 : i32
      %ge3A_69 = arith.cmpi sge, %scan3A_66, %ge3A_68 : i32
      %convert_element_type3A_70 = arith.extui %ge3A_69 : i1 to i32
      %cond3A_71 = arith.constant 0 : i32
      %cond3A_72 = arith.cmpi ne, %convert_element_type3A_70, %cond3A_71 : i32
      scf.if %cond3A_72 {
        %dma_wait3A_736 = arith.constant 0 : i32
        %dma_wait3A_737 = tpu.memref_slice %arg17[%dma_wait3A_736] : memref<32768xf32, #tpu.memory_space<vmem>> -> memref<16384xf32, #tpu.memory_space<vmem>>
        %dma_wait3A_738 = arith.constant 0 : i32
        %dma_wait3A_739 = tpu.memref_slice %arg2[%dma_wait3A_738] : memref<4194304xf32, #tpu.memory_space<hbm>> -> memref<16384xf32, #tpu.memory_space<hbm>>
        %dma_wait3A_740 = arith.constant 0 : i32
        %dma_wait3A_741 = tpu.memref_slice %arg17[%dma_wait3A_740] : memref<32768xf32, #tpu.memory_space<vmem>> -> memref<16384xf32, #tpu.memory_space<vmem>>
        %dma_wait3A_742 = arith.constant 0 : i32
        %dma_wait3A_743 = tpu.memref_slice %arg2[%dma_wait3A_742] : memref<4194304xf32, #tpu.memory_space<hbm>> -> memref<16384xf32, #tpu.memory_space<hbm>>
        tpu.wait_dma2 semaphore(%arg24 : memref<!tpu.dma_semaphore, #tpu.memory_space<semaphore_mem>>) src(%dma_wait3A_743 : memref<16384xf32, #tpu.memory_space<hbm>>) dst(%dma_wait3A_741 : memref<16384xf32, #tpu.memory_space<vmem>>)
        %dma_wait3A_744 = arith.constant 0 : i32
        %dma_wait3A_745 = tpu.memref_slice %arg17[%dma_wait3A_744] : memref<32768xf32, #tpu.memory_space<vmem>> -> memref<16384xf32, #tpu.memory_space<vmem>>
        %dma_wait3A_746 = arith.constant 0 : i32
        %dma_wait3A_747 = tpu.memref_slice %arg2[%dma_wait3A_746] : memref<4194304xf32, #tpu.memory_space<hbm>> -> memref<16384xf32, #tpu.memory_space<hbm>>
        %dma_wait3A_748 = arith.constant 0 : i32
        %dma_wait3A_749 = tpu.memref_slice %arg17[%dma_wait3A_748] : memref<32768xf32, #tpu.memory_space<vmem>> -> memref<16384xf32, #tpu.memory_space<vmem>>
        %dma_wait3A_750 = arith.constant 0 : i32
        %dma_wait3A_751 = tpu.memref_slice %arg2[%dma_wait3A_750] : memref<4194304xf32, #tpu.memory_space<hbm>> -> memref<16384xf32, #tpu.memory_space<hbm>>
        tpu.wait_dma2 semaphore(%arg24 : memref<!tpu.dma_semaphore, #tpu.memory_space<semaphore_mem>>) src(%dma_wait3A_751 : memref<16384xf32, #tpu.memory_space<hbm>>) dst(%dma_wait3A_749 : memref<16384xf32, #tpu.memory_space<vmem>>)
      } else {
      }
      %mul3A_73 = arith.constant 32 : i32
      %mul3A_74 = arith.muli %scan3A_66, %mul3A_73 : i32
      %add3A_75 = arith.addi %add3A, %mul3A_74 : i32
      %mul3A_76 = arith.constant 32768 : i32
      %mul3A_77 = arith.muli %add3A_75, %mul3A_76 : i32
      %multiple_of3A_78 = tpu.assume_multiple %mul3A_77, 32768 : i32
      %ge3A_79 = arith.cmpi sge, %multiple_of3A_78, %squeeze3A : i32
      %add3A_80 = arith.constant 32768 : i32
      %add3A_81 = arith.addi %multiple_of3A_78, %add3A_80 : i32
      %add3A_82 = arith.constant 1048576 : i32
      %add3A_83 = arith.addi %squeeze3A, %add3A_82 : i32
      %le3A_84 = arith.cmpi sle, %add3A_81, %add3A_83 : i32
      %and3A_85 = arith.andi %ge3A_79, %le3A_84 : i1
      %add3A_86 = arith.constant 32768 : i32
      %add3A_87 = arith.addi %multiple_of3A_78, %add3A_86 : i32
      %le3A_88 = arith.cmpi sle, %add3A_87, %squeeze3A : i32
      %add3A_89 = arith.constant 1048576 : i32
      %add3A_90 = arith.addi %squeeze3A, %add3A_89 : i32
      %ge3A_91 = arith.cmpi sge, %multiple_of3A_78, %add3A_90 : i32
      %or3A_92 = arith.ori %le3A_88, %ge3A_91 : i1
      %or3A_93 = arith.ori %and3A_85, %or3A_92 : i1
      %not3A_94 = arith.constant true
      %not3A_95 = arith.xori %or3A_93, %not3A_94 : i1
      %sub3A_96 = arith.subi %multiple_of3A_78, %squeeze3A : i32
      %multiple_of3A_97 = tpu.assume_multiple %sub3A_96, 4096 : i32
      %convert_element_type3A_98 = arith.extui %and3A_85 : i1 to i32
      %cond3A_99 = arith.constant 0 : i32
      %cond3A_100 = arith.cmpi ne, %convert_element_type3A_98, %cond3A_99 : i32
      scf.if %cond3A_100 {
        %add3A_736 = arith.constant 0 : i32
        %add3A_737 = arith.addi %multiple_of3A_97, %add3A_736 : i32
        %multiple_of3A_738 = tpu.assume_multiple %add3A_737, 4096 : i32
        %dma_start3A_739 = arith.constant 0 : i32
        %dma_start3A_740 = tpu.memref_slice %arg17[%dma_start3A_739] : memref<32768xf32, #tpu.memory_space<vmem>> -> memref<16384xf32, #tpu.memory_space<vmem>>
        %dma_start3A_741 = tpu.memref_slice %arg9[%multiple_of3A_738] : memref<1048576xf32, #tpu.memory_space<hbm>> -> memref<16384xf32, #tpu.memory_space<hbm>>
        %dma_start3A_742 = arith.constant 0 : i32
        %dma_start3A_743 = tpu.memref_slice %arg17[%dma_start3A_742] : memref<32768xf32, #tpu.memory_space<vmem>> -> memref<16384xf32, #tpu.memory_space<vmem>>
        %dma_start3A_744 = tpu.memref_slice %arg9[%multiple_of3A_738] : memref<1048576xf32, #tpu.memory_space<hbm>> -> memref<16384xf32, #tpu.memory_space<hbm>>
        tpu.enqueue_dma source(%dma_start3A_744 : memref<16384xf32, #tpu.memory_space<hbm>>) target(%dma_start3A_743 : memref<16384xf32, #tpu.memory_space<vmem>>) target_semaphore(%arg21 : memref<!tpu.dma_semaphore, #tpu.memory_space<semaphore_mem>>)
        %add3A_745 = arith.constant 16384 : i32
        %add3A_746 = arith.addi %multiple_of3A_97, %add3A_745 : i32
        %multiple_of3A_747 = tpu.assume_multiple %add3A_746, 4096 : i32
        %dma_start3A_748 = arith.constant 16384 : i32
        %dma_start3A_749 = tpu.memref_slice %arg17[%dma_start3A_748] : memref<32768xf32, #tpu.memory_space<vmem>> -> memref<16384xf32, #tpu.memory_space<vmem>>
        %dma_start3A_750 = tpu.memref_slice %arg9[%multiple_of3A_747] : memref<1048576xf32, #tpu.memory_space<hbm>> -> memref<16384xf32, #tpu.memory_space<hbm>>
        %dma_start3A_751 = arith.constant 16384 : i32
        %dma_start3A_752 = tpu.memref_slice %arg17[%dma_start3A_751] : memref<32768xf32, #tpu.memory_space<vmem>> -> memref<16384xf32, #tpu.memory_space<vmem>>
        %dma_start3A_753 = tpu.memref_slice %arg9[%multiple_of3A_747] : memref<1048576xf32, #tpu.memory_space<hbm>> -> memref<16384xf32, #tpu.memory_space<hbm>>
        tpu.enqueue_dma source(%dma_start3A_753 : memref<16384xf32, #tpu.memory_space<hbm>>) target(%dma_start3A_752 : memref<16384xf32, #tpu.memory_space<vmem>>) target_semaphore(%arg21 : memref<!tpu.dma_semaphore, #tpu.memory_space<semaphore_mem>>)
      } else {
      }
      %convert_element_type3A_101 = arith.extui %or3A_92 : i1 to i32
      %cond3A_102 = arith.constant 0 : i32
      %cond3A_103 = arith.cmpi ne, %convert_element_type3A_101, %cond3A_102 : i32
      scf.if %cond3A_103 {
        %add3A_736 = arith.constant 0 : i32
        %add3A_737 = arith.addi %multiple_of3A_78, %add3A_736 : i32
        %multiple_of3A_738 = tpu.assume_multiple %add3A_737, 4096 : i32
        %dma_start3A_739 = arith.constant 0 : i32
        %dma_start3A_740 = tpu.memref_slice %arg17[%dma_start3A_739] : memref<32768xf32, #tpu.memory_space<vmem>> -> memref<16384xf32, #tpu.memory_space<vmem>>
        %dma_start3A_741 = tpu.memref_slice %arg3[%multiple_of3A_738] : memref<4194304xf32, #tpu.memory_space<hbm>> -> memref<16384xf32, #tpu.memory_space<hbm>>
        %dma_start3A_742 = arith.constant 0 : i32
        %dma_start3A_743 = tpu.memref_slice %arg17[%dma_start3A_742] : memref<32768xf32, #tpu.memory_space<vmem>> -> memref<16384xf32, #tpu.memory_space<vmem>>
        %dma_start3A_744 = tpu.memref_slice %arg3[%multiple_of3A_738] : memref<4194304xf32, #tpu.memory_space<hbm>> -> memref<16384xf32, #tpu.memory_space<hbm>>
        tpu.enqueue_dma source(%dma_start3A_744 : memref<16384xf32, #tpu.memory_space<hbm>>) target(%dma_start3A_743 : memref<16384xf32, #tpu.memory_space<vmem>>) target_semaphore(%arg21 : memref<!tpu.dma_semaphore, #tpu.memory_space<semaphore_mem>>)
        %add3A_745 = arith.constant 16384 : i32
        %add3A_746 = arith.addi %multiple_of3A_78, %add3A_745 : i32
        %multiple_of3A_747 = tpu.assume_multiple %add3A_746, 4096 : i32
        %dma_start3A_748 = arith.constant 16384 : i32
        %dma_start3A_749 = tpu.memref_slice %arg17[%dma_start3A_748] : memref<32768xf32, #tpu.memory_space<vmem>> -> memref<16384xf32, #tpu.memory_space<vmem>>
        %dma_start3A_750 = tpu.memref_slice %arg3[%multiple_of3A_747] : memref<4194304xf32, #tpu.memory_space<hbm>> -> memref<16384xf32, #tpu.memory_space<hbm>>
        %dma_start3A_751 = arith.constant 16384 : i32
        %dma_start3A_752 = tpu.memref_slice %arg17[%dma_start3A_751] : memref<32768xf32, #tpu.memory_space<vmem>> -> memref<16384xf32, #tpu.memory_space<vmem>>
        %dma_start3A_753 = tpu.memref_slice %arg3[%multiple_of3A_747] : memref<4194304xf32, #tpu.memory_space<hbm>> -> memref<16384xf32, #tpu.memory_space<hbm>>
        tpu.enqueue_dma source(%dma_start3A_753 : memref<16384xf32, #tpu.memory_space<hbm>>) target(%dma_start3A_752 : memref<16384xf32, #tpu.memory_space<vmem>>) target_semaphore(%arg21 : memref<!tpu.dma_semaphore, #tpu.memory_space<semaphore_mem>>)
      } else {
      }
      %convert_element_type3A_104 = arith.extui %not3A_95 : i1 to i32
      %cond3A_105 = arith.constant 0 : i32
      %cond3A_106 = arith.cmpi ne, %convert_element_type3A_104, %cond3A_105 : i32
      scf.if %cond3A_106 {
        %scan3A_736 = arith.constant 0 : i32
        %scan3A_737 = arith.constant 0 : i32
        %scan3A_738 = arith.constant 8 : i32
        %scan3A_739 = arith.addi %scan3A_737, %scan3A_738 : i32
        %scan3A_740 = arith.constant 1 : i32
        %scan3A_741 = scf.for %scan3A_743 = %scan3A_737 to %scan3A_739 step %scan3A_740 iter_args(%scan3A_744 = %scan3A_736) -> (i32)  : i32 {
          %mul3A_745 = arith.constant 4096 : i32
          %mul3A_746 = arith.muli %scan3A_743, %mul3A_745 : i32
          %add3A_747 = arith.addi %multiple_of3A_78, %mul3A_746 : i32
          %multiple_of3A_748 = tpu.assume_multiple %add3A_747, 4096 : i32
          %ge3A_749 = arith.cmpi sge, %multiple_of3A_748, %squeeze3A : i32
          %add3A_750 = arith.constant 1048576 : i32
          %add3A_751 = arith.addi %squeeze3A, %add3A_750 : i32
          %lt3A_752 = arith.cmpi slt, %multiple_of3A_748, %add3A_751 : i32
          %and3A_753 = arith.andi %ge3A_749, %lt3A_752 : i1
          %sub3A_754 = arith.subi %multiple_of3A_748, %squeeze3A : i32
          %multiple_of3A_755 = tpu.assume_multiple %sub3A_754, 4096 : i32
          %mul3A_756 = arith.constant 4096 : i32
          %mul3A_757 = arith.muli %scan3A_743, %mul3A_756 : i32
          %multiple_of3A_758 = tpu.assume_multiple %mul3A_757, 4096 : i32
          %convert_element_type3A_759 = arith.extui %and3A_753 : i1 to i32
          %cond3A_760 = arith.constant 0 : i32
          %cond3A_761 = arith.cmpi ne, %convert_element_type3A_759, %cond3A_760 : i32
          scf.if %cond3A_761 {
            %dma_start3A_768 = tpu.memref_slice %arg17[%multiple_of3A_758] : memref<32768xf32, #tpu.memory_space<vmem>> -> memref<4096xf32, #tpu.memory_space<vmem>>
            %dma_start3A_769 = tpu.memref_slice %arg9[%multiple_of3A_755] : memref<1048576xf32, #tpu.memory_space<hbm>> -> memref<4096xf32, #tpu.memory_space<hbm>>
            %dma_start3A_770 = tpu.memref_slice %arg17[%multiple_of3A_758] : memref<32768xf32, #tpu.memory_space<vmem>> -> memref<4096xf32, #tpu.memory_space<vmem>>
            %dma_start3A_771 = tpu.memref_slice %arg9[%multiple_of3A_755] : memref<1048576xf32, #tpu.memory_space<hbm>> -> memref<4096xf32, #tpu.memory_space<hbm>>
            tpu.enqueue_dma source(%dma_start3A_771 : memref<4096xf32, #tpu.memory_space<hbm>>) target(%dma_start3A_770 : memref<4096xf32, #tpu.memory_space<vmem>>) target_semaphore(%arg21 : memref<!tpu.dma_semaphore, #tpu.memory_space<semaphore_mem>>)
          } else {
          }
          %not3A_762 = arith.constant true
          %not3A_763 = arith.xori %and3A_753, %not3A_762 : i1
          %convert_element_type3A_764 = arith.extui %not3A_763 : i1 to i32
          %cond3A_765 = arith.constant 0 : i32
          %cond3A_766 = arith.cmpi ne, %convert_element_type3A_764, %cond3A_765 : i32
          scf.if %cond3A_766 {
            %dma_start3A_768 = tpu.memref_slice %arg17[%multiple_of3A_758] : memref<32768xf32, #tpu.memory_space<vmem>> -> memref<4096xf32, #tpu.memory_space<vmem>>
            %dma_start3A_769 = tpu.memref_slice %arg3[%multiple_of3A_748] : memref<4194304xf32, #tpu.memory_space<hbm>> -> memref<4096xf32, #tpu.memory_space<hbm>>
            %dma_start3A_770 = tpu.memref_slice %arg17[%multiple_of3A_758] : memref<32768xf32, #tpu.memory_space<vmem>> -> memref<4096xf32, #tpu.memory_space<vmem>>
            %dma_start3A_771 = tpu.memref_slice %arg3[%multiple_of3A_748] : memref<4194304xf32, #tpu.memory_space<hbm>> -> memref<4096xf32, #tpu.memory_space<hbm>>
            tpu.enqueue_dma source(%dma_start3A_771 : memref<4096xf32, #tpu.memory_space<hbm>>) target(%dma_start3A_770 : memref<4096xf32, #tpu.memory_space<vmem>>) target_semaphore(%arg21 : memref<!tpu.dma_semaphore, #tpu.memory_space<semaphore_mem>>)
          } else {
          }
          %scan3A_767 = arith.constant 0 : i32
          scf.yield %scan3A_767 : i32
        }
        %scan3A_742 = arith.constant 8 : i32
      } else {
      }
      %mul3A_107 = arith.constant 32 : i32
      %mul3A_108 = arith.muli %scan3A_66, %mul3A_107 : i32
      %add3A_109 = arith.addi %add3A, %mul3A_108 : i32
      %mul3A_110 = arith.constant 32768 : i32
      %mul3A_111 = arith.muli %add3A_109, %mul3A_110 : i32
      %multiple_of3A_112 = tpu.assume_multiple %mul3A_111, 32768 : i32
      %ge3A_113 = arith.cmpi sge, %multiple_of3A_112, %squeeze3A : i32
      %add3A_114 = arith.constant 32768 : i32
      %add3A_115 = arith.addi %multiple_of3A_112, %add3A_114 : i32
      %add3A_116 = arith.constant 1048576 : i32
      %add3A_117 = arith.addi %squeeze3A, %add3A_116 : i32
      %le3A_118 = arith.cmpi sle, %add3A_115, %add3A_117 : i32
      %and3A_119 = arith.andi %ge3A_113, %le3A_118 : i1
      %add3A_120 = arith.constant 32768 : i32
      %add3A_121 = arith.addi %multiple_of3A_112, %add3A_120 : i32
      %le3A_122 = arith.cmpi sle, %add3A_121, %squeeze3A : i32
      %add3A_123 = arith.constant 1048576 : i32
      %add3A_124 = arith.addi %squeeze3A, %add3A_123 : i32
      %ge3A_125 = arith.cmpi sge, %multiple_of3A_112, %add3A_124 : i32
      %or3A_126 = arith.ori %le3A_122, %ge3A_125 : i1
      %or3A_127 = arith.ori %and3A_119, %or3A_126 : i1
      %not3A_128 = arith.constant true
      %not3A_129 = arith.xori %or3A_127, %not3A_128 : i1
      %not3A_130 = arith.constant true
      %not3A_131 = arith.xori %not3A_129, %not3A_130 : i1
      %convert_element_type3A_132 = arith.extui %not3A_131 : i1 to i32
      %cond3A_133 = arith.constant 0 : i32
      %cond3A_134 = arith.cmpi ne, %convert_element_type3A_132, %cond3A_133 : i32
      scf.if %cond3A_134 {
        %dma_wait3A_736 = arith.constant 0 : i32
        %dma_wait3A_737 = tpu.memref_slice %arg16[%dma_wait3A_736] : memref<32768xf32, #tpu.memory_space<vmem>> -> memref<16384xf32, #tpu.memory_space<vmem>>
        %dma_wait3A_738 = arith.constant 0 : i32
        %dma_wait3A_739 = tpu.memref_slice %arg2[%dma_wait3A_738] : memref<4194304xf32, #tpu.memory_space<hbm>> -> memref<16384xf32, #tpu.memory_space<hbm>>
        %dma_wait3A_740 = arith.constant 0 : i32
        %dma_wait3A_741 = tpu.memref_slice %arg16[%dma_wait3A_740] : memref<32768xf32, #tpu.memory_space<vmem>> -> memref<16384xf32, #tpu.memory_space<vmem>>
        %dma_wait3A_742 = arith.constant 0 : i32
        %dma_wait3A_743 = tpu.memref_slice %arg2[%dma_wait3A_742] : memref<4194304xf32, #tpu.memory_space<hbm>> -> memref<16384xf32, #tpu.memory_space<hbm>>
        tpu.wait_dma2 semaphore(%arg20 : memref<!tpu.dma_semaphore, #tpu.memory_space<semaphore_mem>>) src(%dma_wait3A_743 : memref<16384xf32, #tpu.memory_space<hbm>>) dst(%dma_wait3A_741 : memref<16384xf32, #tpu.memory_space<vmem>>)
        %dma_wait3A_744 = arith.constant 0 : i32
        %dma_wait3A_745 = tpu.memref_slice %arg16[%dma_wait3A_744] : memref<32768xf32, #tpu.memory_space<vmem>> -> memref<16384xf32, #tpu.memory_space<vmem>>
        %dma_wait3A_746 = arith.constant 0 : i32
        %dma_wait3A_747 = tpu.memref_slice %arg2[%dma_wait3A_746] : memref<4194304xf32, #tpu.memory_space<hbm>> -> memref<16384xf32, #tpu.memory_space<hbm>>
        %dma_wait3A_748 = arith.constant 0 : i32
        %dma_wait3A_749 = tpu.memref_slice %arg16[%dma_wait3A_748] : memref<32768xf32, #tpu.memory_space<vmem>> -> memref<16384xf32, #tpu.memory_space<vmem>>
        %dma_wait3A_750 = arith.constant 0 : i32
        %dma_wait3A_751 = tpu.memref_slice %arg2[%dma_wait3A_750] : memref<4194304xf32, #tpu.memory_space<hbm>> -> memref<16384xf32, #tpu.memory_space<hbm>>
        tpu.wait_dma2 semaphore(%arg20 : memref<!tpu.dma_semaphore, #tpu.memory_space<semaphore_mem>>) src(%dma_wait3A_751 : memref<16384xf32, #tpu.memory_space<hbm>>) dst(%dma_wait3A_749 : memref<16384xf32, #tpu.memory_space<vmem>>)
      } else {
      }
      %convert_element_type3A_135 = arith.extui %not3A_129 : i1 to i32
      %cond3A_136 = arith.constant 0 : i32
      %cond3A_137 = arith.cmpi ne, %convert_element_type3A_135, %cond3A_136 : i32
      scf.if %cond3A_137 {
        %scan3A_736 = arith.constant 0 : i32
        %scan3A_737 = arith.constant 0 : i32
        %scan3A_738 = arith.constant 8 : i32
        %scan3A_739 = arith.addi %scan3A_737, %scan3A_738 : i32
        %scan3A_740 = arith.constant 1 : i32
        %scan3A_741 = scf.for %scan3A_743 = %scan3A_737 to %scan3A_739 step %scan3A_740 iter_args(%scan3A_744 = %scan3A_736) -> (i32)  : i32 {
          %dma_wait3A_745 = arith.constant 0 : i32
          %dma_wait3A_746 = tpu.memref_slice %arg16[%dma_wait3A_745] : memref<32768xf32, #tpu.memory_space<vmem>> -> memref<4096xf32, #tpu.memory_space<vmem>>
          %dma_wait3A_747 = arith.constant 0 : i32
          %dma_wait3A_748 = tpu.memref_slice %arg2[%dma_wait3A_747] : memref<4194304xf32, #tpu.memory_space<hbm>> -> memref<4096xf32, #tpu.memory_space<hbm>>
          %dma_wait3A_749 = arith.constant 0 : i32
          %dma_wait3A_750 = tpu.memref_slice %arg16[%dma_wait3A_749] : memref<32768xf32, #tpu.memory_space<vmem>> -> memref<4096xf32, #tpu.memory_space<vmem>>
          %dma_wait3A_751 = arith.constant 0 : i32
          %dma_wait3A_752 = tpu.memref_slice %arg2[%dma_wait3A_751] : memref<4194304xf32, #tpu.memory_space<hbm>> -> memref<4096xf32, #tpu.memory_space<hbm>>
          tpu.wait_dma2 semaphore(%arg20 : memref<!tpu.dma_semaphore, #tpu.memory_space<semaphore_mem>>) src(%dma_wait3A_752 : memref<4096xf32, #tpu.memory_space<hbm>>) dst(%dma_wait3A_750 : memref<4096xf32, #tpu.memory_space<vmem>>)
          %scan3A_753 = arith.constant 0 : i32
          scf.yield %scan3A_753 : i32
        }
        %scan3A_742 = arith.constant 8 : i32
      } else {
      }
      %mul3A_138 = arith.constant 32 : i32
      %mul3A_139 = arith.muli %scan3A_66, %mul3A_138 : i32
      %add3A_140 = arith.addi %add3A, %mul3A_139 : i32
      %mul3A_141 = arith.constant 32768 : i32
      %mul3A_142 = arith.muli %add3A_140, %mul3A_141 : i32
      %multiple_of3A_143 = tpu.assume_multiple %mul3A_142, 32768 : i32
      %add3A_144 = arith.constant 0 : i32
      %add3A_145 = arith.addi %multiple_of3A_143, %add3A_144 : i32
      %multiple_of3A_146 = tpu.assume_multiple %add3A_145, 4096 : i32
      %dma_start3A = arith.constant 0 : i32
      %dma_start3A_147 = arith.constant 0 : i32
      %dma_start3A_148 = tpu.memref_slice %arg16[%dma_start3A_147] : memref<32768xf32, #tpu.memory_space<vmem>> -> memref<16384xf32, #tpu.memory_space<vmem>>
      %dma_start3A_149 = tpu.memref_slice %arg15[%dma_start3A, %multiple_of3A_146] : memref<6x4194304xf32, #tpu.memory_space<hbm>> -> memref<1x16384xf32, #tpu.memory_space<hbm>>
      %dma_start3A_150 = tpu.memref_squeeze %dma_start3A_149 : memref<1x16384xf32, #tpu.memory_space<hbm>> -> memref<16384xf32, #tpu.memory_space<hbm>>
      %dma_start3A_151 = tpu.memref_slice %arg15[%dma_start3A, %multiple_of3A_146] : memref<6x4194304xf32, #tpu.memory_space<hbm>> -> memref<1x16384xf32, #tpu.memory_space<hbm>>
      %dma_start3A_152 = tpu.memref_squeeze %dma_start3A_151 : memref<1x16384xf32, #tpu.memory_space<hbm>> -> memref<16384xf32, #tpu.memory_space<hbm>>
      %dma_start3A_153 = arith.constant 0 : i32
      %dma_start3A_154 = tpu.memref_slice %arg16[%dma_start3A_153] : memref<32768xf32, #tpu.memory_space<vmem>> -> memref<16384xf32, #tpu.memory_space<vmem>>
      tpu.enqueue_dma source(%dma_start3A_154 : memref<16384xf32, #tpu.memory_space<vmem>>) target(%dma_start3A_152 : memref<16384xf32, #tpu.memory_space<hbm>>) target_semaphore(%arg23 : memref<!tpu.dma_semaphore, #tpu.memory_space<semaphore_mem>>)
      %add3A_155 = arith.constant 16384 : i32
      %add3A_156 = arith.addi %multiple_of3A_143, %add3A_155 : i32
      %multiple_of3A_157 = tpu.assume_multiple %add3A_156, 4096 : i32
      %dma_start3A_158 = arith.constant 0 : i32
      %dma_start3A_159 = arith.constant 16384 : i32
      %dma_start3A_160 = tpu.memref_slice %arg16[%dma_start3A_159] : memref<32768xf32, #tpu.memory_space<vmem>> -> memref<16384xf32, #tpu.memory_space<vmem>>
      %dma_start3A_161 = tpu.memref_slice %arg15[%dma_start3A_158, %multiple_of3A_157] : memref<6x4194304xf32, #tpu.memory_space<hbm>> -> memref<1x16384xf32, #tpu.memory_space<hbm>>
      %dma_start3A_162 = tpu.memref_squeeze %dma_start3A_161 : memref<1x16384xf32, #tpu.memory_space<hbm>> -> memref<16384xf32, #tpu.memory_space<hbm>>
      %dma_start3A_163 = tpu.memref_slice %arg15[%dma_start3A_158, %multiple_of3A_157] : memref<6x4194304xf32, #tpu.memory_space<hbm>> -> memref<1x16384xf32, #tpu.memory_space<hbm>>
      %dma_start3A_164 = tpu.memref_squeeze %dma_start3A_163 : memref<1x16384xf32, #tpu.memory_space<hbm>> -> memref<16384xf32, #tpu.memory_space<hbm>>
      %dma_start3A_165 = arith.constant 16384 : i32
      %dma_start3A_166 = tpu.memref_slice %arg16[%dma_start3A_165] : memref<32768xf32, #tpu.memory_space<vmem>> -> memref<16384xf32, #tpu.memory_space<vmem>>
      tpu.enqueue_dma source(%dma_start3A_166 : memref<16384xf32, #tpu.memory_space<vmem>>) target(%dma_start3A_164 : memref<16384xf32, #tpu.memory_space<hbm>>) target_semaphore(%arg23 : memref<!tpu.dma_semaphore, #tpu.memory_space<semaphore_mem>>)
      %ge3A_167 = arith.constant 1 : i32
      %ge3A_168 = arith.cmpi sge, %scan3A_66, %ge3A_167 : i32
      %convert_element_type3A_169 = arith.extui %ge3A_168 : i1 to i32
      %cond3A_170 = arith.constant 0 : i32
      %cond3A_171 = arith.cmpi ne, %convert_element_type3A_169, %cond3A_170 : i32
      scf.if %cond3A_171 {
        %dma_wait3A_736 = arith.constant 0 : i32
        %dma_wait3A_737 = tpu.memref_slice %arg18[%dma_wait3A_736] : memref<32768xf32, #tpu.memory_space<vmem>> -> memref<16384xf32, #tpu.memory_space<vmem>>
        %dma_wait3A_738 = arith.constant 0 : i32
        %dma_wait3A_739 = tpu.memref_slice %arg2[%dma_wait3A_738] : memref<4194304xf32, #tpu.memory_space<hbm>> -> memref<16384xf32, #tpu.memory_space<hbm>>
        %dma_wait3A_740 = arith.constant 0 : i32
        %dma_wait3A_741 = tpu.memref_slice %arg18[%dma_wait3A_740] : memref<32768xf32, #tpu.memory_space<vmem>> -> memref<16384xf32, #tpu.memory_space<vmem>>
        %dma_wait3A_742 = arith.constant 0 : i32
        %dma_wait3A_743 = tpu.memref_slice %arg2[%dma_wait3A_742] : memref<4194304xf32, #tpu.memory_space<hbm>> -> memref<16384xf32, #tpu.memory_space<hbm>>
        tpu.wait_dma2 semaphore(%arg25 : memref<!tpu.dma_semaphore, #tpu.memory_space<semaphore_mem>>) src(%dma_wait3A_743 : memref<16384xf32, #tpu.memory_space<hbm>>) dst(%dma_wait3A_741 : memref<16384xf32, #tpu.memory_space<vmem>>)
        %dma_wait3A_744 = arith.constant 0 : i32
        %dma_wait3A_745 = tpu.memref_slice %arg18[%dma_wait3A_744] : memref<32768xf32, #tpu.memory_space<vmem>> -> memref<16384xf32, #tpu.memory_space<vmem>>
        %dma_wait3A_746 = arith.constant 0 : i32
        %dma_wait3A_747 = tpu.memref_slice %arg2[%dma_wait3A_746] : memref<4194304xf32, #tpu.memory_space<hbm>> -> memref<16384xf32, #tpu.memory_space<hbm>>
        %dma_wait3A_748 = arith.constant 0 : i32
        %dma_wait3A_749 = tpu.memref_slice %arg18[%dma_wait3A_748] : memref<32768xf32, #tpu.memory_space<vmem>> -> memref<16384xf32, #tpu.memory_space<vmem>>
        %dma_wait3A_750 = arith.constant 0 : i32
        %dma_wait3A_751 = tpu.memref_slice %arg2[%dma_wait3A_750] : memref<4194304xf32, #tpu.memory_space<hbm>> -> memref<16384xf32, #tpu.memory_space<hbm>>
        tpu.wait_dma2 semaphore(%arg25 : memref<!tpu.dma_semaphore, #tpu.memory_space<semaphore_mem>>) src(%dma_wait3A_751 : memref<16384xf32, #tpu.memory_space<hbm>>) dst(%dma_wait3A_749 : memref<16384xf32, #tpu.memory_space<vmem>>)
      } else {
      }
      %mul3A_172 = arith.constant 32 : i32
      %mul3A_173 = arith.muli %scan3A_66, %mul3A_172 : i32
      %add3A_174 = arith.addi %add3A, %mul3A_173 : i32
      %mul3A_175 = arith.constant 32768 : i32
      %mul3A_176 = arith.muli %add3A_174, %mul3A_175 : i32
      %multiple_of3A_177 = tpu.assume_multiple %mul3A_176, 32768 : i32
      %ge3A_178 = arith.cmpi sge, %multiple_of3A_177, %squeeze3A : i32
      %add3A_179 = arith.constant 32768 : i32
      %add3A_180 = arith.addi %multiple_of3A_177, %add3A_179 : i32
      %add3A_181 = arith.constant 1048576 : i32
      %add3A_182 = arith.addi %squeeze3A, %add3A_181 : i32
      %le3A_183 = arith.cmpi sle, %add3A_180, %add3A_182 : i32
      %and3A_184 = arith.andi %ge3A_178, %le3A_183 : i1
      %add3A_185 = arith.constant 32768 : i32
      %add3A_186 = arith.addi %multiple_of3A_177, %add3A_185 : i32
      %le3A_187 = arith.cmpi sle, %add3A_186, %squeeze3A : i32
      %add3A_188 = arith.constant 1048576 : i32
      %add3A_189 = arith.addi %squeeze3A, %add3A_188 : i32
      %ge3A_190 = arith.cmpi sge, %multiple_of3A_177, %add3A_189 : i32
      %or3A_191 = arith.ori %le3A_187, %ge3A_190 : i1
      %or3A_192 = arith.ori %and3A_184, %or3A_191 : i1
      %not3A_193 = arith.constant true
      %not3A_194 = arith.xori %or3A_192, %not3A_193 : i1
      %sub3A_195 = arith.subi %multiple_of3A_177, %squeeze3A : i32
      %multiple_of3A_196 = tpu.assume_multiple %sub3A_195, 4096 : i32
      %convert_element_type3A_197 = arith.extui %and3A_184 : i1 to i32
      %cond3A_198 = arith.constant 0 : i32
      %cond3A_199 = arith.cmpi ne, %convert_element_type3A_197, %cond3A_198 : i32
      scf.if %cond3A_199 {
        %add3A_736 = arith.constant 0 : i32
        %add3A_737 = arith.addi %multiple_of3A_196, %add3A_736 : i32
        %multiple_of3A_738 = tpu.assume_multiple %add3A_737, 4096 : i32
        %dma_start3A_739 = arith.constant 0 : i32
        %dma_start3A_740 = tpu.memref_slice %arg18[%dma_start3A_739] : memref<32768xf32, #tpu.memory_space<vmem>> -> memref<16384xf32, #tpu.memory_space<vmem>>
        %dma_start3A_741 = tpu.memref_slice %arg10[%multiple_of3A_738] : memref<1048576xf32, #tpu.memory_space<hbm>> -> memref<16384xf32, #tpu.memory_space<hbm>>
        %dma_start3A_742 = arith.constant 0 : i32
        %dma_start3A_743 = tpu.memref_slice %arg18[%dma_start3A_742] : memref<32768xf32, #tpu.memory_space<vmem>> -> memref<16384xf32, #tpu.memory_space<vmem>>
        %dma_start3A_744 = tpu.memref_slice %arg10[%multiple_of3A_738] : memref<1048576xf32, #tpu.memory_space<hbm>> -> memref<16384xf32, #tpu.memory_space<hbm>>
        tpu.enqueue_dma source(%dma_start3A_744 : memref<16384xf32, #tpu.memory_space<hbm>>) target(%dma_start3A_743 : memref<16384xf32, #tpu.memory_space<vmem>>) target_semaphore(%arg22 : memref<!tpu.dma_semaphore, #tpu.memory_space<semaphore_mem>>)
        %add3A_745 = arith.constant 16384 : i32
        %add3A_746 = arith.addi %multiple_of3A_196, %add3A_745 : i32
        %multiple_of3A_747 = tpu.assume_multiple %add3A_746, 4096 : i32
        %dma_start3A_748 = arith.constant 16384 : i32
        %dma_start3A_749 = tpu.memref_slice %arg18[%dma_start3A_748] : memref<32768xf32, #tpu.memory_space<vmem>> -> memref<16384xf32, #tpu.memory_space<vmem>>
        %dma_start3A_750 = tpu.memref_slice %arg10[%multiple_of3A_747] : memref<1048576xf32, #tpu.memory_space<hbm>> -> memref<16384xf32, #tpu.memory_space<hbm>>
        %dma_start3A_751 = arith.constant 16384 : i32
        %dma_start3A_752 = tpu.memref_slice %arg18[%dma_start3A_751] : memref<32768xf32, #tpu.memory_space<vmem>> -> memref<16384xf32, #tpu.memory_space<vmem>>
        %dma_start3A_753 = tpu.memref_slice %arg10[%multiple_of3A_747] : memref<1048576xf32, #tpu.memory_space<hbm>> -> memref<16384xf32, #tpu.memory_space<hbm>>
        tpu.enqueue_dma source(%dma_start3A_753 : memref<16384xf32, #tpu.memory_space<hbm>>) target(%dma_start3A_752 : memref<16384xf32, #tpu.memory_space<vmem>>) target_semaphore(%arg22 : memref<!tpu.dma_semaphore, #tpu.memory_space<semaphore_mem>>)
      } else {
      }
      %convert_element_type3A_200 = arith.extui %or3A_191 : i1 to i32
      %cond3A_201 = arith.constant 0 : i32
      %cond3A_202 = arith.cmpi ne, %convert_element_type3A_200, %cond3A_201 : i32
      scf.if %cond3A_202 {
        %add3A_736 = arith.constant 0 : i32
        %add3A_737 = arith.addi %multiple_of3A_177, %add3A_736 : i32
        %multiple_of3A_738 = tpu.assume_multiple %add3A_737, 4096 : i32
        %dma_start3A_739 = arith.constant 0 : i32
        %dma_start3A_740 = tpu.memref_slice %arg18[%dma_start3A_739] : memref<32768xf32, #tpu.memory_space<vmem>> -> memref<16384xf32, #tpu.memory_space<vmem>>
        %dma_start3A_741 = tpu.memref_slice %arg4[%multiple_of3A_738] : memref<4194304xf32, #tpu.memory_space<hbm>> -> memref<16384xf32, #tpu.memory_space<hbm>>
        %dma_start3A_742 = arith.constant 0 : i32
        %dma_start3A_743 = tpu.memref_slice %arg18[%dma_start3A_742] : memref<32768xf32, #tpu.memory_space<vmem>> -> memref<16384xf32, #tpu.memory_space<vmem>>
        %dma_start3A_744 = tpu.memref_slice %arg4[%multiple_of3A_738] : memref<4194304xf32, #tpu.memory_space<hbm>> -> memref<16384xf32, #tpu.memory_space<hbm>>
        tpu.enqueue_dma source(%dma_start3A_744 : memref<16384xf32, #tpu.memory_space<hbm>>) target(%dma_start3A_743 : memref<16384xf32, #tpu.memory_space<vmem>>) target_semaphore(%arg22 : memref<!tpu.dma_semaphore, #tpu.memory_space<semaphore_mem>>)
        %add3A_745 = arith.constant 16384 : i32
        %add3A_746 = arith.addi %multiple_of3A_177, %add3A_745 : i32
        %multiple_of3A_747 = tpu.assume_multiple %add3A_746, 4096 : i32
        %dma_start3A_748 = arith.constant 16384 : i32
        %dma_start3A_749 = tpu.memref_slice %arg18[%dma_start3A_748] : memref<32768xf32, #tpu.memory_space<vmem>> -> memref<16384xf32, #tpu.memory_space<vmem>>
        %dma_start3A_750 = tpu.memref_slice %arg4[%multiple_of3A_747] : memref<4194304xf32, #tpu.memory_space<hbm>> -> memref<16384xf32, #tpu.memory_space<hbm>>
        %dma_start3A_751 = arith.constant 16384 : i32
        %dma_start3A_752 = tpu.memref_slice %arg18[%dma_start3A_751] : memref<32768xf32, #tpu.memory_space<vmem>> -> memref<16384xf32, #tpu.memory_space<vmem>>
        %dma_start3A_753 = tpu.memref_slice %arg4[%multiple_of3A_747] : memref<4194304xf32, #tpu.memory_space<hbm>> -> memref<16384xf32, #tpu.memory_space<hbm>>
        tpu.enqueue_dma source(%dma_start3A_753 : memref<16384xf32, #tpu.memory_space<hbm>>) target(%dma_start3A_752 : memref<16384xf32, #tpu.memory_space<vmem>>) target_semaphore(%arg22 : memref<!tpu.dma_semaphore, #tpu.memory_space<semaphore_mem>>)
      } else {
      }
      %convert_element_type3A_203 = arith.extui %not3A_194 : i1 to i32
      %cond3A_204 = arith.constant 0 : i32
      %cond3A_205 = arith.cmpi ne, %convert_element_type3A_203, %cond3A_204 : i32
      scf.if %cond3A_205 {
        %scan3A_736 = arith.constant 0 : i32
        %scan3A_737 = arith.constant 0 : i32
        %scan3A_738 = arith.constant 8 : i32
        %scan3A_739 = arith.addi %scan3A_737, %scan3A_738 : i32
        %scan3A_740 = arith.constant 1 : i32
        %scan3A_741 = scf.for %scan3A_743 = %scan3A_737 to %scan3A_739 step %scan3A_740 iter_args(%scan3A_744 = %scan3A_736) -> (i32)  : i32 {
          %mul3A_745 = arith.constant 4096 : i32
          %mul3A_746 = arith.muli %scan3A_743, %mul3A_745 : i32
          %add3A_747 = arith.addi %multiple_of3A_177, %mul3A_746 : i32
          %multiple_of3A_748 = tpu.assume_multiple %add3A_747, 4096 : i32
          %ge3A_749 = arith.cmpi sge, %multiple_of3A_748, %squeeze3A : i32
          %add3A_750 = arith.constant 1048576 : i32
          %add3A_751 = arith.addi %squeeze3A, %add3A_750 : i32
          %lt3A_752 = arith.cmpi slt, %multiple_of3A_748, %add3A_751 : i32
          %and3A_753 = arith.andi %ge3A_749, %lt3A_752 : i1
          %sub3A_754 = arith.subi %multiple_of3A_748, %squeeze3A : i32
          %multiple_of3A_755 = tpu.assume_multiple %sub3A_754, 4096 : i32
          %mul3A_756 = arith.constant 4096 : i32
          %mul3A_757 = arith.muli %scan3A_743, %mul3A_756 : i32
          %multiple_of3A_758 = tpu.assume_multiple %mul3A_757, 4096 : i32
          %convert_element_type3A_759 = arith.extui %and3A_753 : i1 to i32
          %cond3A_760 = arith.constant 0 : i32
          %cond3A_761 = arith.cmpi ne, %convert_element_type3A_759, %cond3A_760 : i32
          scf.if %cond3A_761 {
            %dma_start3A_768 = tpu.memref_slice %arg18[%multiple_of3A_758] : memref<32768xf32, #tpu.memory_space<vmem>> -> memref<4096xf32, #tpu.memory_space<vmem>>
            %dma_start3A_769 = tpu.memref_slice %arg10[%multiple_of3A_755] : memref<1048576xf32, #tpu.memory_space<hbm>> -> memref<4096xf32, #tpu.memory_space<hbm>>
            %dma_start3A_770 = tpu.memref_slice %arg18[%multiple_of3A_758] : memref<32768xf32, #tpu.memory_space<vmem>> -> memref<4096xf32, #tpu.memory_space<vmem>>
            %dma_start3A_771 = tpu.memref_slice %arg10[%multiple_of3A_755] : memref<1048576xf32, #tpu.memory_space<hbm>> -> memref<4096xf32, #tpu.memory_space<hbm>>
            tpu.enqueue_dma source(%dma_start3A_771 : memref<4096xf32, #tpu.memory_space<hbm>>) target(%dma_start3A_770 : memref<4096xf32, #tpu.memory_space<vmem>>) target_semaphore(%arg22 : memref<!tpu.dma_semaphore, #tpu.memory_space<semaphore_mem>>)
          } else {
          }
          %not3A_762 = arith.constant true
          %not3A_763 = arith.xori %and3A_753, %not3A_762 : i1
          %convert_element_type3A_764 = arith.extui %not3A_763 : i1 to i32
          %cond3A_765 = arith.constant 0 : i32
          %cond3A_766 = arith.cmpi ne, %convert_element_type3A_764, %cond3A_765 : i32
          scf.if %cond3A_766 {
            %dma_start3A_768 = tpu.memref_slice %arg18[%multiple_of3A_758] : memref<32768xf32, #tpu.memory_space<vmem>> -> memref<4096xf32, #tpu.memory_space<vmem>>
            %dma_start3A_769 = tpu.memref_slice %arg4[%multiple_of3A_748] : memref<4194304xf32, #tpu.memory_space<hbm>> -> memref<4096xf32, #tpu.memory_space<hbm>>
            %dma_start3A_770 = tpu.memref_slice %arg18[%multiple_of3A_758] : memref<32768xf32, #tpu.memory_space<vmem>> -> memref<4096xf32, #tpu.memory_space<vmem>>
            %dma_start3A_771 = tpu.memref_slice %arg4[%multiple_of3A_748] : memref<4194304xf32, #tpu.memory_space<hbm>> -> memref<4096xf32, #tpu.memory_space<hbm>>
            tpu.enqueue_dma source(%dma_start3A_771 : memref<4096xf32, #tpu.memory_space<hbm>>) target(%dma_start3A_770 : memref<4096xf32, #tpu.memory_space<vmem>>) target_semaphore(%arg22 : memref<!tpu.dma_semaphore, #tpu.memory_space<semaphore_mem>>)
          } else {
          }
          %scan3A_767 = arith.constant 0 : i32
          scf.yield %scan3A_767 : i32
        }
        %scan3A_742 = arith.constant 8 : i32
      } else {
      }
      %mul3A_206 = arith.constant 32 : i32
      %mul3A_207 = arith.muli %scan3A_66, %mul3A_206 : i32
      %add3A_208 = arith.addi %add3A, %mul3A_207 : i32
      %mul3A_209 = arith.constant 32768 : i32
      %mul3A_210 = arith.muli %add3A_208, %mul3A_209 : i32
      %multiple_of3A_211 = tpu.assume_multiple %mul3A_210, 32768 : i32
      %ge3A_212 = arith.cmpi sge, %multiple_of3A_211, %squeeze3A : i32
      %add3A_213 = arith.constant 32768 : i32
      %add3A_214 = arith.addi %multiple_of3A_211, %add3A_213 : i32
      %add3A_215 = arith.constant 1048576 : i32
      %add3A_216 = arith.addi %squeeze3A, %add3A_215 : i32
      %le3A_217 = arith.cmpi sle, %add3A_214, %add3A_216 : i32
      %and3A_218 = arith.andi %ge3A_212, %le3A_217 : i1
      %add3A_219 = arith.constant 32768 : i32
      %add3A_220 = arith.addi %multiple_of3A_211, %add3A_219 : i32
      %le3A_221 = arith.cmpi sle, %add3A_220, %squeeze3A : i32
      %add3A_222 = arith.constant 1048576 : i32
      %add3A_223 = arith.addi %squeeze3A, %add3A_222 : i32
      %ge3A_224 = arith.cmpi sge, %multiple_of3A_211, %add3A_223 : i32
      %or3A_225 = arith.ori %le3A_221, %ge3A_224 : i1
      %or3A_226 = arith.ori %and3A_218, %or3A_225 : i1
      %not3A_227 = arith.constant true
      %not3A_228 = arith.xori %or3A_226, %not3A_227 : i1
      %not3A_229 = arith.constant true
      %not3A_230 = arith.xori %not3A_228, %not3A_229 : i1
      %convert_element_type3A_231 = arith.extui %not3A_230 : i1 to i32
      %cond3A_232 = arith.constant 0 : i32
      %cond3A_233 = arith.cmpi ne, %convert_element_type3A_231, %cond3A_232 : i32
      scf.if %cond3A_233 {
        %dma_wait3A_736 = arith.constant 0 : i32
        %dma_wait3A_737 = tpu.memref_slice %arg17[%dma_wait3A_736] : memref<32768xf32, #tpu.memory_space<vmem>> -> memref<16384xf32, #tpu.memory_space<vmem>>
        %dma_wait3A_738 = arith.constant 0 : i32
        %dma_wait3A_739 = tpu.memref_slice %arg2[%dma_wait3A_738] : memref<4194304xf32, #tpu.memory_space<hbm>> -> memref<16384xf32, #tpu.memory_space<hbm>>
        %dma_wait3A_740 = arith.constant 0 : i32
        %dma_wait3A_741 = tpu.memref_slice %arg17[%dma_wait3A_740] : memref<32768xf32, #tpu.memory_space<vmem>> -> memref<16384xf32, #tpu.memory_space<vmem>>
        %dma_wait3A_742 = arith.constant 0 : i32
        %dma_wait3A_743 = tpu.memref_slice %arg2[%dma_wait3A_742] : memref<4194304xf32, #tpu.memory_space<hbm>> -> memref<16384xf32, #tpu.memory_space<hbm>>
        tpu.wait_dma2 semaphore(%arg21 : memref<!tpu.dma_semaphore, #tpu.memory_space<semaphore_mem>>) src(%dma_wait3A_743 : memref<16384xf32, #tpu.memory_space<hbm>>) dst(%dma_wait3A_741 : memref<16384xf32, #tpu.memory_space<vmem>>)
        %dma_wait3A_744 = arith.constant 0 : i32
        %dma_wait3A_745 = tpu.memref_slice %arg17[%dma_wait3A_744] : memref<32768xf32, #tpu.memory_space<vmem>> -> memref<16384xf32, #tpu.memory_space<vmem>>
        %dma_wait3A_746 = arith.constant 0 : i32
        %dma_wait3A_747 = tpu.memref_slice %arg2[%dma_wait3A_746] : memref<4194304xf32, #tpu.memory_space<hbm>> -> memref<16384xf32, #tpu.memory_space<hbm>>
        %dma_wait3A_748 = arith.constant 0 : i32
        %dma_wait3A_749 = tpu.memref_slice %arg17[%dma_wait3A_748] : memref<32768xf32, #tpu.memory_space<vmem>> -> memref<16384xf32, #tpu.memory_space<vmem>>
        %dma_wait3A_750 = arith.constant 0 : i32
        %dma_wait3A_751 = tpu.memref_slice %arg2[%dma_wait3A_750] : memref<4194304xf32, #tpu.memory_space<hbm>> -> memref<16384xf32, #tpu.memory_space<hbm>>
        tpu.wait_dma2 semaphore(%arg21 : memref<!tpu.dma_semaphore, #tpu.memory_space<semaphore_mem>>) src(%dma_wait3A_751 : memref<16384xf32, #tpu.memory_space<hbm>>) dst(%dma_wait3A_749 : memref<16384xf32, #tpu.memory_space<vmem>>)
      } else {
      }
      %convert_element_type3A_234 = arith.extui %not3A_228 : i1 to i32
      %cond3A_235 = arith.constant 0 : i32
      %cond3A_236 = arith.cmpi ne, %convert_element_type3A_234, %cond3A_235 : i32
      scf.if %cond3A_236 {
        %scan3A_736 = arith.constant 0 : i32
        %scan3A_737 = arith.constant 0 : i32
        %scan3A_738 = arith.constant 8 : i32
        %scan3A_739 = arith.addi %scan3A_737, %scan3A_738 : i32
        %scan3A_740 = arith.constant 1 : i32
        %scan3A_741 = scf.for %scan3A_743 = %scan3A_737 to %scan3A_739 step %scan3A_740 iter_args(%scan3A_744 = %scan3A_736) -> (i32)  : i32 {
          %dma_wait3A_745 = arith.constant 0 : i32
          %dma_wait3A_746 = tpu.memref_slice %arg17[%dma_wait3A_745] : memref<32768xf32, #tpu.memory_space<vmem>> -> memref<4096xf32, #tpu.memory_space<vmem>>
          %dma_wait3A_747 = arith.constant 0 : i32
          %dma_wait3A_748 = tpu.memref_slice %arg2[%dma_wait3A_747] : memref<4194304xf32, #tpu.memory_space<hbm>> -> memref<4096xf32, #tpu.memory_space<hbm>>
          %dma_wait3A_749 = arith.constant 0 : i32
          %dma_wait3A_750 = tpu.memref_slice %arg17[%dma_wait3A_749] : memref<32768xf32, #tpu.memory_space<vmem>> -> memref<4096xf32, #tpu.memory_space<vmem>>
          %dma_wait3A_751 = arith.constant 0 : i32
          %dma_wait3A_752 = tpu.memref_slice %arg2[%dma_wait3A_751] : memref<4194304xf32, #tpu.memory_space<hbm>> -> memref<4096xf32, #tpu.memory_space<hbm>>
          tpu.wait_dma2 semaphore(%arg21 : memref<!tpu.dma_semaphore, #tpu.memory_space<semaphore_mem>>) src(%dma_wait3A_752 : memref<4096xf32, #tpu.memory_space<hbm>>) dst(%dma_wait3A_750 : memref<4096xf32, #tpu.memory_space<vmem>>)
          %scan3A_753 = arith.constant 0 : i32
          scf.yield %scan3A_753 : i32
        }
        %scan3A_742 = arith.constant 8 : i32
      } else {
      }
      %mul3A_237 = arith.constant 32 : i32
      %mul3A_238 = arith.muli %scan3A_66, %mul3A_237 : i32
      %add3A_239 = arith.addi %add3A, %mul3A_238 : i32
      %mul3A_240 = arith.constant 32768 : i32
      %mul3A_241 = arith.muli %add3A_239, %mul3A_240 : i32
      %multiple_of3A_242 = tpu.assume_multiple %mul3A_241, 32768 : i32
      %add3A_243 = arith.constant 0 : i32
      %add3A_244 = arith.addi %multiple_of3A_242, %add3A_243 : i32
      %multiple_of3A_245 = tpu.assume_multiple %add3A_244, 4096 : i32
      %dma_start3A_246 = arith.constant 1 : i32
      %dma_start3A_247 = arith.constant 0 : i32
      %dma_start3A_248 = tpu.memref_slice %arg17[%dma_start3A_247] : memref<32768xf32, #tpu.memory_space<vmem>> -> memref<16384xf32, #tpu.memory_space<vmem>>
      %dma_start3A_249 = tpu.memref_slice %arg15[%dma_start3A_246, %multiple_of3A_245] : memref<6x4194304xf32, #tpu.memory_space<hbm>> -> memref<1x16384xf32, #tpu.memory_space<hbm>>
      %dma_start3A_250 = tpu.memref_squeeze %dma_start3A_249 : memref<1x16384xf32, #tpu.memory_space<hbm>> -> memref<16384xf32, #tpu.memory_space<hbm>>
      %dma_start3A_251 = tpu.memref_slice %arg15[%dma_start3A_246, %multiple_of3A_245] : memref<6x4194304xf32, #tpu.memory_space<hbm>> -> memref<1x16384xf32, #tpu.memory_space<hbm>>
      %dma_start3A_252 = tpu.memref_squeeze %dma_start3A_251 : memref<1x16384xf32, #tpu.memory_space<hbm>> -> memref<16384xf32, #tpu.memory_space<hbm>>
      %dma_start3A_253 = arith.constant 0 : i32
      %dma_start3A_254 = tpu.memref_slice %arg17[%dma_start3A_253] : memref<32768xf32, #tpu.memory_space<vmem>> -> memref<16384xf32, #tpu.memory_space<vmem>>
      tpu.enqueue_dma source(%dma_start3A_254 : memref<16384xf32, #tpu.memory_space<vmem>>) target(%dma_start3A_252 : memref<16384xf32, #tpu.memory_space<hbm>>) target_semaphore(%arg24 : memref<!tpu.dma_semaphore, #tpu.memory_space<semaphore_mem>>)
      %add3A_255 = arith.constant 16384 : i32
      %add3A_256 = arith.addi %multiple_of3A_242, %add3A_255 : i32
      %multiple_of3A_257 = tpu.assume_multiple %add3A_256, 4096 : i32
      %dma_start3A_258 = arith.constant 1 : i32
      %dma_start3A_259 = arith.constant 16384 : i32
      %dma_start3A_260 = tpu.memref_slice %arg17[%dma_start3A_259] : memref<32768xf32, #tpu.memory_space<vmem>> -> memref<16384xf32, #tpu.memory_space<vmem>>
      %dma_start3A_261 = tpu.memref_slice %arg15[%dma_start3A_258, %multiple_of3A_257] : memref<6x4194304xf32, #tpu.memory_space<hbm>> -> memref<1x16384xf32, #tpu.memory_space<hbm>>
      %dma_start3A_262 = tpu.memref_squeeze %dma_start3A_261 : memref<1x16384xf32, #tpu.memory_space<hbm>> -> memref<16384xf32, #tpu.memory_space<hbm>>
      %dma_start3A_263 = tpu.memref_slice %arg15[%dma_start3A_258, %multiple_of3A_257] : memref<6x4194304xf32, #tpu.memory_space<hbm>> -> memref<1x16384xf32, #tpu.memory_space<hbm>>
      %dma_start3A_264 = tpu.memref_squeeze %dma_start3A_263 : memref<1x16384xf32, #tpu.memory_space<hbm>> -> memref<16384xf32, #tpu.memory_space<hbm>>
      %dma_start3A_265 = arith.constant 16384 : i32
      %dma_start3A_266 = tpu.memref_slice %arg17[%dma_start3A_265] : memref<32768xf32, #tpu.memory_space<vmem>> -> memref<16384xf32, #tpu.memory_space<vmem>>
      tpu.enqueue_dma source(%dma_start3A_266 : memref<16384xf32, #tpu.memory_space<vmem>>) target(%dma_start3A_264 : memref<16384xf32, #tpu.memory_space<hbm>>) target_semaphore(%arg24 : memref<!tpu.dma_semaphore, #tpu.memory_space<semaphore_mem>>)
      %dma_wait3A_267 = arith.constant 0 : i32
      %dma_wait3A_268 = tpu.memref_slice %arg16[%dma_wait3A_267] : memref<32768xf32, #tpu.memory_space<vmem>> -> memref<16384xf32, #tpu.memory_space<vmem>>
      %dma_wait3A_269 = arith.constant 0 : i32
      %dma_wait3A_270 = tpu.memref_slice %arg2[%dma_wait3A_269] : memref<4194304xf32, #tpu.memory_space<hbm>> -> memref<16384xf32, #tpu.memory_space<hbm>>
      %dma_wait3A_271 = arith.constant 0 : i32
      %dma_wait3A_272 = tpu.memref_slice %arg16[%dma_wait3A_271] : memref<32768xf32, #tpu.memory_space<vmem>> -> memref<16384xf32, #tpu.memory_space<vmem>>
      %dma_wait3A_273 = arith.constant 0 : i32
      %dma_wait3A_274 = tpu.memref_slice %arg2[%dma_wait3A_273] : memref<4194304xf32, #tpu.memory_space<hbm>> -> memref<16384xf32, #tpu.memory_space<hbm>>
      tpu.wait_dma2 semaphore(%arg23 : memref<!tpu.dma_semaphore, #tpu.memory_space<semaphore_mem>>) src(%dma_wait3A_274 : memref<16384xf32, #tpu.memory_space<hbm>>) dst(%dma_wait3A_272 : memref<16384xf32, #tpu.memory_space<vmem>>)
      %dma_wait3A_275 = arith.constant 0 : i32
      %dma_wait3A_276 = tpu.memref_slice %arg16[%dma_wait3A_275] : memref<32768xf32, #tpu.memory_space<vmem>> -> memref<16384xf32, #tpu.memory_space<vmem>>
      %dma_wait3A_277 = arith.constant 0 : i32
      %dma_wait3A_278 = tpu.memref_slice %arg2[%dma_wait3A_277] : memref<4194304xf32, #tpu.memory_space<hbm>> -> memref<16384xf32, #tpu.memory_space<hbm>>
      %dma_wait3A_279 = arith.constant 0 : i32
      %dma_wait3A_280 = tpu.memref_slice %arg16[%dma_wait3A_279] : memref<32768xf32, #tpu.memory_space<vmem>> -> memref<16384xf32, #tpu.memory_space<vmem>>
      %dma_wait3A_281 = arith.constant 0 : i32
      %dma_wait3A_282 = tpu.memref_slice %arg2[%dma_wait3A_281] : memref<4194304xf32, #tpu.memory_space<hbm>> -> memref<16384xf32, #tpu.memory_space<hbm>>
      tpu.wait_dma2 semaphore(%arg23 : memref<!tpu.dma_semaphore, #tpu.memory_space<semaphore_mem>>) src(%dma_wait3A_282 : memref<16384xf32, #tpu.memory_space<hbm>>) dst(%dma_wait3A_280 : memref<16384xf32, #tpu.memory_space<vmem>>)
      %mul3A_283 = arith.constant 32 : i32
      %mul3A_284 = arith.muli %scan3A_66, %mul3A_283 : i32
      %add3A_285 = arith.addi %add3A, %mul3A_284 : i32
      %mul3A_286 = arith.constant 32768 : i32
      %mul3A_287 = arith.muli %add3A_285, %mul3A_286 : i32
      %multiple_of3A_288 = tpu.assume_multiple %mul3A_287, 32768 : i32
      %ge3A_289 = arith.cmpi sge, %multiple_of3A_288, %squeeze3A : i32
      %add3A_290 = arith.constant 32768 : i32
      %add3A_291 = arith.addi %multiple_of3A_288, %add3A_290 : i32
      %add3A_292 = arith.constant 1048576 : i32
      %add3A_293 = arith.addi %squeeze3A, %add3A_292 : i32
      %le3A_294 = arith.cmpi sle, %add3A_291, %add3A_293 : i32
      %and3A_295 = arith.andi %ge3A_289, %le3A_294 : i1
      %add3A_296 = arith.constant 32768 : i32
      %add3A_297 = arith.addi %multiple_of3A_288, %add3A_296 : i32
      %le3A_298 = arith.cmpi sle, %add3A_297, %squeeze3A : i32
      %add3A_299 = arith.constant 1048576 : i32
      %add3A_300 = arith.addi %squeeze3A, %add3A_299 : i32
      %ge3A_301 = arith.cmpi sge, %multiple_of3A_288, %add3A_300 : i32
      %or3A_302 = arith.ori %le3A_298, %ge3A_301 : i1
      %or3A_303 = arith.ori %and3A_295, %or3A_302 : i1
      %not3A_304 = arith.constant true
      %not3A_305 = arith.xori %or3A_303, %not3A_304 : i1
      %sub3A_306 = arith.subi %multiple_of3A_288, %squeeze3A : i32
      %multiple_of3A_307 = tpu.assume_multiple %sub3A_306, 4096 : i32
      %convert_element_type3A_308 = arith.extui %and3A_295 : i1 to i32
      %cond3A_309 = arith.constant 0 : i32
      %cond3A_310 = arith.cmpi ne, %convert_element_type3A_308, %cond3A_309 : i32
      scf.if %cond3A_310 {
        %add3A_736 = arith.constant 0 : i32
        %add3A_737 = arith.addi %multiple_of3A_307, %add3A_736 : i32
        %multiple_of3A_738 = tpu.assume_multiple %add3A_737, 4096 : i32
        %dma_start3A_739 = arith.constant 0 : i32
        %dma_start3A_740 = tpu.memref_slice %arg16[%dma_start3A_739] : memref<32768xf32, #tpu.memory_space<vmem>> -> memref<16384xf32, #tpu.memory_space<vmem>>
        %dma_start3A_741 = tpu.memref_slice %arg11[%multiple_of3A_738] : memref<1048576xf32, #tpu.memory_space<hbm>> -> memref<16384xf32, #tpu.memory_space<hbm>>
        %dma_start3A_742 = arith.constant 0 : i32
        %dma_start3A_743 = tpu.memref_slice %arg16[%dma_start3A_742] : memref<32768xf32, #tpu.memory_space<vmem>> -> memref<16384xf32, #tpu.memory_space<vmem>>
        %dma_start3A_744 = tpu.memref_slice %arg11[%multiple_of3A_738] : memref<1048576xf32, #tpu.memory_space<hbm>> -> memref<16384xf32, #tpu.memory_space<hbm>>
        tpu.enqueue_dma source(%dma_start3A_744 : memref<16384xf32, #tpu.memory_space<hbm>>) target(%dma_start3A_743 : memref<16384xf32, #tpu.memory_space<vmem>>) target_semaphore(%arg20 : memref<!tpu.dma_semaphore, #tpu.memory_space<semaphore_mem>>)
        %add3A_745 = arith.constant 16384 : i32
        %add3A_746 = arith.addi %multiple_of3A_307, %add3A_745 : i32
        %multiple_of3A_747 = tpu.assume_multiple %add3A_746, 4096 : i32
        %dma_start3A_748 = arith.constant 16384 : i32
        %dma_start3A_749 = tpu.memref_slice %arg16[%dma_start3A_748] : memref<32768xf32, #tpu.memory_space<vmem>> -> memref<16384xf32, #tpu.memory_space<vmem>>
        %dma_start3A_750 = tpu.memref_slice %arg11[%multiple_of3A_747] : memref<1048576xf32, #tpu.memory_space<hbm>> -> memref<16384xf32, #tpu.memory_space<hbm>>
        %dma_start3A_751 = arith.constant 16384 : i32
        %dma_start3A_752 = tpu.memref_slice %arg16[%dma_start3A_751] : memref<32768xf32, #tpu.memory_space<vmem>> -> memref<16384xf32, #tpu.memory_space<vmem>>
        %dma_start3A_753 = tpu.memref_slice %arg11[%multiple_of3A_747] : memref<1048576xf32, #tpu.memory_space<hbm>> -> memref<16384xf32, #tpu.memory_space<hbm>>
        tpu.enqueue_dma source(%dma_start3A_753 : memref<16384xf32, #tpu.memory_space<hbm>>) target(%dma_start3A_752 : memref<16384xf32, #tpu.memory_space<vmem>>) target_semaphore(%arg20 : memref<!tpu.dma_semaphore, #tpu.memory_space<semaphore_mem>>)
      } else {
      }
      %convert_element_type3A_311 = arith.extui %or3A_302 : i1 to i32
      %cond3A_312 = arith.constant 0 : i32
      %cond3A_313 = arith.cmpi ne, %convert_element_type3A_311, %cond3A_312 : i32
      scf.if %cond3A_313 {
        %add3A_736 = arith.constant 0 : i32
        %add3A_737 = arith.addi %multiple_of3A_288, %add3A_736 : i32
        %multiple_of3A_738 = tpu.assume_multiple %add3A_737, 4096 : i32
        %dma_start3A_739 = arith.constant 0 : i32
        %dma_start3A_740 = tpu.memref_slice %arg16[%dma_start3A_739] : memref<32768xf32, #tpu.memory_space<vmem>> -> memref<16384xf32, #tpu.memory_space<vmem>>
        %dma_start3A_741 = tpu.memref_slice %arg5[%multiple_of3A_738] : memref<4194304xf32, #tpu.memory_space<hbm>> -> memref<16384xf32, #tpu.memory_space<hbm>>
        %dma_start3A_742 = arith.constant 0 : i32
        %dma_start3A_743 = tpu.memref_slice %arg16[%dma_start3A_742] : memref<32768xf32, #tpu.memory_space<vmem>> -> memref<16384xf32, #tpu.memory_space<vmem>>
        %dma_start3A_744 = tpu.memref_slice %arg5[%multiple_of3A_738] : memref<4194304xf32, #tpu.memory_space<hbm>> -> memref<16384xf32, #tpu.memory_space<hbm>>
        tpu.enqueue_dma source(%dma_start3A_744 : memref<16384xf32, #tpu.memory_space<hbm>>) target(%dma_start3A_743 : memref<16384xf32, #tpu.memory_space<vmem>>) target_semaphore(%arg20 : memref<!tpu.dma_semaphore, #tpu.memory_space<semaphore_mem>>)
        %add3A_745 = arith.constant 16384 : i32
        %add3A_746 = arith.addi %multiple_of3A_288, %add3A_745 : i32
        %multiple_of3A_747 = tpu.assume_multiple %add3A_746, 4096 : i32
        %dma_start3A_748 = arith.constant 16384 : i32
        %dma_start3A_749 = tpu.memref_slice %arg16[%dma_start3A_748] : memref<32768xf32, #tpu.memory_space<vmem>> -> memref<16384xf32, #tpu.memory_space<vmem>>
        %dma_start3A_750 = tpu.memref_slice %arg5[%multiple_of3A_747] : memref<4194304xf32, #tpu.memory_space<hbm>> -> memref<16384xf32, #tpu.memory_space<hbm>>
        %dma_start3A_751 = arith.constant 16384 : i32
        %dma_start3A_752 = tpu.memref_slice %arg16[%dma_start3A_751] : memref<32768xf32, #tpu.memory_space<vmem>> -> memref<16384xf32, #tpu.memory_space<vmem>>
        %dma_start3A_753 = tpu.memref_slice %arg5[%multiple_of3A_747] : memref<4194304xf32, #tpu.memory_space<hbm>> -> memref<16384xf32, #tpu.memory_space<hbm>>
        tpu.enqueue_dma source(%dma_start3A_753 : memref<16384xf32, #tpu.memory_space<hbm>>) target(%dma_start3A_752 : memref<16384xf32, #tpu.memory_space<vmem>>) target_semaphore(%arg20 : memref<!tpu.dma_semaphore, #tpu.memory_space<semaphore_mem>>)
      } else {
      }
      %convert_element_type3A_314 = arith.extui %not3A_305 : i1 to i32
      %cond3A_315 = arith.constant 0 : i32
      %cond3A_316 = arith.cmpi ne, %convert_element_type3A_314, %cond3A_315 : i32
      scf.if %cond3A_316 {
        %scan3A_736 = arith.constant 0 : i32
        %scan3A_737 = arith.constant 0 : i32
        %scan3A_738 = arith.constant 8 : i32
        %scan3A_739 = arith.addi %scan3A_737, %scan3A_738 : i32
        %scan3A_740 = arith.constant 1 : i32
        %scan3A_741 = scf.for %scan3A_743 = %scan3A_737 to %scan3A_739 step %scan3A_740 iter_args(%scan3A_744 = %scan3A_736) -> (i32)  : i32 {
          %mul3A_745 = arith.constant 4096 : i32
          %mul3A_746 = arith.muli %scan3A_743, %mul3A_745 : i32
          %add3A_747 = arith.addi %multiple_of3A_288, %mul3A_746 : i32
          %multiple_of3A_748 = tpu.assume_multiple %add3A_747, 4096 : i32
          %ge3A_749 = arith.cmpi sge, %multiple_of3A_748, %squeeze3A : i32
          %add3A_750 = arith.constant 1048576 : i32
          %add3A_751 = arith.addi %squeeze3A, %add3A_750 : i32
          %lt3A_752 = arith.cmpi slt, %multiple_of3A_748, %add3A_751 : i32
          %and3A_753 = arith.andi %ge3A_749, %lt3A_752 : i1
          %sub3A_754 = arith.subi %multiple_of3A_748, %squeeze3A : i32
          %multiple_of3A_755 = tpu.assume_multiple %sub3A_754, 4096 : i32
          %mul3A_756 = arith.constant 4096 : i32
          %mul3A_757 = arith.muli %scan3A_743, %mul3A_756 : i32
          %multiple_of3A_758 = tpu.assume_multiple %mul3A_757, 4096 : i32
          %convert_element_type3A_759 = arith.extui %and3A_753 : i1 to i32
          %cond3A_760 = arith.constant 0 : i32
          %cond3A_761 = arith.cmpi ne, %convert_element_type3A_759, %cond3A_760 : i32
          scf.if %cond3A_761 {
            %dma_start3A_768 = tpu.memref_slice %arg16[%multiple_of3A_758] : memref<32768xf32, #tpu.memory_space<vmem>> -> memref<4096xf32, #tpu.memory_space<vmem>>
            %dma_start3A_769 = tpu.memref_slice %arg11[%multiple_of3A_755] : memref<1048576xf32, #tpu.memory_space<hbm>> -> memref<4096xf32, #tpu.memory_space<hbm>>
            %dma_start3A_770 = tpu.memref_slice %arg16[%multiple_of3A_758] : memref<32768xf32, #tpu.memory_space<vmem>> -> memref<4096xf32, #tpu.memory_space<vmem>>
            %dma_start3A_771 = tpu.memref_slice %arg11[%multiple_of3A_755] : memref<1048576xf32, #tpu.memory_space<hbm>> -> memref<4096xf32, #tpu.memory_space<hbm>>
            tpu.enqueue_dma source(%dma_start3A_771 : memref<4096xf32, #tpu.memory_space<hbm>>) target(%dma_start3A_770 : memref<4096xf32, #tpu.memory_space<vmem>>) target_semaphore(%arg20 : memref<!tpu.dma_semaphore, #tpu.memory_space<semaphore_mem>>)
          } else {
          }
          %not3A_762 = arith.constant true
          %not3A_763 = arith.xori %and3A_753, %not3A_762 : i1
          %convert_element_type3A_764 = arith.extui %not3A_763 : i1 to i32
          %cond3A_765 = arith.constant 0 : i32
          %cond3A_766 = arith.cmpi ne, %convert_element_type3A_764, %cond3A_765 : i32
          scf.if %cond3A_766 {
            %dma_start3A_768 = tpu.memref_slice %arg16[%multiple_of3A_758] : memref<32768xf32, #tpu.memory_space<vmem>> -> memref<4096xf32, #tpu.memory_space<vmem>>
            %dma_start3A_769 = tpu.memref_slice %arg5[%multiple_of3A_748] : memref<4194304xf32, #tpu.memory_space<hbm>> -> memref<4096xf32, #tpu.memory_space<hbm>>
            %dma_start3A_770 = tpu.memref_slice %arg16[%multiple_of3A_758] : memref<32768xf32, #tpu.memory_space<vmem>> -> memref<4096xf32, #tpu.memory_space<vmem>>
            %dma_start3A_771 = tpu.memref_slice %arg5[%multiple_of3A_748] : memref<4194304xf32, #tpu.memory_space<hbm>> -> memref<4096xf32, #tpu.memory_space<hbm>>
            tpu.enqueue_dma source(%dma_start3A_771 : memref<4096xf32, #tpu.memory_space<hbm>>) target(%dma_start3A_770 : memref<4096xf32, #tpu.memory_space<vmem>>) target_semaphore(%arg20 : memref<!tpu.dma_semaphore, #tpu.memory_space<semaphore_mem>>)
          } else {
          }
          %scan3A_767 = arith.constant 0 : i32
          scf.yield %scan3A_767 : i32
        }
        %scan3A_742 = arith.constant 8 : i32
      } else {
      }
      %mul3A_317 = arith.constant 32 : i32
      %mul3A_318 = arith.muli %scan3A_66, %mul3A_317 : i32
      %add3A_319 = arith.addi %add3A, %mul3A_318 : i32
      %mul3A_320 = arith.constant 32768 : i32
      %mul3A_321 = arith.muli %add3A_319, %mul3A_320 : i32
      %multiple_of3A_322 = tpu.assume_multiple %mul3A_321, 32768 : i32
      %ge3A_323 = arith.cmpi sge, %multiple_of3A_322, %squeeze3A : i32
      %add3A_324 = arith.constant 32768 : i32
      %add3A_325 = arith.addi %multiple_of3A_322, %add3A_324 : i32
      %add3A_326 = arith.constant 1048576 : i32
      %add3A_327 = arith.addi %squeeze3A, %add3A_326 : i32
      %le3A_328 = arith.cmpi sle, %add3A_325, %add3A_327 : i32
      %and3A_329 = arith.andi %ge3A_323, %le3A_328 : i1
      %add3A_330 = arith.constant 32768 : i32
      %add3A_331 = arith.addi %multiple_of3A_322, %add3A_330 : i32
      %le3A_332 = arith.cmpi sle, %add3A_331, %squeeze3A : i32
      %add3A_333 = arith.constant 1048576 : i32
      %add3A_334 = arith.addi %squeeze3A, %add3A_333 : i32
      %ge3A_335 = arith.cmpi sge, %multiple_of3A_322, %add3A_334 : i32
      %or3A_336 = arith.ori %le3A_332, %ge3A_335 : i1
      %or3A_337 = arith.ori %and3A_329, %or3A_336 : i1
      %not3A_338 = arith.constant true
      %not3A_339 = arith.xori %or3A_337, %not3A_338 : i1
      %not3A_340 = arith.constant true
      %not3A_341 = arith.xori %not3A_339, %not3A_340 : i1
      %convert_element_type3A_342 = arith.extui %not3A_341 : i1 to i32
      %cond3A_343 = arith.constant 0 : i32
      %cond3A_344 = arith.cmpi ne, %convert_element_type3A_342, %cond3A_343 : i32
      scf.if %cond3A_344 {
        %dma_wait3A_736 = arith.constant 0 : i32
        %dma_wait3A_737 = tpu.memref_slice %arg18[%dma_wait3A_736] : memref<32768xf32, #tpu.memory_space<vmem>> -> memref<16384xf32, #tpu.memory_space<vmem>>
        %dma_wait3A_738 = arith.constant 0 : i32
        %dma_wait3A_739 = tpu.memref_slice %arg2[%dma_wait3A_738] : memref<4194304xf32, #tpu.memory_space<hbm>> -> memref<16384xf32, #tpu.memory_space<hbm>>
        %dma_wait3A_740 = arith.constant 0 : i32
        %dma_wait3A_741 = tpu.memref_slice %arg18[%dma_wait3A_740] : memref<32768xf32, #tpu.memory_space<vmem>> -> memref<16384xf32, #tpu.memory_space<vmem>>
        %dma_wait3A_742 = arith.constant 0 : i32
        %dma_wait3A_743 = tpu.memref_slice %arg2[%dma_wait3A_742] : memref<4194304xf32, #tpu.memory_space<hbm>> -> memref<16384xf32, #tpu.memory_space<hbm>>
        tpu.wait_dma2 semaphore(%arg22 : memref<!tpu.dma_semaphore, #tpu.memory_space<semaphore_mem>>) src(%dma_wait3A_743 : memref<16384xf32, #tpu.memory_space<hbm>>) dst(%dma_wait3A_741 : memref<16384xf32, #tpu.memory_space<vmem>>)
        %dma_wait3A_744 = arith.constant 0 : i32
        %dma_wait3A_745 = tpu.memref_slice %arg18[%dma_wait3A_744] : memref<32768xf32, #tpu.memory_space<vmem>> -> memref<16384xf32, #tpu.memory_space<vmem>>
        %dma_wait3A_746 = arith.constant 0 : i32
        %dma_wait3A_747 = tpu.memref_slice %arg2[%dma_wait3A_746] : memref<4194304xf32, #tpu.memory_space<hbm>> -> memref<16384xf32, #tpu.memory_space<hbm>>
        %dma_wait3A_748 = arith.constant 0 : i32
        %dma_wait3A_749 = tpu.memref_slice %arg18[%dma_wait3A_748] : memref<32768xf32, #tpu.memory_space<vmem>> -> memref<16384xf32, #tpu.memory_space<vmem>>
        %dma_wait3A_750 = arith.constant 0 : i32
        %dma_wait3A_751 = tpu.memref_slice %arg2[%dma_wait3A_750] : memref<4194304xf32, #tpu.memory_space<hbm>> -> memref<16384xf32, #tpu.memory_space<hbm>>
        tpu.wait_dma2 semaphore(%arg22 : memref<!tpu.dma_semaphore, #tpu.memory_space<semaphore_mem>>) src(%dma_wait3A_751 : memref<16384xf32, #tpu.memory_space<hbm>>) dst(%dma_wait3A_749 : memref<16384xf32, #tpu.memory_space<vmem>>)
      } else {
      }
      %convert_element_type3A_345 = arith.extui %not3A_339 : i1 to i32
      %cond3A_346 = arith.constant 0 : i32
      %cond3A_347 = arith.cmpi ne, %convert_element_type3A_345, %cond3A_346 : i32
      scf.if %cond3A_347 {
        %scan3A_736 = arith.constant 0 : i32
        %scan3A_737 = arith.constant 0 : i32
        %scan3A_738 = arith.constant 8 : i32
        %scan3A_739 = arith.addi %scan3A_737, %scan3A_738 : i32
        %scan3A_740 = arith.constant 1 : i32
        %scan3A_741 = scf.for %scan3A_743 = %scan3A_737 to %scan3A_739 step %scan3A_740 iter_args(%scan3A_744 = %scan3A_736) -> (i32)  : i32 {
          %dma_wait3A_745 = arith.constant 0 : i32
          %dma_wait3A_746 = tpu.memref_slice %arg18[%dma_wait3A_745] : memref<32768xf32, #tpu.memory_space<vmem>> -> memref<4096xf32, #tpu.memory_space<vmem>>
          %dma_wait3A_747 = arith.constant 0 : i32
          %dma_wait3A_748 = tpu.memref_slice %arg2[%dma_wait3A_747] : memref<4194304xf32, #tpu.memory_space<hbm>> -> memref<4096xf32, #tpu.memory_space<hbm>>
          %dma_wait3A_749 = arith.constant 0 : i32
          %dma_wait3A_750 = tpu.memref_slice %arg18[%dma_wait3A_749] : memref<32768xf32, #tpu.memory_space<vmem>> -> memref<4096xf32, #tpu.memory_space<vmem>>
          %dma_wait3A_751 = arith.constant 0 : i32
          %dma_wait3A_752 = tpu.memref_slice %arg2[%dma_wait3A_751] : memref<4194304xf32, #tpu.memory_space<hbm>> -> memref<4096xf32, #tpu.memory_space<hbm>>
          tpu.wait_dma2 semaphore(%arg22 : memref<!tpu.dma_semaphore, #tpu.memory_space<semaphore_mem>>) src(%dma_wait3A_752 : memref<4096xf32, #tpu.memory_space<hbm>>) dst(%dma_wait3A_750 : memref<4096xf32, #tpu.memory_space<vmem>>)
          %scan3A_753 = arith.constant 0 : i32
          scf.yield %scan3A_753 : i32
        }
        %scan3A_742 = arith.constant 8 : i32
      } else {
      }
      %mul3A_348 = arith.constant 32 : i32
      %mul3A_349 = arith.muli %scan3A_66, %mul3A_348 : i32
      %add3A_350 = arith.addi %add3A, %mul3A_349 : i32
      %mul3A_351 = arith.constant 32768 : i32
      %mul3A_352 = arith.muli %add3A_350, %mul3A_351 : i32
      %multiple_of3A_353 = tpu.assume_multiple %mul3A_352, 32768 : i32
      %scan3A_354 = arith.constant 0 : i32
      %scan3A_355 = arith.constant 0 : i32
      %scan3A_356 = arith.constant 8 : i32
      %scan3A_357 = arith.addi %scan3A_355, %scan3A_356 : i32
      %scan3A_358 = arith.constant 1 : i32
      %scan3A_359 = scf.for %scan3A_736 = %scan3A_355 to %scan3A_357 step %scan3A_358 iter_args(%scan3A_737 = %scan3A_354) -> (i32)  : i32 {
        %mul3A_738 = arith.constant 4096 : i32
        %mul3A_739 = arith.muli %scan3A_736, %mul3A_738 : i32
        %add3A_740 = arith.addi %multiple_of3A_353, %mul3A_739 : i32
        %ge3A_741 = arith.cmpi sge, %add3A_740, %squeeze3A : i32
        %add3A_742 = arith.constant 1048576 : i32
        %add3A_743 = arith.addi %squeeze3A, %add3A_742 : i32
        %lt3A_744 = arith.cmpi slt, %add3A_740, %add3A_743 : i32
        %and3A_745 = arith.andi %ge3A_741, %lt3A_744 : i1
        %mul3A_746 = arith.constant 4096 : i32
        %mul3A_747 = arith.muli %scan3A_736, %mul3A_746 : i32
        %multiple_of3A_748 = tpu.assume_multiple %mul3A_747, 4096 : i32
        %convert_element_type3A_749 = arith.extui %and3A_745 : i1 to i32
        %cond3A_750 = arith.constant 0 : i32
        %cond3A_751 = arith.cmpi ne, %convert_element_type3A_749, %cond3A_750 : i32
        scf.if %cond3A_751 {
          %parallel_loop3A = arith.constant 0 : i32
          %parallel_loop3A_753 = arith.constant 4096 : i32
          %parallel_loop3A_754 = arith.constant 16 : i32
          scf.for %parallel_loop3A_755 = %parallel_loop3A to %parallel_loop3A_753 step %parallel_loop3A_754  : i32 {
            %parallel_loop3A_756 = arith.addi %multiple_of3A_748, %parallel_loop3A_755 : i32
            %parallel_loop3A_757 = arith.index_cast %parallel_loop3A_756 : i32 to index
            %parallel_loop3A_758 = tpu.vector_load %arg18[%parallel_loop3A_757] {strides = array<i32>} : memref<32768xf32, #tpu.memory_space<vmem>>, vector<16xf32>,
            %parallel_loop3A_759 = vector.shape_cast %parallel_loop3A_758 : vector<16xf32> to vector<16xf32>
            %parallel_loop3A_760 = arith.constant 1.000000e-03 : f32
            %parallel_loop3A_761 = vector.broadcast %parallel_loop3A_760 : f32 to vector<16xf32>
            %parallel_loop3A_762 = arith.maximumf %parallel_loop3A_759, %parallel_loop3A_761 : vector<16xf32>
            %parallel_loop3A_763 = arith.constant 9.990000e-01 : f32
            %parallel_loop3A_764 = vector.broadcast %parallel_loop3A_763 : f32 to vector<16xf32>
            %parallel_loop3A_765 = arith.minimumf %parallel_loop3A_762, %parallel_loop3A_764 : vector<16xf32>
            %parallel_loop3A_766 = arith.index_cast %parallel_loop3A_756 : i32 to index
            %parallel_loop3A_767 = tpu.vector_load %arg18[%parallel_loop3A_766] {strides = array<i32>} : memref<32768xf32, #tpu.memory_space<vmem>>, vector<16xf32>,
            %parallel_loop3A_768 = vector.shape_cast %parallel_loop3A_767 : vector<16xf32> to vector<16xf32>
            %parallel_loop3A_769 = vector.shape_cast %parallel_loop3A_765 : vector<16xf32> to vector<16xf32>
            tpu.vector_store %arg18[%parallel_loop3A_766], %parallel_loop3A_769 {strides = array<i32>} : memref<32768xf32, #tpu.memory_space<vmem>>, vector<16xf32>,
          } {sc.loop_unroll_factor = 8 : i64, sc.parallel_access}
        } else {
        }
        %scan3A_752 = arith.constant 0 : i32
        scf.yield %scan3A_752 : i32
      }
      %scan3A_360 = arith.constant 8 : i32
      %mul3A_361 = arith.constant 32 : i32
      %mul3A_362 = arith.muli %scan3A_66, %mul3A_361 : i32
      %add3A_363 = arith.addi %add3A, %mul3A_362 : i32
      %mul3A_364 = arith.constant 32768 : i32
      %mul3A_365 = arith.muli %add3A_363, %mul3A_364 : i32
      %multiple_of3A_366 = tpu.assume_multiple %mul3A_365, 32768 : i32
      %add3A_367 = arith.constant 0 : i32
      %add3A_368 = arith.addi %multiple_of3A_366, %add3A_367 : i32
      %multiple_of3A_369 = tpu.assume_multiple %add3A_368, 4096 : i32
      %dma_start3A_370 = arith.constant 2 : i32
      %dma_start3A_371 = arith.constant 0 : i32
      %dma_start3A_372 = tpu.memref_slice %arg18[%dma_start3A_371] : memref<32768xf32, #tpu.memory_space<vmem>> -> memref<16384xf32, #tpu.memory_space<vmem>>
      %dma_start3A_373 = tpu.memref_slice %arg15[%dma_start3A_370, %multiple_of3A_369] : memref<6x4194304xf32, #tpu.memory_space<hbm>> -> memref<1x16384xf32, #tpu.memory_space<hbm>>
      %dma_start3A_374 = tpu.memref_squeeze %dma_start3A_373 : memref<1x16384xf32, #tpu.memory_space<hbm>> -> memref<16384xf32, #tpu.memory_space<hbm>>
      %dma_start3A_375 = tpu.memref_slice %arg15[%dma_start3A_370, %multiple_of3A_369] : memref<6x4194304xf32, #tpu.memory_space<hbm>> -> memref<1x16384xf32, #tpu.memory_space<hbm>>
      %dma_start3A_376 = tpu.memref_squeeze %dma_start3A_375 : memref<1x16384xf32, #tpu.memory_space<hbm>> -> memref<16384xf32, #tpu.memory_space<hbm>>
      %dma_start3A_377 = arith.constant 0 : i32
      %dma_start3A_378 = tpu.memref_slice %arg18[%dma_start3A_377] : memref<32768xf32, #tpu.memory_space<vmem>> -> memref<16384xf32, #tpu.memory_space<vmem>>
      tpu.enqueue_dma source(%dma_start3A_378 : memref<16384xf32, #tpu.memory_space<vmem>>) target(%dma_start3A_376 : memref<16384xf32, #tpu.memory_space<hbm>>) target_semaphore(%arg25 : memref<!tpu.dma_semaphore, #tpu.memory_space<semaphore_mem>>)
      %add3A_379 = arith.constant 16384 : i32
      %add3A_380 = arith.addi %multiple_of3A_366, %add3A_379 : i32
      %multiple_of3A_381 = tpu.assume_multiple %add3A_380, 4096 : i32
      %dma_start3A_382 = arith.constant 2 : i32
      %dma_start3A_383 = arith.constant 16384 : i32
      %dma_start3A_384 = tpu.memref_slice %arg18[%dma_start3A_383] : memref<32768xf32, #tpu.memory_space<vmem>> -> memref<16384xf32, #tpu.memory_space<vmem>>
      %dma_start3A_385 = tpu.memref_slice %arg15[%dma_start3A_382, %multiple_of3A_381] : memref<6x4194304xf32, #tpu.memory_space<hbm>> -> memref<1x16384xf32, #tpu.memory_space<hbm>>
      %dma_start3A_386 = tpu.memref_squeeze %dma_start3A_385 : memref<1x16384xf32, #tpu.memory_space<hbm>> -> memref<16384xf32, #tpu.memory_space<hbm>>
      %dma_start3A_387 = tpu.memref_slice %arg15[%dma_start3A_382, %multiple_of3A_381] : memref<6x4194304xf32, #tpu.memory_space<hbm>> -> memref<1x16384xf32, #tpu.memory_space<hbm>>
      %dma_start3A_388 = tpu.memref_squeeze %dma_start3A_387 : memref<1x16384xf32, #tpu.memory_space<hbm>> -> memref<16384xf32, #tpu.memory_space<hbm>>
      %dma_start3A_389 = arith.constant 16384 : i32
      %dma_start3A_390 = tpu.memref_slice %arg18[%dma_start3A_389] : memref<32768xf32, #tpu.memory_space<vmem>> -> memref<16384xf32, #tpu.memory_space<vmem>>
      tpu.enqueue_dma source(%dma_start3A_390 : memref<16384xf32, #tpu.memory_space<vmem>>) target(%dma_start3A_388 : memref<16384xf32, #tpu.memory_space<hbm>>) target_semaphore(%arg25 : memref<!tpu.dma_semaphore, #tpu.memory_space<semaphore_mem>>)
      %dma_wait3A_391 = arith.constant 0 : i32
      %dma_wait3A_392 = tpu.memref_slice %arg17[%dma_wait3A_391] : memref<32768xf32, #tpu.memory_space<vmem>> -> memref<16384xf32, #tpu.memory_space<vmem>>
      %dma_wait3A_393 = arith.constant 0 : i32
      %dma_wait3A_394 = tpu.memref_slice %arg2[%dma_wait3A_393] : memref<4194304xf32, #tpu.memory_space<hbm>> -> memref<16384xf32, #tpu.memory_space<hbm>>
      %dma_wait3A_395 = arith.constant 0 : i32
      %dma_wait3A_396 = tpu.memref_slice %arg17[%dma_wait3A_395] : memref<32768xf32, #tpu.memory_space<vmem>> -> memref<16384xf32, #tpu.memory_space<vmem>>
      %dma_wait3A_397 = arith.constant 0 : i32
      %dma_wait3A_398 = tpu.memref_slice %arg2[%dma_wait3A_397] : memref<4194304xf32, #tpu.memory_space<hbm>> -> memref<16384xf32, #tpu.memory_space<hbm>>
      tpu.wait_dma2 semaphore(%arg24 : memref<!tpu.dma_semaphore, #tpu.memory_space<semaphore_mem>>) src(%dma_wait3A_398 : memref<16384xf32, #tpu.memory_space<hbm>>) dst(%dma_wait3A_396 : memref<16384xf32, #tpu.memory_space<vmem>>)
      %dma_wait3A_399 = arith.constant 0 : i32
      %dma_wait3A_400 = tpu.memref_slice %arg17[%dma_wait3A_399] : memref<32768xf32, #tpu.memory_space<vmem>> -> memref<16384xf32, #tpu.memory_space<vmem>>
      %dma_wait3A_401 = arith.constant 0 : i32
      %dma_wait3A_402 = tpu.memref_slice %arg2[%dma_wait3A_401] : memref<4194304xf32, #tpu.memory_space<hbm>> -> memref<16384xf32, #tpu.memory_space<hbm>>
      %dma_wait3A_403 = arith.constant 0 : i32
      %dma_wait3A_404 = tpu.memref_slice %arg17[%dma_wait3A_403] : memref<32768xf32, #tpu.memory_space<vmem>> -> memref<16384xf32, #tpu.memory_space<vmem>>
      %dma_wait3A_405 = arith.constant 0 : i32
      %dma_wait3A_406 = tpu.memref_slice %arg2[%dma_wait3A_405] : memref<4194304xf32, #tpu.memory_space<hbm>> -> memref<16384xf32, #tpu.memory_space<hbm>>
      tpu.wait_dma2 semaphore(%arg24 : memref<!tpu.dma_semaphore, #tpu.memory_space<semaphore_mem>>) src(%dma_wait3A_406 : memref<16384xf32, #tpu.memory_space<hbm>>) dst(%dma_wait3A_404 : memref<16384xf32, #tpu.memory_space<vmem>>)
      %mul3A_407 = arith.constant 32 : i32
      %mul3A_408 = arith.muli %scan3A_66, %mul3A_407 : i32
      %add3A_409 = arith.addi %add3A, %mul3A_408 : i32
      %mul3A_410 = arith.constant 32768 : i32
      %mul3A_411 = arith.muli %add3A_409, %mul3A_410 : i32
      %multiple_of3A_412 = tpu.assume_multiple %mul3A_411, 32768 : i32
      %ge3A_413 = arith.cmpi sge, %multiple_of3A_412, %squeeze3A : i32
      %add3A_414 = arith.constant 32768 : i32
      %add3A_415 = arith.addi %multiple_of3A_412, %add3A_414 : i32
      %add3A_416 = arith.constant 1048576 : i32
      %add3A_417 = arith.addi %squeeze3A, %add3A_416 : i32
      %le3A_418 = arith.cmpi sle, %add3A_415, %add3A_417 : i32
      %and3A_419 = arith.andi %ge3A_413, %le3A_418 : i1
      %add3A_420 = arith.constant 32768 : i32
      %add3A_421 = arith.addi %multiple_of3A_412, %add3A_420 : i32
      %le3A_422 = arith.cmpi sle, %add3A_421, %squeeze3A : i32
      %add3A_423 = arith.constant 1048576 : i32
      %add3A_424 = arith.addi %squeeze3A, %add3A_423 : i32
      %ge3A_425 = arith.cmpi sge, %multiple_of3A_412, %add3A_424 : i32
      %or3A_426 = arith.ori %le3A_422, %ge3A_425 : i1
      %or3A_427 = arith.ori %and3A_419, %or3A_426 : i1
      %not3A_428 = arith.constant true
      %not3A_429 = arith.xori %or3A_427, %not3A_428 : i1
      %sub3A_430 = arith.subi %multiple_of3A_412, %squeeze3A : i32
      %multiple_of3A_431 = tpu.assume_multiple %sub3A_430, 4096 : i32
      %convert_element_type3A_432 = arith.extui %and3A_419 : i1 to i32
      %cond3A_433 = arith.constant 0 : i32
      %cond3A_434 = arith.cmpi ne, %convert_element_type3A_432, %cond3A_433 : i32
      scf.if %cond3A_434 {
        %add3A_736 = arith.constant 0 : i32
        %add3A_737 = arith.addi %multiple_of3A_431, %add3A_736 : i32
        %multiple_of3A_738 = tpu.assume_multiple %add3A_737, 4096 : i32
        %dma_start3A_739 = arith.constant 0 : i32
        %dma_start3A_740 = tpu.memref_slice %arg17[%dma_start3A_739] : memref<32768xf32, #tpu.memory_space<vmem>> -> memref<16384xf32, #tpu.memory_space<vmem>>
        %dma_start3A_741 = tpu.memref_slice %arg12[%multiple_of3A_738] : memref<1048576xf32, #tpu.memory_space<hbm>> -> memref<16384xf32, #tpu.memory_space<hbm>>
        %dma_start3A_742 = arith.constant 0 : i32
        %dma_start3A_743 = tpu.memref_slice %arg17[%dma_start3A_742] : memref<32768xf32, #tpu.memory_space<vmem>> -> memref<16384xf32, #tpu.memory_space<vmem>>
        %dma_start3A_744 = tpu.memref_slice %arg12[%multiple_of3A_738] : memref<1048576xf32, #tpu.memory_space<hbm>> -> memref<16384xf32, #tpu.memory_space<hbm>>
        tpu.enqueue_dma source(%dma_start3A_744 : memref<16384xf32, #tpu.memory_space<hbm>>) target(%dma_start3A_743 : memref<16384xf32, #tpu.memory_space<vmem>>) target_semaphore(%arg21 : memref<!tpu.dma_semaphore, #tpu.memory_space<semaphore_mem>>)
        %add3A_745 = arith.constant 16384 : i32
        %add3A_746 = arith.addi %multiple_of3A_431, %add3A_745 : i32
        %multiple_of3A_747 = tpu.assume_multiple %add3A_746, 4096 : i32
        %dma_start3A_748 = arith.constant 16384 : i32
        %dma_start3A_749 = tpu.memref_slice %arg17[%dma_start3A_748] : memref<32768xf32, #tpu.memory_space<vmem>> -> memref<16384xf32, #tpu.memory_space<vmem>>
        %dma_start3A_750 = tpu.memref_slice %arg12[%multiple_of3A_747] : memref<1048576xf32, #tpu.memory_space<hbm>> -> memref<16384xf32, #tpu.memory_space<hbm>>
        %dma_start3A_751 = arith.constant 16384 : i32
        %dma_start3A_752 = tpu.memref_slice %arg17[%dma_start3A_751] : memref<32768xf32, #tpu.memory_space<vmem>> -> memref<16384xf32, #tpu.memory_space<vmem>>
        %dma_start3A_753 = tpu.memref_slice %arg12[%multiple_of3A_747] : memref<1048576xf32, #tpu.memory_space<hbm>> -> memref<16384xf32, #tpu.memory_space<hbm>>
        tpu.enqueue_dma source(%dma_start3A_753 : memref<16384xf32, #tpu.memory_space<hbm>>) target(%dma_start3A_752 : memref<16384xf32, #tpu.memory_space<vmem>>) target_semaphore(%arg21 : memref<!tpu.dma_semaphore, #tpu.memory_space<semaphore_mem>>)
      } else {
      }
      %convert_element_type3A_435 = arith.extui %or3A_426 : i1 to i32
      %cond3A_436 = arith.constant 0 : i32
      %cond3A_437 = arith.cmpi ne, %convert_element_type3A_435, %cond3A_436 : i32
      scf.if %cond3A_437 {
        %add3A_736 = arith.constant 0 : i32
        %add3A_737 = arith.addi %multiple_of3A_412, %add3A_736 : i32
        %multiple_of3A_738 = tpu.assume_multiple %add3A_737, 4096 : i32
        %dma_start3A_739 = arith.constant 0 : i32
        %dma_start3A_740 = tpu.memref_slice %arg17[%dma_start3A_739] : memref<32768xf32, #tpu.memory_space<vmem>> -> memref<16384xf32, #tpu.memory_space<vmem>>
        %dma_start3A_741 = tpu.memref_slice %arg6[%multiple_of3A_738] : memref<4194304xf32, #tpu.memory_space<hbm>> -> memref<16384xf32, #tpu.memory_space<hbm>>
        %dma_start3A_742 = arith.constant 0 : i32
        %dma_start3A_743 = tpu.memref_slice %arg17[%dma_start3A_742] : memref<32768xf32, #tpu.memory_space<vmem>> -> memref<16384xf32, #tpu.memory_space<vmem>>
        %dma_start3A_744 = tpu.memref_slice %arg6[%multiple_of3A_738] : memref<4194304xf32, #tpu.memory_space<hbm>> -> memref<16384xf32, #tpu.memory_space<hbm>>
        tpu.enqueue_dma source(%dma_start3A_744 : memref<16384xf32, #tpu.memory_space<hbm>>) target(%dma_start3A_743 : memref<16384xf32, #tpu.memory_space<vmem>>) target_semaphore(%arg21 : memref<!tpu.dma_semaphore, #tpu.memory_space<semaphore_mem>>)
        %add3A_745 = arith.constant 16384 : i32
        %add3A_746 = arith.addi %multiple_of3A_412, %add3A_745 : i32
        %multiple_of3A_747 = tpu.assume_multiple %add3A_746, 4096 : i32
        %dma_start3A_748 = arith.constant 16384 : i32
        %dma_start3A_749 = tpu.memref_slice %arg17[%dma_start3A_748] : memref<32768xf32, #tpu.memory_space<vmem>> -> memref<16384xf32, #tpu.memory_space<vmem>>
        %dma_start3A_750 = tpu.memref_slice %arg6[%multiple_of3A_747] : memref<4194304xf32, #tpu.memory_space<hbm>> -> memref<16384xf32, #tpu.memory_space<hbm>>
        %dma_start3A_751 = arith.constant 16384 : i32
        %dma_start3A_752 = tpu.memref_slice %arg17[%dma_start3A_751] : memref<32768xf32, #tpu.memory_space<vmem>> -> memref<16384xf32, #tpu.memory_space<vmem>>
        %dma_start3A_753 = tpu.memref_slice %arg6[%multiple_of3A_747] : memref<4194304xf32, #tpu.memory_space<hbm>> -> memref<16384xf32, #tpu.memory_space<hbm>>
        tpu.enqueue_dma source(%dma_start3A_753 : memref<16384xf32, #tpu.memory_space<hbm>>) target(%dma_start3A_752 : memref<16384xf32, #tpu.memory_space<vmem>>) target_semaphore(%arg21 : memref<!tpu.dma_semaphore, #tpu.memory_space<semaphore_mem>>)
      } else {
      }
      %convert_element_type3A_438 = arith.extui %not3A_429 : i1 to i32
      %cond3A_439 = arith.constant 0 : i32
      %cond3A_440 = arith.cmpi ne, %convert_element_type3A_438, %cond3A_439 : i32
      scf.if %cond3A_440 {
        %scan3A_736 = arith.constant 0 : i32
        %scan3A_737 = arith.constant 0 : i32
        %scan3A_738 = arith.constant 8 : i32
        %scan3A_739 = arith.addi %scan3A_737, %scan3A_738 : i32
        %scan3A_740 = arith.constant 1 : i32
        %scan3A_741 = scf.for %scan3A_743 = %scan3A_737 to %scan3A_739 step %scan3A_740 iter_args(%scan3A_744 = %scan3A_736) -> (i32)  : i32 {
          %mul3A_745 = arith.constant 4096 : i32
          %mul3A_746 = arith.muli %scan3A_743, %mul3A_745 : i32
          %add3A_747 = arith.addi %multiple_of3A_412, %mul3A_746 : i32
          %multiple_of3A_748 = tpu.assume_multiple %add3A_747, 4096 : i32
          %ge3A_749 = arith.cmpi sge, %multiple_of3A_748, %squeeze3A : i32
          %add3A_750 = arith.constant 1048576 : i32
          %add3A_751 = arith.addi %squeeze3A, %add3A_750 : i32
          %lt3A_752 = arith.cmpi slt, %multiple_of3A_748, %add3A_751 : i32
          %and3A_753 = arith.andi %ge3A_749, %lt3A_752 : i1
          %sub3A_754 = arith.subi %multiple_of3A_748, %squeeze3A : i32
          %multiple_of3A_755 = tpu.assume_multiple %sub3A_754, 4096 : i32
          %mul3A_756 = arith.constant 4096 : i32
          %mul3A_757 = arith.muli %scan3A_743, %mul3A_756 : i32
          %multiple_of3A_758 = tpu.assume_multiple %mul3A_757, 4096 : i32
          %convert_element_type3A_759 = arith.extui %and3A_753 : i1 to i32
          %cond3A_760 = arith.constant 0 : i32
          %cond3A_761 = arith.cmpi ne, %convert_element_type3A_759, %cond3A_760 : i32
          scf.if %cond3A_761 {
            %dma_start3A_768 = tpu.memref_slice %arg17[%multiple_of3A_758] : memref<32768xf32, #tpu.memory_space<vmem>> -> memref<4096xf32, #tpu.memory_space<vmem>>
            %dma_start3A_769 = tpu.memref_slice %arg12[%multiple_of3A_755] : memref<1048576xf32, #tpu.memory_space<hbm>> -> memref<4096xf32, #tpu.memory_space<hbm>>
            %dma_start3A_770 = tpu.memref_slice %arg17[%multiple_of3A_758] : memref<32768xf32, #tpu.memory_space<vmem>> -> memref<4096xf32, #tpu.memory_space<vmem>>
            %dma_start3A_771 = tpu.memref_slice %arg12[%multiple_of3A_755] : memref<1048576xf32, #tpu.memory_space<hbm>> -> memref<4096xf32, #tpu.memory_space<hbm>>
            tpu.enqueue_dma source(%dma_start3A_771 : memref<4096xf32, #tpu.memory_space<hbm>>) target(%dma_start3A_770 : memref<4096xf32, #tpu.memory_space<vmem>>) target_semaphore(%arg21 : memref<!tpu.dma_semaphore, #tpu.memory_space<semaphore_mem>>)
          } else {
          }
          %not3A_762 = arith.constant true
          %not3A_763 = arith.xori %and3A_753, %not3A_762 : i1
          %convert_element_type3A_764 = arith.extui %not3A_763 : i1 to i32
          %cond3A_765 = arith.constant 0 : i32
          %cond3A_766 = arith.cmpi ne, %convert_element_type3A_764, %cond3A_765 : i32
          scf.if %cond3A_766 {
            %dma_start3A_768 = tpu.memref_slice %arg17[%multiple_of3A_758] : memref<32768xf32, #tpu.memory_space<vmem>> -> memref<4096xf32, #tpu.memory_space<vmem>>
            %dma_start3A_769 = tpu.memref_slice %arg6[%multiple_of3A_748] : memref<4194304xf32, #tpu.memory_space<hbm>> -> memref<4096xf32, #tpu.memory_space<hbm>>
            %dma_start3A_770 = tpu.memref_slice %arg17[%multiple_of3A_758] : memref<32768xf32, #tpu.memory_space<vmem>> -> memref<4096xf32, #tpu.memory_space<vmem>>
            %dma_start3A_771 = tpu.memref_slice %arg6[%multiple_of3A_748] : memref<4194304xf32, #tpu.memory_space<hbm>> -> memref<4096xf32, #tpu.memory_space<hbm>>
            tpu.enqueue_dma source(%dma_start3A_771 : memref<4096xf32, #tpu.memory_space<hbm>>) target(%dma_start3A_770 : memref<4096xf32, #tpu.memory_space<vmem>>) target_semaphore(%arg21 : memref<!tpu.dma_semaphore, #tpu.memory_space<semaphore_mem>>)
          } else {
          }
          %scan3A_767 = arith.constant 0 : i32
          scf.yield %scan3A_767 : i32
        }
        %scan3A_742 = arith.constant 8 : i32
      } else {
      }
      %mul3A_441 = arith.constant 32 : i32
      %mul3A_442 = arith.muli %scan3A_66, %mul3A_441 : i32
      %add3A_443 = arith.addi %add3A, %mul3A_442 : i32
      %mul3A_444 = arith.constant 32768 : i32
      %mul3A_445 = arith.muli %add3A_443, %mul3A_444 : i32
      %multiple_of3A_446 = tpu.assume_multiple %mul3A_445, 32768 : i32
      %ge3A_447 = arith.cmpi sge, %multiple_of3A_446, %squeeze3A : i32
      %add3A_448 = arith.constant 32768 : i32
      %add3A_449 = arith.addi %multiple_of3A_446, %add3A_448 : i32
      %add3A_450 = arith.constant 1048576 : i32
      %add3A_451 = arith.addi %squeeze3A, %add3A_450 : i32
      %le3A_452 = arith.cmpi sle, %add3A_449, %add3A_451 : i32
      %and3A_453 = arith.andi %ge3A_447, %le3A_452 : i1
      %add3A_454 = arith.constant 32768 : i32
      %add3A_455 = arith.addi %multiple_of3A_446, %add3A_454 : i32
      %le3A_456 = arith.cmpi sle, %add3A_455, %squeeze3A : i32
      %add3A_457 = arith.constant 1048576 : i32
      %add3A_458 = arith.addi %squeeze3A, %add3A_457 : i32
      %ge3A_459 = arith.cmpi sge, %multiple_of3A_446, %add3A_458 : i32
      %or3A_460 = arith.ori %le3A_456, %ge3A_459 : i1
      %or3A_461 = arith.ori %and3A_453, %or3A_460 : i1
      %not3A_462 = arith.constant true
      %not3A_463 = arith.xori %or3A_461, %not3A_462 : i1
      %not3A_464 = arith.constant true
      %not3A_465 = arith.xori %not3A_463, %not3A_464 : i1
      %convert_element_type3A_466 = arith.extui %not3A_465 : i1 to i32
      %cond3A_467 = arith.constant 0 : i32
      %cond3A_468 = arith.cmpi ne, %convert_element_type3A_466, %cond3A_467 : i32
      scf.if %cond3A_468 {
        %dma_wait3A_736 = arith.constant 0 : i32
        %dma_wait3A_737 = tpu.memref_slice %arg16[%dma_wait3A_736] : memref<32768xf32, #tpu.memory_space<vmem>> -> memref<16384xf32, #tpu.memory_space<vmem>>
        %dma_wait3A_738 = arith.constant 0 : i32
        %dma_wait3A_739 = tpu.memref_slice %arg2[%dma_wait3A_738] : memref<4194304xf32, #tpu.memory_space<hbm>> -> memref<16384xf32, #tpu.memory_space<hbm>>
        %dma_wait3A_740 = arith.constant 0 : i32
        %dma_wait3A_741 = tpu.memref_slice %arg16[%dma_wait3A_740] : memref<32768xf32, #tpu.memory_space<vmem>> -> memref<16384xf32, #tpu.memory_space<vmem>>
        %dma_wait3A_742 = arith.constant 0 : i32
        %dma_wait3A_743 = tpu.memref_slice %arg2[%dma_wait3A_742] : memref<4194304xf32, #tpu.memory_space<hbm>> -> memref<16384xf32, #tpu.memory_space<hbm>>
        tpu.wait_dma2 semaphore(%arg20 : memref<!tpu.dma_semaphore, #tpu.memory_space<semaphore_mem>>) src(%dma_wait3A_743 : memref<16384xf32, #tpu.memory_space<hbm>>) dst(%dma_wait3A_741 : memref<16384xf32, #tpu.memory_space<vmem>>)
        %dma_wait3A_744 = arith.constant 0 : i32
        %dma_wait3A_745 = tpu.memref_slice %arg16[%dma_wait3A_744] : memref<32768xf32, #tpu.memory_space<vmem>> -> memref<16384xf32, #tpu.memory_space<vmem>>
        %dma_wait3A_746 = arith.constant 0 : i32
        %dma_wait3A_747 = tpu.memref_slice %arg2[%dma_wait3A_746] : memref<4194304xf32, #tpu.memory_space<hbm>> -> memref<16384xf32, #tpu.memory_space<hbm>>
        %dma_wait3A_748 = arith.constant 0 : i32
        %dma_wait3A_749 = tpu.memref_slice %arg16[%dma_wait3A_748] : memref<32768xf32, #tpu.memory_space<vmem>> -> memref<16384xf32, #tpu.memory_space<vmem>>
        %dma_wait3A_750 = arith.constant 0 : i32
        %dma_wait3A_751 = tpu.memref_slice %arg2[%dma_wait3A_750] : memref<4194304xf32, #tpu.memory_space<hbm>> -> memref<16384xf32, #tpu.memory_space<hbm>>
        tpu.wait_dma2 semaphore(%arg20 : memref<!tpu.dma_semaphore, #tpu.memory_space<semaphore_mem>>) src(%dma_wait3A_751 : memref<16384xf32, #tpu.memory_space<hbm>>) dst(%dma_wait3A_749 : memref<16384xf32, #tpu.memory_space<vmem>>)
      } else {
      }
      %convert_element_type3A_469 = arith.extui %not3A_463 : i1 to i32
      %cond3A_470 = arith.constant 0 : i32
      %cond3A_471 = arith.cmpi ne, %convert_element_type3A_469, %cond3A_470 : i32
      scf.if %cond3A_471 {
        %scan3A_736 = arith.constant 0 : i32
        %scan3A_737 = arith.constant 0 : i32
        %scan3A_738 = arith.constant 8 : i32
        %scan3A_739 = arith.addi %scan3A_737, %scan3A_738 : i32
        %scan3A_740 = arith.constant 1 : i32
        %scan3A_741 = scf.for %scan3A_743 = %scan3A_737 to %scan3A_739 step %scan3A_740 iter_args(%scan3A_744 = %scan3A_736) -> (i32)  : i32 {
          %dma_wait3A_745 = arith.constant 0 : i32
          %dma_wait3A_746 = tpu.memref_slice %arg16[%dma_wait3A_745] : memref<32768xf32, #tpu.memory_space<vmem>> -> memref<4096xf32, #tpu.memory_space<vmem>>
          %dma_wait3A_747 = arith.constant 0 : i32
          %dma_wait3A_748 = tpu.memref_slice %arg2[%dma_wait3A_747] : memref<4194304xf32, #tpu.memory_space<hbm>> -> memref<4096xf32, #tpu.memory_space<hbm>>
          %dma_wait3A_749 = arith.constant 0 : i32
          %dma_wait3A_750 = tpu.memref_slice %arg16[%dma_wait3A_749] : memref<32768xf32, #tpu.memory_space<vmem>> -> memref<4096xf32, #tpu.memory_space<vmem>>
          %dma_wait3A_751 = arith.constant 0 : i32
          %dma_wait3A_752 = tpu.memref_slice %arg2[%dma_wait3A_751] : memref<4194304xf32, #tpu.memory_space<hbm>> -> memref<4096xf32, #tpu.memory_space<hbm>>
          tpu.wait_dma2 semaphore(%arg20 : memref<!tpu.dma_semaphore, #tpu.memory_space<semaphore_mem>>) src(%dma_wait3A_752 : memref<4096xf32, #tpu.memory_space<hbm>>) dst(%dma_wait3A_750 : memref<4096xf32, #tpu.memory_space<vmem>>)
          %scan3A_753 = arith.constant 0 : i32
          scf.yield %scan3A_753 : i32
        }
        %scan3A_742 = arith.constant 8 : i32
      } else {
      }
      %mul3A_472 = arith.constant 32 : i32
      %mul3A_473 = arith.muli %scan3A_66, %mul3A_472 : i32
      %add3A_474 = arith.addi %add3A, %mul3A_473 : i32
      %mul3A_475 = arith.constant 32768 : i32
      %mul3A_476 = arith.muli %add3A_474, %mul3A_475 : i32
      %multiple_of3A_477 = tpu.assume_multiple %mul3A_476, 32768 : i32
      %scan3A_478 = arith.constant 0 : i32
      %scan3A_479 = arith.constant 0 : i32
      %scan3A_480 = arith.constant 8 : i32
      %scan3A_481 = arith.addi %scan3A_479, %scan3A_480 : i32
      %scan3A_482 = arith.constant 1 : i32
      %scan3A_483 = scf.for %scan3A_736 = %scan3A_479 to %scan3A_481 step %scan3A_482 iter_args(%scan3A_737 = %scan3A_478) -> (i32)  : i32 {
        %mul3A_738 = arith.constant 4096 : i32
        %mul3A_739 = arith.muli %scan3A_736, %mul3A_738 : i32
        %add3A_740 = arith.addi %multiple_of3A_477, %mul3A_739 : i32
        %ge3A_741 = arith.cmpi sge, %add3A_740, %squeeze3A : i32
        %add3A_742 = arith.constant 1048576 : i32
        %add3A_743 = arith.addi %squeeze3A, %add3A_742 : i32
        %lt3A_744 = arith.cmpi slt, %add3A_740, %add3A_743 : i32
        %and3A_745 = arith.andi %ge3A_741, %lt3A_744 : i1
        %mul3A_746 = arith.constant 4096 : i32
        %mul3A_747 = arith.muli %scan3A_736, %mul3A_746 : i32
        %multiple_of3A_748 = tpu.assume_multiple %mul3A_747, 4096 : i32
        %convert_element_type3A_749 = arith.extui %and3A_745 : i1 to i32
        %cond3A_750 = arith.constant 0 : i32
        %cond3A_751 = arith.cmpi ne, %convert_element_type3A_749, %cond3A_750 : i32
        scf.if %cond3A_751 {
          %parallel_loop3A = arith.constant 0 : i32
          %parallel_loop3A_753 = arith.constant 4096 : i32
          %parallel_loop3A_754 = arith.constant 16 : i32
          scf.for %parallel_loop3A_755 = %parallel_loop3A to %parallel_loop3A_753 step %parallel_loop3A_754  : i32 {
            %parallel_loop3A_756 = arith.addi %multiple_of3A_748, %parallel_loop3A_755 : i32
            %parallel_loop3A_757 = arith.index_cast %parallel_loop3A_756 : i32 to index
            %parallel_loop3A_758 = tpu.vector_load %arg16[%parallel_loop3A_757] {strides = array<i32>} : memref<32768xf32, #tpu.memory_space<vmem>>, vector<16xf32>,
            %parallel_loop3A_759 = vector.shape_cast %parallel_loop3A_758 : vector<16xf32> to vector<16xf32>
            %parallel_loop3A_760 = arith.constant 1.000000e-03 : f32
            %parallel_loop3A_761 = vector.broadcast %parallel_loop3A_760 : f32 to vector<16xf32>
            %parallel_loop3A_762 = arith.maximumf %parallel_loop3A_759, %parallel_loop3A_761 : vector<16xf32>
            %parallel_loop3A_763 = arith.constant 9.990000e-01 : f32
            %parallel_loop3A_764 = vector.broadcast %parallel_loop3A_763 : f32 to vector<16xf32>
            %parallel_loop3A_765 = arith.minimumf %parallel_loop3A_762, %parallel_loop3A_764 : vector<16xf32>
            %parallel_loop3A_766 = arith.index_cast %parallel_loop3A_756 : i32 to index
            %parallel_loop3A_767 = tpu.vector_load %arg16[%parallel_loop3A_766] {strides = array<i32>} : memref<32768xf32, #tpu.memory_space<vmem>>, vector<16xf32>,
            %parallel_loop3A_768 = vector.shape_cast %parallel_loop3A_767 : vector<16xf32> to vector<16xf32>
            %parallel_loop3A_769 = vector.shape_cast %parallel_loop3A_765 : vector<16xf32> to vector<16xf32>
            tpu.vector_store %arg16[%parallel_loop3A_766], %parallel_loop3A_769 {strides = array<i32>} : memref<32768xf32, #tpu.memory_space<vmem>>, vector<16xf32>,
          } {sc.loop_unroll_factor = 8 : i64, sc.parallel_access}
        } else {
        }
        %scan3A_752 = arith.constant 0 : i32
        scf.yield %scan3A_752 : i32
      }
      %scan3A_484 = arith.constant 8 : i32
      %mul3A_485 = arith.constant 32 : i32
      %mul3A_486 = arith.muli %scan3A_66, %mul3A_485 : i32
      %add3A_487 = arith.addi %add3A, %mul3A_486 : i32
      %mul3A_488 = arith.constant 32768 : i32
      %mul3A_489 = arith.muli %add3A_487, %mul3A_488 : i32
      %multiple_of3A_490 = tpu.assume_multiple %mul3A_489, 32768 : i32
      %add3A_491 = arith.constant 0 : i32
      %add3A_492 = arith.addi %multiple_of3A_490, %add3A_491 : i32
      %multiple_of3A_493 = tpu.assume_multiple %add3A_492, 4096 : i32
      %dma_start3A_494 = arith.constant 3 : i32
      %dma_start3A_495 = arith.constant 0 : i32
      %dma_start3A_496 = tpu.memref_slice %arg16[%dma_start3A_495] : memref<32768xf32, #tpu.memory_space<vmem>> -> memref<16384xf32, #tpu.memory_space<vmem>>
      %dma_start3A_497 = tpu.memref_slice %arg15[%dma_start3A_494, %multiple_of3A_493] : memref<6x4194304xf32, #tpu.memory_space<hbm>> -> memref<1x16384xf32, #tpu.memory_space<hbm>>
      %dma_start3A_498 = tpu.memref_squeeze %dma_start3A_497 : memref<1x16384xf32, #tpu.memory_space<hbm>> -> memref<16384xf32, #tpu.memory_space<hbm>>
      %dma_start3A_499 = tpu.memref_slice %arg15[%dma_start3A_494, %multiple_of3A_493] : memref<6x4194304xf32, #tpu.memory_space<hbm>> -> memref<1x16384xf32, #tpu.memory_space<hbm>>
      %dma_start3A_500 = tpu.memref_squeeze %dma_start3A_499 : memref<1x16384xf32, #tpu.memory_space<hbm>> -> memref<16384xf32, #tpu.memory_space<hbm>>
      %dma_start3A_501 = arith.constant 0 : i32
      %dma_start3A_502 = tpu.memref_slice %arg16[%dma_start3A_501] : memref<32768xf32, #tpu.memory_space<vmem>> -> memref<16384xf32, #tpu.memory_space<vmem>>
      tpu.enqueue_dma source(%dma_start3A_502 : memref<16384xf32, #tpu.memory_space<vmem>>) target(%dma_start3A_500 : memref<16384xf32, #tpu.memory_space<hbm>>) target_semaphore(%arg23 : memref<!tpu.dma_semaphore, #tpu.memory_space<semaphore_mem>>)
      %add3A_503 = arith.constant 16384 : i32
      %add3A_504 = arith.addi %multiple_of3A_490, %add3A_503 : i32
      %multiple_of3A_505 = tpu.assume_multiple %add3A_504, 4096 : i32
      %dma_start3A_506 = arith.constant 3 : i32
      %dma_start3A_507 = arith.constant 16384 : i32
      %dma_start3A_508 = tpu.memref_slice %arg16[%dma_start3A_507] : memref<32768xf32, #tpu.memory_space<vmem>> -> memref<16384xf32, #tpu.memory_space<vmem>>
      %dma_start3A_509 = tpu.memref_slice %arg15[%dma_start3A_506, %multiple_of3A_505] : memref<6x4194304xf32, #tpu.memory_space<hbm>> -> memref<1x16384xf32, #tpu.memory_space<hbm>>
      %dma_start3A_510 = tpu.memref_squeeze %dma_start3A_509 : memref<1x16384xf32, #tpu.memory_space<hbm>> -> memref<16384xf32, #tpu.memory_space<hbm>>
      %dma_start3A_511 = tpu.memref_slice %arg15[%dma_start3A_506, %multiple_of3A_505] : memref<6x4194304xf32, #tpu.memory_space<hbm>> -> memref<1x16384xf32, #tpu.memory_space<hbm>>
      %dma_start3A_512 = tpu.memref_squeeze %dma_start3A_511 : memref<1x16384xf32, #tpu.memory_space<hbm>> -> memref<16384xf32, #tpu.memory_space<hbm>>
      %dma_start3A_513 = arith.constant 16384 : i32
      %dma_start3A_514 = tpu.memref_slice %arg16[%dma_start3A_513] : memref<32768xf32, #tpu.memory_space<vmem>> -> memref<16384xf32, #tpu.memory_space<vmem>>
      tpu.enqueue_dma source(%dma_start3A_514 : memref<16384xf32, #tpu.memory_space<vmem>>) target(%dma_start3A_512 : memref<16384xf32, #tpu.memory_space<hbm>>) target_semaphore(%arg23 : memref<!tpu.dma_semaphore, #tpu.memory_space<semaphore_mem>>)
      %dma_wait3A_515 = arith.constant 0 : i32
      %dma_wait3A_516 = tpu.memref_slice %arg18[%dma_wait3A_515] : memref<32768xf32, #tpu.memory_space<vmem>> -> memref<16384xf32, #tpu.memory_space<vmem>>
      %dma_wait3A_517 = arith.constant 0 : i32
      %dma_wait3A_518 = tpu.memref_slice %arg2[%dma_wait3A_517] : memref<4194304xf32, #tpu.memory_space<hbm>> -> memref<16384xf32, #tpu.memory_space<hbm>>
      %dma_wait3A_519 = arith.constant 0 : i32
      %dma_wait3A_520 = tpu.memref_slice %arg18[%dma_wait3A_519] : memref<32768xf32, #tpu.memory_space<vmem>> -> memref<16384xf32, #tpu.memory_space<vmem>>
      %dma_wait3A_521 = arith.constant 0 : i32
      %dma_wait3A_522 = tpu.memref_slice %arg2[%dma_wait3A_521] : memref<4194304xf32, #tpu.memory_space<hbm>> -> memref<16384xf32, #tpu.memory_space<hbm>>
      tpu.wait_dma2 semaphore(%arg25 : memref<!tpu.dma_semaphore, #tpu.memory_space<semaphore_mem>>) src(%dma_wait3A_522 : memref<16384xf32, #tpu.memory_space<hbm>>) dst(%dma_wait3A_520 : memref<16384xf32, #tpu.memory_space<vmem>>)
      %dma_wait3A_523 = arith.constant 0 : i32
      %dma_wait3A_524 = tpu.memref_slice %arg18[%dma_wait3A_523] : memref<32768xf32, #tpu.memory_space<vmem>> -> memref<16384xf32, #tpu.memory_space<vmem>>
      %dma_wait3A_525 = arith.constant 0 : i32
      %dma_wait3A_526 = tpu.memref_slice %arg2[%dma_wait3A_525] : memref<4194304xf32, #tpu.memory_space<hbm>> -> memref<16384xf32, #tpu.memory_space<hbm>>
      %dma_wait3A_527 = arith.constant 0 : i32
      %dma_wait3A_528 = tpu.memref_slice %arg18[%dma_wait3A_527] : memref<32768xf32, #tpu.memory_space<vmem>> -> memref<16384xf32, #tpu.memory_space<vmem>>
      %dma_wait3A_529 = arith.constant 0 : i32
      %dma_wait3A_530 = tpu.memref_slice %arg2[%dma_wait3A_529] : memref<4194304xf32, #tpu.memory_space<hbm>> -> memref<16384xf32, #tpu.memory_space<hbm>>
      tpu.wait_dma2 semaphore(%arg25 : memref<!tpu.dma_semaphore, #tpu.memory_space<semaphore_mem>>) src(%dma_wait3A_530 : memref<16384xf32, #tpu.memory_space<hbm>>) dst(%dma_wait3A_528 : memref<16384xf32, #tpu.memory_space<vmem>>)
      %mul3A_531 = arith.constant 32 : i32
      %mul3A_532 = arith.muli %scan3A_66, %mul3A_531 : i32
      %add3A_533 = arith.addi %add3A, %mul3A_532 : i32
      %mul3A_534 = arith.constant 32768 : i32
      %mul3A_535 = arith.muli %add3A_533, %mul3A_534 : i32
      %multiple_of3A_536 = tpu.assume_multiple %mul3A_535, 32768 : i32
      %ge3A_537 = arith.cmpi sge, %multiple_of3A_536, %squeeze3A : i32
      %add3A_538 = arith.constant 32768 : i32
      %add3A_539 = arith.addi %multiple_of3A_536, %add3A_538 : i32
      %add3A_540 = arith.constant 1048576 : i32
      %add3A_541 = arith.addi %squeeze3A, %add3A_540 : i32
      %le3A_542 = arith.cmpi sle, %add3A_539, %add3A_541 : i32
      %and3A_543 = arith.andi %ge3A_537, %le3A_542 : i1
      %add3A_544 = arith.constant 32768 : i32
      %add3A_545 = arith.addi %multiple_of3A_536, %add3A_544 : i32
      %le3A_546 = arith.cmpi sle, %add3A_545, %squeeze3A : i32
      %add3A_547 = arith.constant 1048576 : i32
      %add3A_548 = arith.addi %squeeze3A, %add3A_547 : i32
      %ge3A_549 = arith.cmpi sge, %multiple_of3A_536, %add3A_548 : i32
      %or3A_550 = arith.ori %le3A_546, %ge3A_549 : i1
      %or3A_551 = arith.ori %and3A_543, %or3A_550 : i1
      %not3A_552 = arith.constant true
      %not3A_553 = arith.xori %or3A_551, %not3A_552 : i1
      %sub3A_554 = arith.subi %multiple_of3A_536, %squeeze3A : i32
      %multiple_of3A_555 = tpu.assume_multiple %sub3A_554, 4096 : i32
      %convert_element_type3A_556 = arith.extui %and3A_543 : i1 to i32
      %cond3A_557 = arith.constant 0 : i32
      %cond3A_558 = arith.cmpi ne, %convert_element_type3A_556, %cond3A_557 : i32
      scf.if %cond3A_558 {
        %add3A_736 = arith.constant 0 : i32
        %add3A_737 = arith.addi %multiple_of3A_555, %add3A_736 : i32
        %multiple_of3A_738 = tpu.assume_multiple %add3A_737, 4096 : i32
        %dma_start3A_739 = arith.constant 0 : i32
        %dma_start3A_740 = tpu.memref_slice %arg18[%dma_start3A_739] : memref<32768xf32, #tpu.memory_space<vmem>> -> memref<16384xf32, #tpu.memory_space<vmem>>
        %dma_start3A_741 = tpu.memref_slice %arg13[%multiple_of3A_738] : memref<1048576xf32, #tpu.memory_space<hbm>> -> memref<16384xf32, #tpu.memory_space<hbm>>
        %dma_start3A_742 = arith.constant 0 : i32
        %dma_start3A_743 = tpu.memref_slice %arg18[%dma_start3A_742] : memref<32768xf32, #tpu.memory_space<vmem>> -> memref<16384xf32, #tpu.memory_space<vmem>>
        %dma_start3A_744 = tpu.memref_slice %arg13[%multiple_of3A_738] : memref<1048576xf32, #tpu.memory_space<hbm>> -> memref<16384xf32, #tpu.memory_space<hbm>>
        tpu.enqueue_dma source(%dma_start3A_744 : memref<16384xf32, #tpu.memory_space<hbm>>) target(%dma_start3A_743 : memref<16384xf32, #tpu.memory_space<vmem>>) target_semaphore(%arg22 : memref<!tpu.dma_semaphore, #tpu.memory_space<semaphore_mem>>)
        %add3A_745 = arith.constant 16384 : i32
        %add3A_746 = arith.addi %multiple_of3A_555, %add3A_745 : i32
        %multiple_of3A_747 = tpu.assume_multiple %add3A_746, 4096 : i32
        %dma_start3A_748 = arith.constant 16384 : i32
        %dma_start3A_749 = tpu.memref_slice %arg18[%dma_start3A_748] : memref<32768xf32, #tpu.memory_space<vmem>> -> memref<16384xf32, #tpu.memory_space<vmem>>
        %dma_start3A_750 = tpu.memref_slice %arg13[%multiple_of3A_747] : memref<1048576xf32, #tpu.memory_space<hbm>> -> memref<16384xf32, #tpu.memory_space<hbm>>
        %dma_start3A_751 = arith.constant 16384 : i32
        %dma_start3A_752 = tpu.memref_slice %arg18[%dma_start3A_751] : memref<32768xf32, #tpu.memory_space<vmem>> -> memref<16384xf32, #tpu.memory_space<vmem>>
        %dma_start3A_753 = tpu.memref_slice %arg13[%multiple_of3A_747] : memref<1048576xf32, #tpu.memory_space<hbm>> -> memref<16384xf32, #tpu.memory_space<hbm>>
        tpu.enqueue_dma source(%dma_start3A_753 : memref<16384xf32, #tpu.memory_space<hbm>>) target(%dma_start3A_752 : memref<16384xf32, #tpu.memory_space<vmem>>) target_semaphore(%arg22 : memref<!tpu.dma_semaphore, #tpu.memory_space<semaphore_mem>>)
      } else {
      }
      %convert_element_type3A_559 = arith.extui %or3A_550 : i1 to i32
      %cond3A_560 = arith.constant 0 : i32
      %cond3A_561 = arith.cmpi ne, %convert_element_type3A_559, %cond3A_560 : i32
      scf.if %cond3A_561 {
        %add3A_736 = arith.constant 0 : i32
        %add3A_737 = arith.addi %multiple_of3A_536, %add3A_736 : i32
        %multiple_of3A_738 = tpu.assume_multiple %add3A_737, 4096 : i32
        %dma_start3A_739 = arith.constant 0 : i32
        %dma_start3A_740 = tpu.memref_slice %arg18[%dma_start3A_739] : memref<32768xf32, #tpu.memory_space<vmem>> -> memref<16384xf32, #tpu.memory_space<vmem>>
        %dma_start3A_741 = tpu.memref_slice %arg7[%multiple_of3A_738] : memref<4194304xf32, #tpu.memory_space<hbm>> -> memref<16384xf32, #tpu.memory_space<hbm>>
        %dma_start3A_742 = arith.constant 0 : i32
        %dma_start3A_743 = tpu.memref_slice %arg18[%dma_start3A_742] : memref<32768xf32, #tpu.memory_space<vmem>> -> memref<16384xf32, #tpu.memory_space<vmem>>
        %dma_start3A_744 = tpu.memref_slice %arg7[%multiple_of3A_738] : memref<4194304xf32, #tpu.memory_space<hbm>> -> memref<16384xf32, #tpu.memory_space<hbm>>
        tpu.enqueue_dma source(%dma_start3A_744 : memref<16384xf32, #tpu.memory_space<hbm>>) target(%dma_start3A_743 : memref<16384xf32, #tpu.memory_space<vmem>>) target_semaphore(%arg22 : memref<!tpu.dma_semaphore, #tpu.memory_space<semaphore_mem>>)
        %add3A_745 = arith.constant 16384 : i32
        %add3A_746 = arith.addi %multiple_of3A_536, %add3A_745 : i32
        %multiple_of3A_747 = tpu.assume_multiple %add3A_746, 4096 : i32
        %dma_start3A_748 = arith.constant 16384 : i32
        %dma_start3A_749 = tpu.memref_slice %arg18[%dma_start3A_748] : memref<32768xf32, #tpu.memory_space<vmem>> -> memref<16384xf32, #tpu.memory_space<vmem>>
        %dma_start3A_750 = tpu.memref_slice %arg7[%multiple_of3A_747] : memref<4194304xf32, #tpu.memory_space<hbm>> -> memref<16384xf32, #tpu.memory_space<hbm>>
        %dma_start3A_751 = arith.constant 16384 : i32
        %dma_start3A_752 = tpu.memref_slice %arg18[%dma_start3A_751] : memref<32768xf32, #tpu.memory_space<vmem>> -> memref<16384xf32, #tpu.memory_space<vmem>>
        %dma_start3A_753 = tpu.memref_slice %arg7[%multiple_of3A_747] : memref<4194304xf32, #tpu.memory_space<hbm>> -> memref<16384xf32, #tpu.memory_space<hbm>>
        tpu.enqueue_dma source(%dma_start3A_753 : memref<16384xf32, #tpu.memory_space<hbm>>) target(%dma_start3A_752 : memref<16384xf32, #tpu.memory_space<vmem>>) target_semaphore(%arg22 : memref<!tpu.dma_semaphore, #tpu.memory_space<semaphore_mem>>)
      } else {
      }
      %convert_element_type3A_562 = arith.extui %not3A_553 : i1 to i32
      %cond3A_563 = arith.constant 0 : i32
      %cond3A_564 = arith.cmpi ne, %convert_element_type3A_562, %cond3A_563 : i32
      scf.if %cond3A_564 {
        %scan3A_736 = arith.constant 0 : i32
        %scan3A_737 = arith.constant 0 : i32
        %scan3A_738 = arith.constant 8 : i32
        %scan3A_739 = arith.addi %scan3A_737, %scan3A_738 : i32
        %scan3A_740 = arith.constant 1 : i32
        %scan3A_741 = scf.for %scan3A_743 = %scan3A_737 to %scan3A_739 step %scan3A_740 iter_args(%scan3A_744 = %scan3A_736) -> (i32)  : i32 {
          %mul3A_745 = arith.constant 4096 : i32
          %mul3A_746 = arith.muli %scan3A_743, %mul3A_745 : i32
          %add3A_747 = arith.addi %multiple_of3A_536, %mul3A_746 : i32
          %multiple_of3A_748 = tpu.assume_multiple %add3A_747, 4096 : i32
          %ge3A_749 = arith.cmpi sge, %multiple_of3A_748, %squeeze3A : i32
          %add3A_750 = arith.constant 1048576 : i32
          %add3A_751 = arith.addi %squeeze3A, %add3A_750 : i32
          %lt3A_752 = arith.cmpi slt, %multiple_of3A_748, %add3A_751 : i32
          %and3A_753 = arith.andi %ge3A_749, %lt3A_752 : i1
          %sub3A_754 = arith.subi %multiple_of3A_748, %squeeze3A : i32
          %multiple_of3A_755 = tpu.assume_multiple %sub3A_754, 4096 : i32
          %mul3A_756 = arith.constant 4096 : i32
          %mul3A_757 = arith.muli %scan3A_743, %mul3A_756 : i32
          %multiple_of3A_758 = tpu.assume_multiple %mul3A_757, 4096 : i32
          %convert_element_type3A_759 = arith.extui %and3A_753 : i1 to i32
          %cond3A_760 = arith.constant 0 : i32
          %cond3A_761 = arith.cmpi ne, %convert_element_type3A_759, %cond3A_760 : i32
          scf.if %cond3A_761 {
            %dma_start3A_768 = tpu.memref_slice %arg18[%multiple_of3A_758] : memref<32768xf32, #tpu.memory_space<vmem>> -> memref<4096xf32, #tpu.memory_space<vmem>>
            %dma_start3A_769 = tpu.memref_slice %arg13[%multiple_of3A_755] : memref<1048576xf32, #tpu.memory_space<hbm>> -> memref<4096xf32, #tpu.memory_space<hbm>>
            %dma_start3A_770 = tpu.memref_slice %arg18[%multiple_of3A_758] : memref<32768xf32, #tpu.memory_space<vmem>> -> memref<4096xf32, #tpu.memory_space<vmem>>
            %dma_start3A_771 = tpu.memref_slice %arg13[%multiple_of3A_755] : memref<1048576xf32, #tpu.memory_space<hbm>> -> memref<4096xf32, #tpu.memory_space<hbm>>
            tpu.enqueue_dma source(%dma_start3A_771 : memref<4096xf32, #tpu.memory_space<hbm>>) target(%dma_start3A_770 : memref<4096xf32, #tpu.memory_space<vmem>>) target_semaphore(%arg22 : memref<!tpu.dma_semaphore, #tpu.memory_space<semaphore_mem>>)
          } else {
          }
          %not3A_762 = arith.constant true
          %not3A_763 = arith.xori %and3A_753, %not3A_762 : i1
          %convert_element_type3A_764 = arith.extui %not3A_763 : i1 to i32
          %cond3A_765 = arith.constant 0 : i32
          %cond3A_766 = arith.cmpi ne, %convert_element_type3A_764, %cond3A_765 : i32
          scf.if %cond3A_766 {
            %dma_start3A_768 = tpu.memref_slice %arg18[%multiple_of3A_758] : memref<32768xf32, #tpu.memory_space<vmem>> -> memref<4096xf32, #tpu.memory_space<vmem>>
            %dma_start3A_769 = tpu.memref_slice %arg7[%multiple_of3A_748] : memref<4194304xf32, #tpu.memory_space<hbm>> -> memref<4096xf32, #tpu.memory_space<hbm>>
            %dma_start3A_770 = tpu.memref_slice %arg18[%multiple_of3A_758] : memref<32768xf32, #tpu.memory_space<vmem>> -> memref<4096xf32, #tpu.memory_space<vmem>>
            %dma_start3A_771 = tpu.memref_slice %arg7[%multiple_of3A_748] : memref<4194304xf32, #tpu.memory_space<hbm>> -> memref<4096xf32, #tpu.memory_space<hbm>>
            tpu.enqueue_dma source(%dma_start3A_771 : memref<4096xf32, #tpu.memory_space<hbm>>) target(%dma_start3A_770 : memref<4096xf32, #tpu.memory_space<vmem>>) target_semaphore(%arg22 : memref<!tpu.dma_semaphore, #tpu.memory_space<semaphore_mem>>)
          } else {
          }
          %scan3A_767 = arith.constant 0 : i32
          scf.yield %scan3A_767 : i32
        }
        %scan3A_742 = arith.constant 8 : i32
      } else {
      }
      %mul3A_565 = arith.constant 32 : i32
      %mul3A_566 = arith.muli %scan3A_66, %mul3A_565 : i32
      %add3A_567 = arith.addi %add3A, %mul3A_566 : i32
      %mul3A_568 = arith.constant 32768 : i32
      %mul3A_569 = arith.muli %add3A_567, %mul3A_568 : i32
      %multiple_of3A_570 = tpu.assume_multiple %mul3A_569, 32768 : i32
      %ge3A_571 = arith.cmpi sge, %multiple_of3A_570, %squeeze3A : i32
      %add3A_572 = arith.constant 32768 : i32
      %add3A_573 = arith.addi %multiple_of3A_570, %add3A_572 : i32
      %add3A_574 = arith.constant 1048576 : i32
      %add3A_575 = arith.addi %squeeze3A, %add3A_574 : i32
      %le3A_576 = arith.cmpi sle, %add3A_573, %add3A_575 : i32
      %and3A_577 = arith.andi %ge3A_571, %le3A_576 : i1
      %add3A_578 = arith.constant 32768 : i32
      %add3A_579 = arith.addi %multiple_of3A_570, %add3A_578 : i32
      %le3A_580 = arith.cmpi sle, %add3A_579, %squeeze3A : i32
      %add3A_581 = arith.constant 1048576 : i32
      %add3A_582 = arith.addi %squeeze3A, %add3A_581 : i32
      %ge3A_583 = arith.cmpi sge, %multiple_of3A_570, %add3A_582 : i32
      %or3A_584 = arith.ori %le3A_580, %ge3A_583 : i1
      %or3A_585 = arith.ori %and3A_577, %or3A_584 : i1
      %not3A_586 = arith.constant true
      %not3A_587 = arith.xori %or3A_585, %not3A_586 : i1
      %not3A_588 = arith.constant true
      %not3A_589 = arith.xori %not3A_587, %not3A_588 : i1
      %convert_element_type3A_590 = arith.extui %not3A_589 : i1 to i32
      %cond3A_591 = arith.constant 0 : i32
      %cond3A_592 = arith.cmpi ne, %convert_element_type3A_590, %cond3A_591 : i32
      scf.if %cond3A_592 {
        %dma_wait3A_736 = arith.constant 0 : i32
        %dma_wait3A_737 = tpu.memref_slice %arg17[%dma_wait3A_736] : memref<32768xf32, #tpu.memory_space<vmem>> -> memref<16384xf32, #tpu.memory_space<vmem>>
        %dma_wait3A_738 = arith.constant 0 : i32
        %dma_wait3A_739 = tpu.memref_slice %arg2[%dma_wait3A_738] : memref<4194304xf32, #tpu.memory_space<hbm>> -> memref<16384xf32, #tpu.memory_space<hbm>>
        %dma_wait3A_740 = arith.constant 0 : i32
        %dma_wait3A_741 = tpu.memref_slice %arg17[%dma_wait3A_740] : memref<32768xf32, #tpu.memory_space<vmem>> -> memref<16384xf32, #tpu.memory_space<vmem>>
        %dma_wait3A_742 = arith.constant 0 : i32
        %dma_wait3A_743 = tpu.memref_slice %arg2[%dma_wait3A_742] : memref<4194304xf32, #tpu.memory_space<hbm>> -> memref<16384xf32, #tpu.memory_space<hbm>>
        tpu.wait_dma2 semaphore(%arg21 : memref<!tpu.dma_semaphore, #tpu.memory_space<semaphore_mem>>) src(%dma_wait3A_743 : memref<16384xf32, #tpu.memory_space<hbm>>) dst(%dma_wait3A_741 : memref<16384xf32, #tpu.memory_space<vmem>>)
        %dma_wait3A_744 = arith.constant 0 : i32
        %dma_wait3A_745 = tpu.memref_slice %arg17[%dma_wait3A_744] : memref<32768xf32, #tpu.memory_space<vmem>> -> memref<16384xf32, #tpu.memory_space<vmem>>
        %dma_wait3A_746 = arith.constant 0 : i32
        %dma_wait3A_747 = tpu.memref_slice %arg2[%dma_wait3A_746] : memref<4194304xf32, #tpu.memory_space<hbm>> -> memref<16384xf32, #tpu.memory_space<hbm>>
        %dma_wait3A_748 = arith.constant 0 : i32
        %dma_wait3A_749 = tpu.memref_slice %arg17[%dma_wait3A_748] : memref<32768xf32, #tpu.memory_space<vmem>> -> memref<16384xf32, #tpu.memory_space<vmem>>
        %dma_wait3A_750 = arith.constant 0 : i32
        %dma_wait3A_751 = tpu.memref_slice %arg2[%dma_wait3A_750] : memref<4194304xf32, #tpu.memory_space<hbm>> -> memref<16384xf32, #tpu.memory_space<hbm>>
        tpu.wait_dma2 semaphore(%arg21 : memref<!tpu.dma_semaphore, #tpu.memory_space<semaphore_mem>>) src(%dma_wait3A_751 : memref<16384xf32, #tpu.memory_space<hbm>>) dst(%dma_wait3A_749 : memref<16384xf32, #tpu.memory_space<vmem>>)
      } else {
      }
      %convert_element_type3A_593 = arith.extui %not3A_587 : i1 to i32
      %cond3A_594 = arith.constant 0 : i32
      %cond3A_595 = arith.cmpi ne, %convert_element_type3A_593, %cond3A_594 : i32
      scf.if %cond3A_595 {
        %scan3A_736 = arith.constant 0 : i32
        %scan3A_737 = arith.constant 0 : i32
        %scan3A_738 = arith.constant 8 : i32
        %scan3A_739 = arith.addi %scan3A_737, %scan3A_738 : i32
        %scan3A_740 = arith.constant 1 : i32
        %scan3A_741 = scf.for %scan3A_743 = %scan3A_737 to %scan3A_739 step %scan3A_740 iter_args(%scan3A_744 = %scan3A_736) -> (i32)  : i32 {
          %dma_wait3A_745 = arith.constant 0 : i32
          %dma_wait3A_746 = tpu.memref_slice %arg17[%dma_wait3A_745] : memref<32768xf32, #tpu.memory_space<vmem>> -> memref<4096xf32, #tpu.memory_space<vmem>>
          %dma_wait3A_747 = arith.constant 0 : i32
          %dma_wait3A_748 = tpu.memref_slice %arg2[%dma_wait3A_747] : memref<4194304xf32, #tpu.memory_space<hbm>> -> memref<4096xf32, #tpu.memory_space<hbm>>
          %dma_wait3A_749 = arith.constant 0 : i32
          %dma_wait3A_750 = tpu.memref_slice %arg17[%dma_wait3A_749] : memref<32768xf32, #tpu.memory_space<vmem>> -> memref<4096xf32, #tpu.memory_space<vmem>>
          %dma_wait3A_751 = arith.constant 0 : i32
          %dma_wait3A_752 = tpu.memref_slice %arg2[%dma_wait3A_751] : memref<4194304xf32, #tpu.memory_space<hbm>> -> memref<4096xf32, #tpu.memory_space<hbm>>
          tpu.wait_dma2 semaphore(%arg21 : memref<!tpu.dma_semaphore, #tpu.memory_space<semaphore_mem>>) src(%dma_wait3A_752 : memref<4096xf32, #tpu.memory_space<hbm>>) dst(%dma_wait3A_750 : memref<4096xf32, #tpu.memory_space<vmem>>)
          %scan3A_753 = arith.constant 0 : i32
          scf.yield %scan3A_753 : i32
        }
        %scan3A_742 = arith.constant 8 : i32
      } else {
      }
      %mul3A_596 = arith.constant 32 : i32
      %mul3A_597 = arith.muli %scan3A_66, %mul3A_596 : i32
      %add3A_598 = arith.addi %add3A, %mul3A_597 : i32
      %mul3A_599 = arith.constant 32768 : i32
      %mul3A_600 = arith.muli %add3A_598, %mul3A_599 : i32
      %multiple_of3A_601 = tpu.assume_multiple %mul3A_600, 32768 : i32
      %scan3A_602 = arith.constant 0 : i32
      %scan3A_603 = arith.constant 0 : i32
      %scan3A_604 = arith.constant 8 : i32
      %scan3A_605 = arith.addi %scan3A_603, %scan3A_604 : i32
      %scan3A_606 = arith.constant 1 : i32
      %scan3A_607 = scf.for %scan3A_736 = %scan3A_603 to %scan3A_605 step %scan3A_606 iter_args(%scan3A_737 = %scan3A_602) -> (i32)  : i32 {
        %mul3A_738 = arith.constant 4096 : i32
        %mul3A_739 = arith.muli %scan3A_736, %mul3A_738 : i32
        %add3A_740 = arith.addi %multiple_of3A_601, %mul3A_739 : i32
        %ge3A_741 = arith.cmpi sge, %add3A_740, %squeeze3A : i32
        %add3A_742 = arith.constant 1048576 : i32
        %add3A_743 = arith.addi %squeeze3A, %add3A_742 : i32
        %lt3A_744 = arith.cmpi slt, %add3A_740, %add3A_743 : i32
        %and3A_745 = arith.andi %ge3A_741, %lt3A_744 : i1
        %mul3A_746 = arith.constant 4096 : i32
        %mul3A_747 = arith.muli %scan3A_736, %mul3A_746 : i32
        %multiple_of3A_748 = tpu.assume_multiple %mul3A_747, 4096 : i32
        %convert_element_type3A_749 = arith.extui %and3A_745 : i1 to i32
        %cond3A_750 = arith.constant 0 : i32
        %cond3A_751 = arith.cmpi ne, %convert_element_type3A_749, %cond3A_750 : i32
        scf.if %cond3A_751 {
          %parallel_loop3A = arith.constant 0 : i32
          %parallel_loop3A_753 = arith.constant 4096 : i32
          %parallel_loop3A_754 = arith.constant 16 : i32
          scf.for %parallel_loop3A_755 = %parallel_loop3A to %parallel_loop3A_753 step %parallel_loop3A_754  : i32 {
            %parallel_loop3A_756 = arith.addi %multiple_of3A_748, %parallel_loop3A_755 : i32
            %parallel_loop3A_757 = arith.index_cast %parallel_loop3A_756 : i32 to index
            %parallel_loop3A_758 = tpu.vector_load %arg17[%parallel_loop3A_757] {strides = array<i32>} : memref<32768xf32, #tpu.memory_space<vmem>>, vector<16xf32>,
            %parallel_loop3A_759 = vector.shape_cast %parallel_loop3A_758 : vector<16xf32> to vector<16xf32>
            %parallel_loop3A_760 = arith.constant 1.000000e-03 : f32
            %parallel_loop3A_761 = vector.broadcast %parallel_loop3A_760 : f32 to vector<16xf32>
            %parallel_loop3A_762 = arith.maximumf %parallel_loop3A_759, %parallel_loop3A_761 : vector<16xf32>
            %parallel_loop3A_763 = arith.constant 9.990000e-01 : f32
            %parallel_loop3A_764 = vector.broadcast %parallel_loop3A_763 : f32 to vector<16xf32>
            %parallel_loop3A_765 = arith.minimumf %parallel_loop3A_762, %parallel_loop3A_764 : vector<16xf32>
            %parallel_loop3A_766 = arith.index_cast %parallel_loop3A_756 : i32 to index
            %parallel_loop3A_767 = tpu.vector_load %arg17[%parallel_loop3A_766] {strides = array<i32>} : memref<32768xf32, #tpu.memory_space<vmem>>, vector<16xf32>,
            %parallel_loop3A_768 = vector.shape_cast %parallel_loop3A_767 : vector<16xf32> to vector<16xf32>
            %parallel_loop3A_769 = vector.shape_cast %parallel_loop3A_765 : vector<16xf32> to vector<16xf32>
            tpu.vector_store %arg17[%parallel_loop3A_766], %parallel_loop3A_769 {strides = array<i32>} : memref<32768xf32, #tpu.memory_space<vmem>>, vector<16xf32>,
          } {sc.loop_unroll_factor = 8 : i64, sc.parallel_access}
        } else {
        }
        %scan3A_752 = arith.constant 0 : i32
        scf.yield %scan3A_752 : i32
      }
      %scan3A_608 = arith.constant 8 : i32
      %mul3A_609 = arith.constant 32 : i32
      %mul3A_610 = arith.muli %scan3A_66, %mul3A_609 : i32
      %add3A_611 = arith.addi %add3A, %mul3A_610 : i32
      %mul3A_612 = arith.constant 32768 : i32
      %mul3A_613 = arith.muli %add3A_611, %mul3A_612 : i32
      %multiple_of3A_614 = tpu.assume_multiple %mul3A_613, 32768 : i32
      %add3A_615 = arith.constant 0 : i32
      %add3A_616 = arith.addi %multiple_of3A_614, %add3A_615 : i32
      %multiple_of3A_617 = tpu.assume_multiple %add3A_616, 4096 : i32
      %dma_start3A_618 = arith.constant 4 : i32
      %dma_start3A_619 = arith.constant 0 : i32
      %dma_start3A_620 = tpu.memref_slice %arg17[%dma_start3A_619] : memref<32768xf32, #tpu.memory_space<vmem>> -> memref<16384xf32, #tpu.memory_space<vmem>>
      %dma_start3A_621 = tpu.memref_slice %arg15[%dma_start3A_618, %multiple_of3A_617] : memref<6x4194304xf32, #tpu.memory_space<hbm>> -> memref<1x16384xf32, #tpu.memory_space<hbm>>
      %dma_start3A_622 = tpu.memref_squeeze %dma_start3A_621 : memref<1x16384xf32, #tpu.memory_space<hbm>> -> memref<16384xf32, #tpu.memory_space<hbm>>
      %dma_start3A_623 = tpu.memref_slice %arg15[%dma_start3A_618, %multiple_of3A_617] : memref<6x4194304xf32, #tpu.memory_space<hbm>> -> memref<1x16384xf32, #tpu.memory_space<hbm>>
      %dma_start3A_624 = tpu.memref_squeeze %dma_start3A_623 : memref<1x16384xf32, #tpu.memory_space<hbm>> -> memref<16384xf32, #tpu.memory_space<hbm>>
      %dma_start3A_625 = arith.constant 0 : i32
      %dma_start3A_626 = tpu.memref_slice %arg17[%dma_start3A_625] : memref<32768xf32, #tpu.memory_space<vmem>> -> memref<16384xf32, #tpu.memory_space<vmem>>
      tpu.enqueue_dma source(%dma_start3A_626 : memref<16384xf32, #tpu.memory_space<vmem>>) target(%dma_start3A_624 : memref<16384xf32, #tpu.memory_space<hbm>>) target_semaphore(%arg24 : memref<!tpu.dma_semaphore, #tpu.memory_space<semaphore_mem>>)
      %add3A_627 = arith.constant 16384 : i32
      %add3A_628 = arith.addi %multiple_of3A_614, %add3A_627 : i32
      %multiple_of3A_629 = tpu.assume_multiple %add3A_628, 4096 : i32
      %dma_start3A_630 = arith.constant 4 : i32
      %dma_start3A_631 = arith.constant 16384 : i32
      %dma_start3A_632 = tpu.memref_slice %arg17[%dma_start3A_631] : memref<32768xf32, #tpu.memory_space<vmem>> -> memref<16384xf32, #tpu.memory_space<vmem>>
      %dma_start3A_633 = tpu.memref_slice %arg15[%dma_start3A_630, %multiple_of3A_629] : memref<6x4194304xf32, #tpu.memory_space<hbm>> -> memref<1x16384xf32, #tpu.memory_space<hbm>>
      %dma_start3A_634 = tpu.memref_squeeze %dma_start3A_633 : memref<1x16384xf32, #tpu.memory_space<hbm>> -> memref<16384xf32, #tpu.memory_space<hbm>>
      %dma_start3A_635 = tpu.memref_slice %arg15[%dma_start3A_630, %multiple_of3A_629] : memref<6x4194304xf32, #tpu.memory_space<hbm>> -> memref<1x16384xf32, #tpu.memory_space<hbm>>
      %dma_start3A_636 = tpu.memref_squeeze %dma_start3A_635 : memref<1x16384xf32, #tpu.memory_space<hbm>> -> memref<16384xf32, #tpu.memory_space<hbm>>
      %dma_start3A_637 = arith.constant 16384 : i32
      %dma_start3A_638 = tpu.memref_slice %arg17[%dma_start3A_637] : memref<32768xf32, #tpu.memory_space<vmem>> -> memref<16384xf32, #tpu.memory_space<vmem>>
      tpu.enqueue_dma source(%dma_start3A_638 : memref<16384xf32, #tpu.memory_space<vmem>>) target(%dma_start3A_636 : memref<16384xf32, #tpu.memory_space<hbm>>) target_semaphore(%arg24 : memref<!tpu.dma_semaphore, #tpu.memory_space<semaphore_mem>>)
      %dma_wait3A_639 = arith.constant 0 : i32
      %dma_wait3A_640 = tpu.memref_slice %arg16[%dma_wait3A_639] : memref<32768xf32, #tpu.memory_space<vmem>> -> memref<16384xf32, #tpu.memory_space<vmem>>
      %dma_wait3A_641 = arith.constant 0 : i32
      %dma_wait3A_642 = tpu.memref_slice %arg2[%dma_wait3A_641] : memref<4194304xf32, #tpu.memory_space<hbm>> -> memref<16384xf32, #tpu.memory_space<hbm>>
      %dma_wait3A_643 = arith.constant 0 : i32
      %dma_wait3A_644 = tpu.memref_slice %arg16[%dma_wait3A_643] : memref<32768xf32, #tpu.memory_space<vmem>> -> memref<16384xf32, #tpu.memory_space<vmem>>
      %dma_wait3A_645 = arith.constant 0 : i32
      %dma_wait3A_646 = tpu.memref_slice %arg2[%dma_wait3A_645] : memref<4194304xf32, #tpu.memory_space<hbm>> -> memref<16384xf32, #tpu.memory_space<hbm>>
      tpu.wait_dma2 semaphore(%arg23 : memref<!tpu.dma_semaphore, #tpu.memory_space<semaphore_mem>>) src(%dma_wait3A_646 : memref<16384xf32, #tpu.memory_space<hbm>>) dst(%dma_wait3A_644 : memref<16384xf32, #tpu.memory_space<vmem>>)
      %dma_wait3A_647 = arith.constant 0 : i32
      %dma_wait3A_648 = tpu.memref_slice %arg16[%dma_wait3A_647] : memref<32768xf32, #tpu.memory_space<vmem>> -> memref<16384xf32, #tpu.memory_space<vmem>>
      %dma_wait3A_649 = arith.constant 0 : i32
      %dma_wait3A_650 = tpu.memref_slice %arg2[%dma_wait3A_649] : memref<4194304xf32, #tpu.memory_space<hbm>> -> memref<16384xf32, #tpu.memory_space<hbm>>
      %dma_wait3A_651 = arith.constant 0 : i32
      %dma_wait3A_652 = tpu.memref_slice %arg16[%dma_wait3A_651] : memref<32768xf32, #tpu.memory_space<vmem>> -> memref<16384xf32, #tpu.memory_space<vmem>>
      %dma_wait3A_653 = arith.constant 0 : i32
      %dma_wait3A_654 = tpu.memref_slice %arg2[%dma_wait3A_653] : memref<4194304xf32, #tpu.memory_space<hbm>> -> memref<16384xf32, #tpu.memory_space<hbm>>
      tpu.wait_dma2 semaphore(%arg23 : memref<!tpu.dma_semaphore, #tpu.memory_space<semaphore_mem>>) src(%dma_wait3A_654 : memref<16384xf32, #tpu.memory_space<hbm>>) dst(%dma_wait3A_652 : memref<16384xf32, #tpu.memory_space<vmem>>)
      %add3A_655 = arith.constant 1 : i32
      %add3A_656 = arith.addi %scan3A_66, %add3A_655 : i32
      %lt3A = arith.constant 4 : i32
      %lt3A_657 = arith.cmpi slt, %add3A_656, %lt3A : i32
      %convert_element_type3A_658 = arith.extui %lt3A_657 : i1 to i32
      %cond3A_659 = arith.constant 0 : i32
      %cond3A_660 = arith.cmpi ne, %convert_element_type3A_658, %cond3A_659 : i32
      scf.if %cond3A_660 {
        %add3A_736 = arith.constant 1 : i32
        %add3A_737 = arith.addi %scan3A_66, %add3A_736 : i32
        %mul3A_738 = arith.constant 32 : i32
        %mul3A_739 = arith.muli %add3A_737, %mul3A_738 : i32
        %add3A_740 = arith.addi %add3A, %mul3A_739 : i32
        %mul3A_741 = arith.constant 32768 : i32
        %mul3A_742 = arith.muli %add3A_740, %mul3A_741 : i32
        %multiple_of3A_743 = tpu.assume_multiple %mul3A_742, 32768 : i32
        %ge3A_744 = arith.cmpi sge, %multiple_of3A_743, %squeeze3A : i32
        %add3A_745 = arith.constant 32768 : i32
        %add3A_746 = arith.addi %multiple_of3A_743, %add3A_745 : i32
        %add3A_747 = arith.constant 1048576 : i32
        %add3A_748 = arith.addi %squeeze3A, %add3A_747 : i32
        %le3A_749 = arith.cmpi sle, %add3A_746, %add3A_748 : i32
        %and3A_750 = arith.andi %ge3A_744, %le3A_749 : i1
        %add3A_751 = arith.constant 32768 : i32
        %add3A_752 = arith.addi %multiple_of3A_743, %add3A_751 : i32
        %le3A_753 = arith.cmpi sle, %add3A_752, %squeeze3A : i32
        %add3A_754 = arith.constant 1048576 : i32
        %add3A_755 = arith.addi %squeeze3A, %add3A_754 : i32
        %ge3A_756 = arith.cmpi sge, %multiple_of3A_743, %add3A_755 : i32
        %or3A_757 = arith.ori %le3A_753, %ge3A_756 : i1
        %or3A_758 = arith.ori %and3A_750, %or3A_757 : i1
        %not3A_759 = arith.constant true
        %not3A_760 = arith.xori %or3A_758, %not3A_759 : i1
        %sub3A_761 = arith.subi %multiple_of3A_743, %squeeze3A : i32
        %multiple_of3A_762 = tpu.assume_multiple %sub3A_761, 4096 : i32
        %convert_element_type3A_763 = arith.extui %and3A_750 : i1 to i32
        %cond3A_764 = arith.constant 0 : i32
        %cond3A_765 = arith.cmpi ne, %convert_element_type3A_763, %cond3A_764 : i32
        scf.if %cond3A_765 {
          %add3A_772 = arith.constant 0 : i32
          %add3A_773 = arith.addi %multiple_of3A_762, %add3A_772 : i32
          %multiple_of3A_774 = tpu.assume_multiple %add3A_773, 4096 : i32
          %dma_start3A_775 = arith.constant 0 : i32
          %dma_start3A_776 = tpu.memref_slice %arg16[%dma_start3A_775] : memref<32768xf32, #tpu.memory_space<vmem>> -> memref<16384xf32, #tpu.memory_space<vmem>>
          %dma_start3A_777 = tpu.memref_slice %arg8[%multiple_of3A_774] : memref<1048576xf32, #tpu.memory_space<hbm>> -> memref<16384xf32, #tpu.memory_space<hbm>>
          %dma_start3A_778 = arith.constant 0 : i32
          %dma_start3A_779 = tpu.memref_slice %arg16[%dma_start3A_778] : memref<32768xf32, #tpu.memory_space<vmem>> -> memref<16384xf32, #tpu.memory_space<vmem>>
          %dma_start3A_780 = tpu.memref_slice %arg8[%multiple_of3A_774] : memref<1048576xf32, #tpu.memory_space<hbm>> -> memref<16384xf32, #tpu.memory_space<hbm>>
          tpu.enqueue_dma source(%dma_start3A_780 : memref<16384xf32, #tpu.memory_space<hbm>>) target(%dma_start3A_779 : memref<16384xf32, #tpu.memory_space<vmem>>) target_semaphore(%arg20 : memref<!tpu.dma_semaphore, #tpu.memory_space<semaphore_mem>>)
          %add3A_781 = arith.constant 16384 : i32
          %add3A_782 = arith.addi %multiple_of3A_762, %add3A_781 : i32
          %multiple_of3A_783 = tpu.assume_multiple %add3A_782, 4096 : i32
          %dma_start3A_784 = arith.constant 16384 : i32
          %dma_start3A_785 = tpu.memref_slice %arg16[%dma_start3A_784] : memref<32768xf32, #tpu.memory_space<vmem>> -> memref<16384xf32, #tpu.memory_space<vmem>>
          %dma_start3A_786 = tpu.memref_slice %arg8[%multiple_of3A_783] : memref<1048576xf32, #tpu.memory_space<hbm>> -> memref<16384xf32, #tpu.memory_space<hbm>>
          %dma_start3A_787 = arith.constant 16384 : i32
          %dma_start3A_788 = tpu.memref_slice %arg16[%dma_start3A_787] : memref<32768xf32, #tpu.memory_space<vmem>> -> memref<16384xf32, #tpu.memory_space<vmem>>
          %dma_start3A_789 = tpu.memref_slice %arg8[%multiple_of3A_783] : memref<1048576xf32, #tpu.memory_space<hbm>> -> memref<16384xf32, #tpu.memory_space<hbm>>
          tpu.enqueue_dma source(%dma_start3A_789 : memref<16384xf32, #tpu.memory_space<hbm>>) target(%dma_start3A_788 : memref<16384xf32, #tpu.memory_space<vmem>>) target_semaphore(%arg20 : memref<!tpu.dma_semaphore, #tpu.memory_space<semaphore_mem>>)
        } else {
        }
        %convert_element_type3A_766 = arith.extui %or3A_757 : i1 to i32
        %cond3A_767 = arith.constant 0 : i32
        %cond3A_768 = arith.cmpi ne, %convert_element_type3A_766, %cond3A_767 : i32
        scf.if %cond3A_768 {
          %add3A_772 = arith.constant 0 : i32
          %add3A_773 = arith.addi %multiple_of3A_743, %add3A_772 : i32
          %multiple_of3A_774 = tpu.assume_multiple %add3A_773, 4096 : i32
          %dma_start3A_775 = arith.constant 0 : i32
          %dma_start3A_776 = tpu.memref_slice %arg16[%dma_start3A_775] : memref<32768xf32, #tpu.memory_space<vmem>> -> memref<16384xf32, #tpu.memory_space<vmem>>
          %dma_start3A_777 = tpu.memref_slice %arg2[%multiple_of3A_774] : memref<4194304xf32, #tpu.memory_space<hbm>> -> memref<16384xf32, #tpu.memory_space<hbm>>
          %dma_start3A_778 = arith.constant 0 : i32
          %dma_start3A_779 = tpu.memref_slice %arg16[%dma_start3A_778] : memref<32768xf32, #tpu.memory_space<vmem>> -> memref<16384xf32, #tpu.memory_space<vmem>>
          %dma_start3A_780 = tpu.memref_slice %arg2[%multiple_of3A_774] : memref<4194304xf32, #tpu.memory_space<hbm>> -> memref<16384xf32, #tpu.memory_space<hbm>>
          tpu.enqueue_dma source(%dma_start3A_780 : memref<16384xf32, #tpu.memory_space<hbm>>) target(%dma_start3A_779 : memref<16384xf32, #tpu.memory_space<vmem>>) target_semaphore(%arg20 : memref<!tpu.dma_semaphore, #tpu.memory_space<semaphore_mem>>)
          %add3A_781 = arith.constant 16384 : i32
          %add3A_782 = arith.addi %multiple_of3A_743, %add3A_781 : i32
          %multiple_of3A_783 = tpu.assume_multiple %add3A_782, 4096 : i32
          %dma_start3A_784 = arith.constant 16384 : i32
          %dma_start3A_785 = tpu.memref_slice %arg16[%dma_start3A_784] : memref<32768xf32, #tpu.memory_space<vmem>> -> memref<16384xf32, #tpu.memory_space<vmem>>
          %dma_start3A_786 = tpu.memref_slice %arg2[%multiple_of3A_783] : memref<4194304xf32, #tpu.memory_space<hbm>> -> memref<16384xf32, #tpu.memory_space<hbm>>
          %dma_start3A_787 = arith.constant 16384 : i32
          %dma_start3A_788 = tpu.memref_slice %arg16[%dma_start3A_787] : memref<32768xf32, #tpu.memory_space<vmem>> -> memref<16384xf32, #tpu.memory_space<vmem>>
          %dma_start3A_789 = tpu.memref_slice %arg2[%multiple_of3A_783] : memref<4194304xf32, #tpu.memory_space<hbm>> -> memref<16384xf32, #tpu.memory_space<hbm>>
          tpu.enqueue_dma source(%dma_start3A_789 : memref<16384xf32, #tpu.memory_space<hbm>>) target(%dma_start3A_788 : memref<16384xf32, #tpu.memory_space<vmem>>) target_semaphore(%arg20 : memref<!tpu.dma_semaphore, #tpu.memory_space<semaphore_mem>>)
        } else {
        }
        %convert_element_type3A_769 = arith.extui %not3A_760 : i1 to i32
        %cond3A_770 = arith.constant 0 : i32
        %cond3A_771 = arith.cmpi ne, %convert_element_type3A_769, %cond3A_770 : i32
        scf.if %cond3A_771 {
          %scan3A_772 = arith.constant 0 : i32
          %scan3A_773 = arith.constant 0 : i32
          %scan3A_774 = arith.constant 8 : i32
          %scan3A_775 = arith.addi %scan3A_773, %scan3A_774 : i32
          %scan3A_776 = arith.constant 1 : i32
          %scan3A_777 = scf.for %scan3A_779 = %scan3A_773 to %scan3A_775 step %scan3A_776 iter_args(%scan3A_780 = %scan3A_772) -> (i32)  : i32 {
            %mul3A_781 = arith.constant 4096 : i32
            %mul3A_782 = arith.muli %scan3A_779, %mul3A_781 : i32
            %add3A_783 = arith.addi %multiple_of3A_743, %mul3A_782 : i32
            %multiple_of3A_784 = tpu.assume_multiple %add3A_783, 4096 : i32
            %ge3A_785 = arith.cmpi sge, %multiple_of3A_784, %squeeze3A : i32
            %add3A_786 = arith.constant 1048576 : i32
            %add3A_787 = arith.addi %squeeze3A, %add3A_786 : i32
            %lt3A_788 = arith.cmpi slt, %multiple_of3A_784, %add3A_787 : i32
            %and3A_789 = arith.andi %ge3A_785, %lt3A_788 : i1
            %sub3A_790 = arith.subi %multiple_of3A_784, %squeeze3A : i32
            %multiple_of3A_791 = tpu.assume_multiple %sub3A_790, 4096 : i32
            %mul3A_792 = arith.constant 4096 : i32
            %mul3A_793 = arith.muli %scan3A_779, %mul3A_792 : i32
            %multiple_of3A_794 = tpu.assume_multiple %mul3A_793, 4096 : i32
            %convert_element_type3A_795 = arith.extui %and3A_789 : i1 to i32
            %cond3A_796 = arith.constant 0 : i32
            %cond3A_797 = arith.cmpi ne, %convert_element_type3A_795, %cond3A_796 : i32
            scf.if %cond3A_797 {
              %dma_start3A_804 = tpu.memref_slice %arg16[%multiple_of3A_794] : memref<32768xf32, #tpu.memory_space<vmem>> -> memref<4096xf32, #tpu.memory_space<vmem>>
              %dma_start3A_805 = tpu.memref_slice %arg8[%multiple_of3A_791] : memref<1048576xf32, #tpu.memory_space<hbm>> -> memref<4096xf32, #tpu.memory_space<hbm>>
              %dma_start3A_806 = tpu.memref_slice %arg16[%multiple_of3A_794] : memref<32768xf32, #tpu.memory_space<vmem>> -> memref<4096xf32, #tpu.memory_space<vmem>>
              %dma_start3A_807 = tpu.memref_slice %arg8[%multiple_of3A_791] : memref<1048576xf32, #tpu.memory_space<hbm>> -> memref<4096xf32, #tpu.memory_space<hbm>>
              tpu.enqueue_dma source(%dma_start3A_807 : memref<4096xf32, #tpu.memory_space<hbm>>) target(%dma_start3A_806 : memref<4096xf32, #tpu.memory_space<vmem>>) target_semaphore(%arg20 : memref<!tpu.dma_semaphore, #tpu.memory_space<semaphore_mem>>)
            } else {
            }
            %not3A_798 = arith.constant true
            %not3A_799 = arith.xori %and3A_789, %not3A_798 : i1
            %convert_element_type3A_800 = arith.extui %not3A_799 : i1 to i32
            %cond3A_801 = arith.constant 0 : i32
            %cond3A_802 = arith.cmpi ne, %convert_element_type3A_800, %cond3A_801 : i32
            scf.if %cond3A_802 {
              %dma_start3A_804 = tpu.memref_slice %arg16[%multiple_of3A_794] : memref<32768xf32, #tpu.memory_space<vmem>> -> memref<4096xf32, #tpu.memory_space<vmem>>
              %dma_start3A_805 = tpu.memref_slice %arg2[%multiple_of3A_784] : memref<4194304xf32, #tpu.memory_space<hbm>> -> memref<4096xf32, #tpu.memory_space<hbm>>
              %dma_start3A_806 = tpu.memref_slice %arg16[%multiple_of3A_794] : memref<32768xf32, #tpu.memory_space<vmem>> -> memref<4096xf32, #tpu.memory_space<vmem>>
              %dma_start3A_807 = tpu.memref_slice %arg2[%multiple_of3A_784] : memref<4194304xf32, #tpu.memory_space<hbm>> -> memref<4096xf32, #tpu.memory_space<hbm>>
              tpu.enqueue_dma source(%dma_start3A_807 : memref<4096xf32, #tpu.memory_space<hbm>>) target(%dma_start3A_806 : memref<4096xf32, #tpu.memory_space<vmem>>) target_semaphore(%arg20 : memref<!tpu.dma_semaphore, #tpu.memory_space<semaphore_mem>>)
            } else {
            }
            %scan3A_803 = arith.constant 0 : i32
            scf.yield %scan3A_803 : i32
          }
          %scan3A_778 = arith.constant 8 : i32
        } else {
        }
      } else {
      }
      %mul3A_661 = arith.constant 32 : i32
      %mul3A_662 = arith.muli %scan3A_66, %mul3A_661 : i32
      %add3A_663 = arith.addi %add3A, %mul3A_662 : i32
      %mul3A_664 = arith.constant 32768 : i32
      %mul3A_665 = arith.muli %add3A_663, %mul3A_664 : i32
      %multiple_of3A_666 = tpu.assume_multiple %mul3A_665, 32768 : i32
      %ge3A_667 = arith.cmpi sge, %multiple_of3A_666, %squeeze3A : i32
      %add3A_668 = arith.constant 32768 : i32
      %add3A_669 = arith.addi %multiple_of3A_666, %add3A_668 : i32
      %add3A_670 = arith.constant 1048576 : i32
      %add3A_671 = arith.addi %squeeze3A, %add3A_670 : i32
      %le3A_672 = arith.cmpi sle, %add3A_669, %add3A_671 : i32
      %and3A_673 = arith.andi %ge3A_667, %le3A_672 : i1
      %add3A_674 = arith.constant 32768 : i32
      %add3A_675 = arith.addi %multiple_of3A_666, %add3A_674 : i32
      %le3A_676 = arith.cmpi sle, %add3A_675, %squeeze3A : i32
      %add3A_677 = arith.constant 1048576 : i32
      %add3A_678 = arith.addi %squeeze3A, %add3A_677 : i32
      %ge3A_679 = arith.cmpi sge, %multiple_of3A_666, %add3A_678 : i32
      %or3A_680 = arith.ori %le3A_676, %ge3A_679 : i1
      %or3A_681 = arith.ori %and3A_673, %or3A_680 : i1
      %not3A_682 = arith.constant true
      %not3A_683 = arith.xori %or3A_681, %not3A_682 : i1
      %not3A_684 = arith.constant true
      %not3A_685 = arith.xori %not3A_683, %not3A_684 : i1
      %convert_element_type3A_686 = arith.extui %not3A_685 : i1 to i32
      %cond3A_687 = arith.constant 0 : i32
      %cond3A_688 = arith.cmpi ne, %convert_element_type3A_686, %cond3A_687 : i32
      scf.if %cond3A_688 {
        %dma_wait3A_736 = arith.constant 0 : i32
        %dma_wait3A_737 = tpu.memref_slice %arg18[%dma_wait3A_736] : memref<32768xf32, #tpu.memory_space<vmem>> -> memref<16384xf32, #tpu.memory_space<vmem>>
        %dma_wait3A_738 = arith.constant 0 : i32
        %dma_wait3A_739 = tpu.memref_slice %arg2[%dma_wait3A_738] : memref<4194304xf32, #tpu.memory_space<hbm>> -> memref<16384xf32, #tpu.memory_space<hbm>>
        %dma_wait3A_740 = arith.constant 0 : i32
        %dma_wait3A_741 = tpu.memref_slice %arg18[%dma_wait3A_740] : memref<32768xf32, #tpu.memory_space<vmem>> -> memref<16384xf32, #tpu.memory_space<vmem>>
        %dma_wait3A_742 = arith.constant 0 : i32
        %dma_wait3A_743 = tpu.memref_slice %arg2[%dma_wait3A_742] : memref<4194304xf32, #tpu.memory_space<hbm>> -> memref<16384xf32, #tpu.memory_space<hbm>>
        tpu.wait_dma2 semaphore(%arg22 : memref<!tpu.dma_semaphore, #tpu.memory_space<semaphore_mem>>) src(%dma_wait3A_743 : memref<16384xf32, #tpu.memory_space<hbm>>) dst(%dma_wait3A_741 : memref<16384xf32, #tpu.memory_space<vmem>>)
        %dma_wait3A_744 = arith.constant 0 : i32
        %dma_wait3A_745 = tpu.memref_slice %arg18[%dma_wait3A_744] : memref<32768xf32, #tpu.memory_space<vmem>> -> memref<16384xf32, #tpu.memory_space<vmem>>
        %dma_wait3A_746 = arith.constant 0 : i32
        %dma_wait3A_747 = tpu.memref_slice %arg2[%dma_wait3A_746] : memref<4194304xf32, #tpu.memory_space<hbm>> -> memref<16384xf32, #tpu.memory_space<hbm>>
        %dma_wait3A_748 = arith.constant 0 : i32
        %dma_wait3A_749 = tpu.memref_slice %arg18[%dma_wait3A_748] : memref<32768xf32, #tpu.memory_space<vmem>> -> memref<16384xf32, #tpu.memory_space<vmem>>
        %dma_wait3A_750 = arith.constant 0 : i32
        %dma_wait3A_751 = tpu.memref_slice %arg2[%dma_wait3A_750] : memref<4194304xf32, #tpu.memory_space<hbm>> -> memref<16384xf32, #tpu.memory_space<hbm>>
        tpu.wait_dma2 semaphore(%arg22 : memref<!tpu.dma_semaphore, #tpu.memory_space<semaphore_mem>>) src(%dma_wait3A_751 : memref<16384xf32, #tpu.memory_space<hbm>>) dst(%dma_wait3A_749 : memref<16384xf32, #tpu.memory_space<vmem>>)
      } else {
      }
      %convert_element_type3A_689 = arith.extui %not3A_683 : i1 to i32
      %cond3A_690 = arith.constant 0 : i32
      %cond3A_691 = arith.cmpi ne, %convert_element_type3A_689, %cond3A_690 : i32
      scf.if %cond3A_691 {
        %scan3A_736 = arith.constant 0 : i32
        %scan3A_737 = arith.constant 0 : i32
        %scan3A_738 = arith.constant 8 : i32
        %scan3A_739 = arith.addi %scan3A_737, %scan3A_738 : i32
        %scan3A_740 = arith.constant 1 : i32
        %scan3A_741 = scf.for %scan3A_743 = %scan3A_737 to %scan3A_739 step %scan3A_740 iter_args(%scan3A_744 = %scan3A_736) -> (i32)  : i32 {
          %dma_wait3A_745 = arith.constant 0 : i32
          %dma_wait3A_746 = tpu.memref_slice %arg18[%dma_wait3A_745] : memref<32768xf32, #tpu.memory_space<vmem>> -> memref<4096xf32, #tpu.memory_space<vmem>>
          %dma_wait3A_747 = arith.constant 0 : i32
          %dma_wait3A_748 = tpu.memref_slice %arg2[%dma_wait3A_747] : memref<4194304xf32, #tpu.memory_space<hbm>> -> memref<4096xf32, #tpu.memory_space<hbm>>
          %dma_wait3A_749 = arith.constant 0 : i32
          %dma_wait3A_750 = tpu.memref_slice %arg18[%dma_wait3A_749] : memref<32768xf32, #tpu.memory_space<vmem>> -> memref<4096xf32, #tpu.memory_space<vmem>>
          %dma_wait3A_751 = arith.constant 0 : i32
          %dma_wait3A_752 = tpu.memref_slice %arg2[%dma_wait3A_751] : memref<4194304xf32, #tpu.memory_space<hbm>> -> memref<4096xf32, #tpu.memory_space<hbm>>
          tpu.wait_dma2 semaphore(%arg22 : memref<!tpu.dma_semaphore, #tpu.memory_space<semaphore_mem>>) src(%dma_wait3A_752 : memref<4096xf32, #tpu.memory_space<hbm>>) dst(%dma_wait3A_750 : memref<4096xf32, #tpu.memory_space<vmem>>)
          %scan3A_753 = arith.constant 0 : i32
          scf.yield %scan3A_753 : i32
        }
        %scan3A_742 = arith.constant 8 : i32
      } else {
      }
      %mul3A_692 = arith.constant 32 : i32
      %mul3A_693 = arith.muli %scan3A_66, %mul3A_692 : i32
      %add3A_694 = arith.addi %add3A, %mul3A_693 : i32
      %mul3A_695 = arith.constant 32768 : i32
      %mul3A_696 = arith.muli %add3A_694, %mul3A_695 : i32
      %multiple_of3A_697 = tpu.assume_multiple %mul3A_696, 32768 : i32
      %scan3A_698 = arith.constant 0 : i32
      %scan3A_699 = arith.constant 0 : i32
      %scan3A_700 = arith.constant 8 : i32
      %scan3A_701 = arith.addi %scan3A_699, %scan3A_700 : i32
      %scan3A_702 = arith.constant 1 : i32
      %scan3A_703 = scf.for %scan3A_736 = %scan3A_699 to %scan3A_701 step %scan3A_702 iter_args(%scan3A_737 = %scan3A_698) -> (i32)  : i32 {
        %mul3A_738 = arith.constant 4096 : i32
        %mul3A_739 = arith.muli %scan3A_736, %mul3A_738 : i32
        %add3A_740 = arith.addi %multiple_of3A_697, %mul3A_739 : i32
        %ge3A_741 = arith.cmpi sge, %add3A_740, %squeeze3A : i32
        %add3A_742 = arith.constant 1048576 : i32
        %add3A_743 = arith.addi %squeeze3A, %add3A_742 : i32
        %lt3A_744 = arith.cmpi slt, %add3A_740, %add3A_743 : i32
        %and3A_745 = arith.andi %ge3A_741, %lt3A_744 : i1
        %mul3A_746 = arith.constant 4096 : i32
        %mul3A_747 = arith.muli %scan3A_736, %mul3A_746 : i32
        %multiple_of3A_748 = tpu.assume_multiple %mul3A_747, 4096 : i32
        %convert_element_type3A_749 = arith.extui %and3A_745 : i1 to i32
        %cond3A_750 = arith.constant 0 : i32
        %cond3A_751 = arith.cmpi ne, %convert_element_type3A_749, %cond3A_750 : i32
        scf.if %cond3A_751 {
          %parallel_loop3A = arith.constant 0 : i32
          %parallel_loop3A_753 = arith.constant 4096 : i32
          %parallel_loop3A_754 = arith.constant 16 : i32
          scf.for %parallel_loop3A_755 = %parallel_loop3A to %parallel_loop3A_753 step %parallel_loop3A_754  : i32 {
            %parallel_loop3A_756 = arith.addi %multiple_of3A_748, %parallel_loop3A_755 : i32
            %parallel_loop3A_757 = arith.index_cast %parallel_loop3A_756 : i32 to index
            %parallel_loop3A_758 = tpu.vector_load %arg18[%parallel_loop3A_757] {strides = array<i32>} : memref<32768xf32, #tpu.memory_space<vmem>>, vector<16xf32>,
            %parallel_loop3A_759 = vector.shape_cast %parallel_loop3A_758 : vector<16xf32> to vector<16xf32>
            %parallel_loop3A_760 = arith.constant 1.000000e-03 : f32
            %parallel_loop3A_761 = vector.broadcast %parallel_loop3A_760 : f32 to vector<16xf32>
            %parallel_loop3A_762 = arith.maximumf %parallel_loop3A_759, %parallel_loop3A_761 : vector<16xf32>
            %parallel_loop3A_763 = arith.constant 9.990000e-01 : f32
            %parallel_loop3A_764 = vector.broadcast %parallel_loop3A_763 : f32 to vector<16xf32>
            %parallel_loop3A_765 = arith.minimumf %parallel_loop3A_762, %parallel_loop3A_764 : vector<16xf32>
            %parallel_loop3A_766 = arith.index_cast %parallel_loop3A_756 : i32 to index
            %parallel_loop3A_767 = tpu.vector_load %arg18[%parallel_loop3A_766] {strides = array<i32>} : memref<32768xf32, #tpu.memory_space<vmem>>, vector<16xf32>,
            %parallel_loop3A_768 = vector.shape_cast %parallel_loop3A_767 : vector<16xf32> to vector<16xf32>
            %parallel_loop3A_769 = vector.shape_cast %parallel_loop3A_765 : vector<16xf32> to vector<16xf32>
            tpu.vector_store %arg18[%parallel_loop3A_766], %parallel_loop3A_769 {strides = array<i32>} : memref<32768xf32, #tpu.memory_space<vmem>>, vector<16xf32>,
          } {sc.loop_unroll_factor = 8 : i64, sc.parallel_access}
        } else {
        }
        %scan3A_752 = arith.constant 0 : i32
        scf.yield %scan3A_752 : i32
      }
      %scan3A_704 = arith.constant 8 : i32
      %mul3A_705 = arith.constant 32 : i32
      %mul3A_706 = arith.muli %scan3A_66, %mul3A_705 : i32
      %add3A_707 = arith.addi %add3A, %mul3A_706 : i32
      %mul3A_708 = arith.constant 32768 : i32
      %mul3A_709 = arith.muli %add3A_707, %mul3A_708 : i32
      %multiple_of3A_710 = tpu.assume_multiple %mul3A_709, 32768 : i32
      %add3A_711 = arith.constant 0 : i32
      %add3A_712 = arith.addi %multiple_of3A_710, %add3A_711 : i32
      %multiple_of3A_713 = tpu.assume_multiple %add3A_712, 4096 : i32
      %dma_start3A_714 = arith.constant 5 : i32
      %dma_start3A_715 = arith.constant 0 : i32
      %dma_start3A_716 = tpu.memref_slice %arg18[%dma_start3A_715] : memref<32768xf32, #tpu.memory_space<vmem>> -> memref<16384xf32, #tpu.memory_space<vmem>>
      %dma_start3A_717 = tpu.memref_slice %arg15[%dma_start3A_714, %multiple_of3A_713] : memref<6x4194304xf32, #tpu.memory_space<hbm>> -> memref<1x16384xf32, #tpu.memory_space<hbm>>
      %dma_start3A_718 = tpu.memref_squeeze %dma_start3A_717 : memref<1x16384xf32, #tpu.memory_space<hbm>> -> memref<16384xf32, #tpu.memory_space<hbm>>
      %dma_start3A_719 = tpu.memref_slice %arg15[%dma_start3A_714, %multiple_of3A_713] : memref<6x4194304xf32, #tpu.memory_space<hbm>> -> memref<1x16384xf32, #tpu.memory_space<hbm>>
      %dma_start3A_720 = tpu.memref_squeeze %dma_start3A_719 : memref<1x16384xf32, #tpu.memory_space<hbm>> -> memref<16384xf32, #tpu.memory_space<hbm>>
      %dma_start3A_721 = arith.constant 0 : i32
      %dma_start3A_722 = tpu.memref_slice %arg18[%dma_start3A_721] : memref<32768xf32, #tpu.memory_space<vmem>> -> memref<16384xf32, #tpu.memory_space<vmem>>
      tpu.enqueue_dma source(%dma_start3A_722 : memref<16384xf32, #tpu.memory_space<vmem>>) target(%dma_start3A_720 : memref<16384xf32, #tpu.memory_space<hbm>>) target_semaphore(%arg25 : memref<!tpu.dma_semaphore, #tpu.memory_space<semaphore_mem>>)
      %add3A_723 = arith.constant 16384 : i32
      %add3A_724 = arith.addi %multiple_of3A_710, %add3A_723 : i32
      %multiple_of3A_725 = tpu.assume_multiple %add3A_724, 4096 : i32
      %dma_start3A_726 = arith.constant 5 : i32
      %dma_start3A_727 = arith.constant 16384 : i32
      %dma_start3A_728 = tpu.memref_slice %arg18[%dma_start3A_727] : memref<32768xf32, #tpu.memory_space<vmem>> -> memref<16384xf32, #tpu.memory_space<vmem>>
      %dma_start3A_729 = tpu.memref_slice %arg15[%dma_start3A_726, %multiple_of3A_725] : memref<6x4194304xf32, #tpu.memory_space<hbm>> -> memref<1x16384xf32, #tpu.memory_space<hbm>>
      %dma_start3A_730 = tpu.memref_squeeze %dma_start3A_729 : memref<1x16384xf32, #tpu.memory_space<hbm>> -> memref<16384xf32, #tpu.memory_space<hbm>>
      %dma_start3A_731 = tpu.memref_slice %arg15[%dma_start3A_726, %multiple_of3A_725] : memref<6x4194304xf32, #tpu.memory_space<hbm>> -> memref<1x16384xf32, #tpu.memory_space<hbm>>
      %dma_start3A_732 = tpu.memref_squeeze %dma_start3A_731 : memref<1x16384xf32, #tpu.memory_space<hbm>> -> memref<16384xf32, #tpu.memory_space<hbm>>
      %dma_start3A_733 = arith.constant 16384 : i32
      %dma_start3A_734 = tpu.memref_slice %arg18[%dma_start3A_733] : memref<32768xf32, #tpu.memory_space<vmem>> -> memref<16384xf32, #tpu.memory_space<vmem>>
      tpu.enqueue_dma source(%dma_start3A_734 : memref<16384xf32, #tpu.memory_space<vmem>>) target(%dma_start3A_732 : memref<16384xf32, #tpu.memory_space<hbm>>) target_semaphore(%arg25 : memref<!tpu.dma_semaphore, #tpu.memory_space<semaphore_mem>>)
      %scan3A_735 = arith.constant 0 : i32
      scf.yield %scan3A_735 : i32
    }
    %scan3A_34 = arith.constant 4 : i32
    %dma_wait3A = arith.constant 0 : i32
    %dma_wait3A_35 = tpu.memref_slice %arg17[%dma_wait3A] : memref<32768xf32, #tpu.memory_space<vmem>> -> memref<16384xf32, #tpu.memory_space<vmem>>
    %dma_wait3A_36 = arith.constant 0 : i32
    %dma_wait3A_37 = tpu.memref_slice %arg2[%dma_wait3A_36] : memref<4194304xf32, #tpu.memory_space<hbm>> -> memref<16384xf32, #tpu.memory_space<hbm>>
    %dma_wait3A_38 = arith.constant 0 : i32
    %dma_wait3A_39 = tpu.memref_slice %arg17[%dma_wait3A_38] : memref<32768xf32, #tpu.memory_space<vmem>> -> memref<16384xf32, #tpu.memory_space<vmem>>
    %dma_wait3A_40 = arith.constant 0 : i32
    %dma_wait3A_41 = tpu.memref_slice %arg2[%dma_wait3A_40] : memref<4194304xf32, #tpu.memory_space<hbm>> -> memref<16384xf32, #tpu.memory_space<hbm>>
    tpu.wait_dma2 semaphore(%arg24 : memref<!tpu.dma_semaphore, #tpu.memory_space<semaphore_mem>>) src(%dma_wait3A_41 : memref<16384xf32, #tpu.memory_space<hbm>>) dst(%dma_wait3A_39 : memref<16384xf32, #tpu.memory_space<vmem>>)
    %dma_wait3A_42 = arith.constant 0 : i32
    %dma_wait3A_43 = tpu.memref_slice %arg17[%dma_wait3A_42] : memref<32768xf32, #tpu.memory_space<vmem>> -> memref<16384xf32, #tpu.memory_space<vmem>>
    %dma_wait3A_44 = arith.constant 0 : i32
    %dma_wait3A_45 = tpu.memref_slice %arg2[%dma_wait3A_44] : memref<4194304xf32, #tpu.memory_space<hbm>> -> memref<16384xf32, #tpu.memory_space<hbm>>
    %dma_wait3A_46 = arith.constant 0 : i32
    %dma_wait3A_47 = tpu.memref_slice %arg17[%dma_wait3A_46] : memref<32768xf32, #tpu.memory_space<vmem>> -> memref<16384xf32, #tpu.memory_space<vmem>>
    %dma_wait3A_48 = arith.constant 0 : i32
    %dma_wait3A_49 = tpu.memref_slice %arg2[%dma_wait3A_48] : memref<4194304xf32, #tpu.memory_space<hbm>> -> memref<16384xf32, #tpu.memory_space<hbm>>
    tpu.wait_dma2 semaphore(%arg24 : memref<!tpu.dma_semaphore, #tpu.memory_space<semaphore_mem>>) src(%dma_wait3A_49 : memref<16384xf32, #tpu.memory_space<hbm>>) dst(%dma_wait3A_47 : memref<16384xf32, #tpu.memory_space<vmem>>)
    %dma_wait3A_50 = arith.constant 0 : i32
    %dma_wait3A_51 = tpu.memref_slice %arg18[%dma_wait3A_50] : memref<32768xf32, #tpu.memory_space<vmem>> -> memref<16384xf32, #tpu.memory_space<vmem>>
    %dma_wait3A_52 = arith.constant 0 : i32
    %dma_wait3A_53 = tpu.memref_slice %arg2[%dma_wait3A_52] : memref<4194304xf32, #tpu.memory_space<hbm>> -> memref<16384xf32, #tpu.memory_space<hbm>>
    %dma_wait3A_54 = arith.constant 0 : i32
    %dma_wait3A_55 = tpu.memref_slice %arg18[%dma_wait3A_54] : memref<32768xf32, #tpu.memory_space<vmem>> -> memref<16384xf32, #tpu.memory_space<vmem>>
    %dma_wait3A_56 = arith.constant 0 : i32
    %dma_wait3A_57 = tpu.memref_slice %arg2[%dma_wait3A_56] : memref<4194304xf32, #tpu.memory_space<hbm>> -> memref<16384xf32, #tpu.memory_space<hbm>>
    tpu.wait_dma2 semaphore(%arg25 : memref<!tpu.dma_semaphore, #tpu.memory_space<semaphore_mem>>) src(%dma_wait3A_57 : memref<16384xf32, #tpu.memory_space<hbm>>) dst(%dma_wait3A_55 : memref<16384xf32, #tpu.memory_space<vmem>>)
    %dma_wait3A_58 = arith.constant 0 : i32
    %dma_wait3A_59 = tpu.memref_slice %arg18[%dma_wait3A_58] : memref<32768xf32, #tpu.memory_space<vmem>> -> memref<16384xf32, #tpu.memory_space<vmem>>
    %dma_wait3A_60 = arith.constant 0 : i32
    %dma_wait3A_61 = tpu.memref_slice %arg2[%dma_wait3A_60] : memref<4194304xf32, #tpu.memory_space<hbm>> -> memref<16384xf32, #tpu.memory_space<hbm>>
    %dma_wait3A_62 = arith.constant 0 : i32
    %dma_wait3A_63 = tpu.memref_slice %arg18[%dma_wait3A_62] : memref<32768xf32, #tpu.memory_space<vmem>> -> memref<16384xf32, #tpu.memory_space<vmem>>
    %dma_wait3A_64 = arith.constant 0 : i32
    %dma_wait3A_65 = tpu.memref_slice %arg2[%dma_wait3A_64] : memref<4194304xf32, #tpu.memory_space<hbm>> -> memref<16384xf32, #tpu.memory_space<hbm>>
    tpu.wait_dma2 semaphore(%arg25 : memref<!tpu.dma_semaphore, #tpu.memory_space<semaphore_mem>>) src(%dma_wait3A_65 : memref<16384xf32, #tpu.memory_space<hbm>>) dst(%dma_wait3A_63 : memref<16384xf32, #tpu.memory_space<vmem>>)
    return
  }
}

</mosaic_0001>

<sc_bundles>
// kernel: kernel.3.cloned.1.call-start
scs
__scs_entry_jumppad:
0x0: {  	(pc) =	sbr.rel $0x88, $3  }
0x1: {  	(tag) =	ssettag $0x0;
	lr =	simm.s32 $0x1  }
0x2: {  	[smem:$0x3F94] =	sst lr;
	_ =	strace $0xD0000000  }
0x3: {  	_ = 	snop  }
0x4: {  	_ = 	snop  }
0x5: {  	_ = 	snop  }
0x6: {  	_ = 	snop  }
0x7: {  	_ = 	snop  }
__scs_overlays_trampoline_lowered:
0x8: {  	[smem:$0x3FA3] =	sst s0  }
0x9: {  	[smem:$0x3FA4] =	sst s1  }
0xa: {  	[smem:$0x3FA5] =	sst s2  }
0xb: {  	[smem:$0x3FA6] =	sst s3  }
0xc: {  	[smem:$0x3FA7] =	sst s4  }
0xd: {  	[smem:$0x3FA8] =	sst s5  }
0xe: {  	[smem:$0x3FA9] =	sst s6  }
0xf: {  	[smem:$0x3FAA] =	sst s7  }
0x10: {  	[smem:$0x3FAB] =	sst s8  }
0x11: {  	[smem:$0x3FAC] =	sst s9;
	s0 =	simm.s32 @!p0 $0x0  }
0x12: {  	s1 =	sld [smem:$0x3F92];
	s0 =	simm.s32 @p0 $0x1  }
0x13: {  	[smem:$0x3FAD] =	sst s0;
	s0 =	simm.s32 @!p1 $0x0  }
0x14: {  	s2 =	sld [smem:$0x3F91];
	s0 =	simm.s32 @p1 $0x1  }
0x15: {  	[smem:$0x3FAE] =	sst s0;
	s0 =	simm.s32 @!p2 $0x0  }
0x16: {  	s3 =	sld [smem:$0x3FDB];
	s0 =	simm.s32 @p2 $0x1  }
0x17: {  	s4 =	simm.s32 $0x1BF5;
	[smem:$0x3FB0] =	sst s0  }
0x18: {  	s0 =	sld [smem:$0x3F93];
	_ =	swait.ge [sflag:s4], $0x0  }
0x19: {  	s7 =	sld [smem:$0x3F94]  }
0x1a: {  	s8 =	sadd.s32 $0xFFFFE003, lr  }
0x1b: {  	s9 =	sadd.s32 $0xFFFFFEF7, lr;
	s5 =	simm.s32 $0xFFFFFFFF;
	p2 =	slt.u32 s8, $0xFFFFF086  }
0x1c: {  	p1 =	slt.u32 s9, $0xF7A;
	s5 =	simm.s32 @!p2 $0x0  }
0x1d: {  	s5 =	simm.s32 @p1 $0x1;
	p0 =	seq.s32 s7, s2  }
0x1e: {  	s7 =	smul.u32 @!p0 $0xF7A, s2;
	p2 =	seq.s32 @!p0 s5, $0x0  }
0x1f: {  	s9 =	smul.u32 $0xF7A, s1;
	s8 =	simm.s32 @!p0 $0x1BF5;
	p2 =	por !p2, p0  }
0x20: {  	[sflag:s8] =	ssyncset.s32 @!p0 $0xFFFFF086;
	s6 =	sadd.s32 @!p0 s3, s7;
	s7 =	simm.s32 @!p0 $0x108  }
0x21: {  	s3 =	sadd.s32 s3, s9;
	s6 =	sadd.s32 @!p0 $0x88, s6;
	s7 =	simm.s32 @p2 $0x1082  }
0x22: {  	[simem:s7], [sflag:s8] =	dma.local @!p0 [hbm:s6], $0xF7A  }
0x23: {  	s9 =	sor.u32 $0xD0000000, s2;
	s6 =	simm.s32 $0x108;
	_ =	swait.ge @!p0 [sflag:s8], $0x0  }
0x24: {  	s3 =	sadd.s32 $0x88, s3;
	s6 =	simm.s32 @!p1 $0x1082;
	[sflag:s4] =	ssyncset.s32 $0xFFFFF086  }
0x25: {  	[simem:s6], [sflag:s4] =	dma.local [hbm:s3], $0xF7A  }
0x26: {  	[smem:$0x3F94] =	sst s1;
	(tag) =	ssettag s2;
	_ =	strace s9  }
0x27: {  	s1 =	sld [smem:$0x3FA4]  }
0x28: {  	s2 =	sld [smem:$0x3FA5]  }
0x29: {  	s4 =	sld [smem:$0x3FA7]  }
0x2a: {  	p0 =	seq.s32 s5, $0x0;
	s5 =	sld [smem:$0x3FA8]  }
0x2b: {  	s6 =	sld [smem:$0x3FA9]  }
0x2c: {  	s7 =	sld [smem:$0x3FAA]  }
0x2d: {  	s3 =	simm.s32 $0x108;
	s8 =	sld [smem:$0x3FAB]  }
0x2e: {  	s3 =	simm.s32 @!p0 $0x1082;
	s9 =	sld [smem:$0x3FAC]  }
0x2f: {  	lr =	sadd.s32 s0, s3;
	s0 =	sld [smem:$0x3FA3]  }
0x30: {  	s3 =	sld [smem:$0x3FA6]  }
0x31: {  	[smem:$0x3FAF] =	sst s10  }
0x32: {  	s10 =	sld [smem:$0x3FAD];
	_ =	sdelay $0x3  }
0x33: {  	p0 =	seq.s32 s10, $0x1;
	s10 =	sld [smem:$0x3FAF];
	_ =	sdelay $0x3  }
0x34: {  	[smem:$0x3FAF] =	sst s10  }
0x35: {  	s10 =	sld [smem:$0x3FAE];
	_ =	sdelay $0x3  }
0x36: {  	p1 =	seq.s32 s10, $0x1;
	s10 =	sld [smem:$0x3FAF];
	_ =	sdelay $0x3  }
0x37: {  	[smem:$0x3FAF] =	sst s10  }
0x38: {  	s10 =	sld [smem:$0x3FB0]  }
0x39: {  	_ = 	snop;
	(pc) =	sbr.ind lr, $3  }
0x3a: {  	_ = 	snop  }
0x3b: {  	_ = 	snop  }
0x3c: {  	p2 =	seq.s32 s10, $0x1;
	s10 =	sld [smem:$0x3FAF]  }
0x3d: {  	_ =	shalt  }
0x3e: {  	_ =	shalt  }
0x3f: {  	_ =	shalt  }
0x40: {  	_ =	shalt  }
0x41: {  	_ =	shalt  }
0x42: {  	_ =	shalt  }
0x43: {  	_ =	shalt  }
0x44: {  	_ =	shalt  }
0x45: {  	_ =	shalt  }
0x46: {  	_ =	shalt  }
0x47: {  	_ =	shalt  }
0x48: {  	_ =	shalt  }
0x49: {  	_ =	shalt  }
0x4a: {  	_ =	shalt  }
0x4b: {  	_ =	shalt  }
0x4c: {  	_ =	shalt  }
0x4d: {  	_ =	shalt  }
0x4e: {  	_ =	shalt  }
0x4f: {  	_ =	shalt  }
0x50: {  	_ =	shalt  }
0x51: {  	_ =	shalt  }
0x52: {  	_ =	shalt  }
0x53: {  	_ =	shalt  }
0x54: {  	_ =	shalt  }
0x55: {  	_ =	shalt  }
0x56: {  	_ =	shalt  }
0x57: {  	_ =	shalt  }
0x58: {  	_ =	shalt  }
0x59: {  	_ =	shalt  }
0x5a: {  	_ =	shalt  }
0x5b: {  	_ =	shalt  }
0x5c: {  	_ =	shalt  }
0x5d: {  	_ =	shalt  }
0x5e: {  	_ =	shalt  }
0x5f: {  	_ =	shalt  }
0x60: {  	_ =	shalt  }
0x61: {  	_ =	shalt  }
0x62: {  	_ =	shalt  }
0x63: {  	_ =	shalt  }
0x64: {  	_ =	shalt  }
0x65: {  	_ =	shalt  }
0x66: {  	_ =	shalt  }
0x67: {  	_ =	shalt  }
0x68: {  	_ =	shalt  }
0x69: {  	_ =	shalt  }
0x6a: {  	_ =	shalt  }
0x6b: {  	_ =	shalt  }
0x6c: {  	_ =	shalt  }
0x6d: {  	_ =	shalt  }
0x6e: {  	_ =	shalt  }
0x6f: {  	_ =	shalt  }
0x70: {  	_ =	shalt  }
0x71: {  	_ =	shalt  }
0x72: {  	_ =	shalt  }
0x73: {  	_ =	shalt  }
0x74: {  	_ =	shalt  }
0x75: {  	_ =	shalt  }
0x76: {  	_ =	shalt  }
0x77: {  	_ =	shalt  }
0x78: {  	_ =	shalt  }
0x79: {  	_ =	shalt  }
0x7a: {  	_ =	shalt  }
0x7b: {  	_ =	shalt  }
0x7c: {  	_ =	shalt  }
0x7d: {  	_ =	shalt  }
0x7e: {  	_ =	shalt  }
0x7f: {  	_ =	shalt  }
0x80: {  	_ =	shalt  }
0x81: {  	_ =	shalt  }
0x82: {  	_ =	shalt  }
0x83: {  	_ =	shalt  }
0x84: {  	_ =	shalt  }
0x85: {  	_ =	shalt  }
0x86: {  	_ =	shalt  }
0x87: {  	_ =	shalt  }
.Lfunc_end0:
.L_simem_size_0:
called_computation_lowered:
.L_overlay_start_0:
0x88: {  	s2 =	sld [smem:$0x3FD9]  }
0x89: {  	s3 =	sld [smem:$0x3FFE];
	_ =	sdelay $0x1  }
0x8a: {  	s1 =	srdreg.scid  }
0x8b: {  	s0 =	sand.u32 $0x1, s1  }
0x8c: {  	s23 =	sshll.u32 s0, $0xA;
	s2 =	sadd.s32 s3, s2  }
0x8d: {  	s2 =	sadd.s32 s2, s23  }
0x8e: {  	[smem:$0x3FBB] =	sst s2  }
0x8f: {  	_ = 	snop  }
0x90: {  	s2 =	sld [smem:$0x3FC9]  }
0x91: {  	s3 =	sld [smem:$0x3FC8]  }
0x92: {  	s4 =	sld [smem:$0x3FC7]  }
0x93: {  	s5 =	sld [smem:$0x3FC6]  }
0x94: {  	s6 =	sld [smem:$0x3FC5]  }
0x95: {  	s7 =	sld [smem:$0x3FC4]  }
0x96: {  	s8 =	sld [smem:$0x3FC3]  }
0x97: {  	s9 =	sld [smem:$0x3FC2]  }
0x98: {  	s10 =	sld [smem:$0x3FC1]  }
0x99: {  	s14 =	sld [smem:$0x3FD0]  }
0x9a: {  	s11 =	sld [smem:$0x3FC0]  }
0x9b: {  	s12 =	sld [smem:$0x3FBF]  }
0x9c: {  	s15 =	simm.s32 $0xA;
	s16 =	simm.s32 $0x10;
	s13 =	sld [smem:$0x3FBE]  }
0x9d: {  	[smem:s16], [sflag:s15] =	dma.local [hbm:s14], $0x1  }
0x9e: {  	_ =	swait.eq [sflag:s15], $0x1  }
0x9f: {  	[sflag:s15] =	ssyncset.done $0x0  }
0xa0: {  	[sflag:s15] =	ssyncadd.s32 $0xFFFFFFFF  }
0xa1: {  	s14 =	sld [smem:$0x11];
	(tm) =	ssettm $0x1  }
0xa2: {  	s24 =	sld [smem:$0x3FFB];
	_ =	sdelay $0x3  }
0xa3: {  	_ =	strace s24  }
0xa4: {  	s15 =	sld [smem:$0x3FFC];
	_ =	sdelay $0x3  }
0xa5: {  	_ =	strace s15  }
0xa6: {  	s15 =	sld [smem:$0x3FFD];
	_ =	sdelay $0x3  }
0xa7: {  	_ =	strace s15  }
0xa8: {  	_ =	strace $0x8FFFFFFF  }
0xa9: {  	s25 =	sld [smem:$0x3FDB];
	_ =	sdelay $0x1  }
0xaa: {  	s26 =	simm.s32 $_scs_section_size  }
0xab: {  	s17 =	simm.s32 $_size__tile_task_arg_handler_lowered;
	s18 =	simm.s32 $_tile_task_arg_handler_lowered  }
0xac: {  	s30 =	simm.s32 $0x1BFF;
	s29 =	sshll.u32 s18, $0x1;
	s16 =	sadd.s32 s26, s25  }
0xad: {  	s19 =	simm.s32 $0x60;
	s28 =	sshll.u32 s17, $0x1;
	s17 =	sadd.s32 s29, s16  }
0xae: {  	[timem:s19], [sflag:s30] =	dma.local [hbm:s17], s28  }
0xaf: {  	_ =	swait.ge [sflag:s30], s28  }
0xb0: {  	s31 =	simm.s32 $_tile_overlayer_lowered;
	s15 =	ssub.s32 $0x0, s28;
	[sflag:s30] =	ssyncset.done $0x0  }
0xb1: {  	s19 =	simm.s32 $_size__tile_overlayer_lowered;
	s17 =	sshll.u32 s31, $0x1;
	[sflag:s30] =	ssyncadd.s32 s15  }
0xb2: {  	s21 =	simm.s32 $0x0;
	s20 =	sshll.u32 s19, $0x1;
	s17 =	sadd.s32 s17, s16  }
0xb3: {  	[timem:s21], [sflag:s30] =	dma.local [hbm:s17], s20  }
0xb4: {  	_ =	swait.ge [sflag:s30], s20  }
0xb5: {  	s22 =	ssub.s32 $0x0, s20;
	[sflag:s30] =	ssyncset.done $0x0  }
0xb6: {  	[sflag:s30] =	ssyncadd.s32 s22;
	_ =	sdelay $0x1  }
0xb7: {  	s23 =	simm.s32 $0x1B8B  }
0xb8: {  	_ =	swait.ge [sflag:s23], $0x1  }
0xb9: {  	[sflag:s23] =	ssyncset.done $0x0  }
0xba: {  	s25 =	simm.s32 $0x1B8E;
	s24 =	sld [smem:$0x3FFE];
	[sflag:s23] =	ssyncadd.s32 $0xFFFFFFFF  }
0xbb: {  	s26 =	simm.s32 $execute0_lowered;
	[smem:$0x3FD2] =	sst s25  }
0xbc: {  	s18 =	sshll.u32 s26, $0x1;
	_ =	strace $0x80000046;
	[dreg:$0x1] =	wrdreg $0xFFFFFFFF  }
0xbd: {  	s16 =	sadd.s32 s16, s18;
	s28 =	simm.s32 $_size_execute0_lowered;
	[dreg:$0x0] =	wrdreg $0x0  }
0xbe: {  	s18 =	sshll.u32 s28, $0x1;
	[dreg:$0x2] =	wrdreg s16  }
0xbf: {  	[dreg:$0x3] =	wrdreg s18  }
0xc0: {  	[dreg:$0x4] =	wrdreg $0xC0  }
0xc1: {  	_ =	task [dreg:s21], $0x5FFFF  }
0xc2: {  	[dreg:$0x1] =	wrdreg $0xFFFFFFFF  }
0xc3: {  	[dreg:$0x0] =	wrdreg $0x30  }
0xc4: {  	[dreg:$0x2] =	wrdreg $0x0  }
0xc5: {  	[dreg:$0x3] =	wrdreg $0x9  }
0xc6: {  	_ =	task [dreg:s21], $0x4FFFF  }
0xc7: {  	[dreg:$0x1] =	wrdreg $0xFFFFFFFF  }
0xc8: {  	[dreg:$0x0] =	wrdreg $0x60  }
0xc9: {  	[dreg:$0x2] =	wrdreg s2  }
0xca: {  	[dreg:$0x3] =	wrdreg s3  }
0xcb: {  	[dreg:$0x4] =	wrdreg s4  }
0xcc: {  	[dreg:$0x5] =	wrdreg s5  }
0xcd: {  	[dreg:$0x6] =	wrdreg s6  }
0xce: {  	[dreg:$0x7] =	wrdreg s7  }
0xcf: {  	[dreg:$0x8] =	wrdreg s8  }
0xd0: {  	[dreg:$0x9] =	wrdreg s9  }
0xd1: {  	[dreg:$0xa] =	wrdreg s10  }
0xd2: {  	[dreg:$0xb] =	wrdreg s11  }
0xd3: {  	[dreg:$0xc] =	wrdreg s12  }
0xd4: {  	[dreg:$0xd] =	wrdreg s13  }
0xd5: {  	[dreg:$0xe] =	wrdreg s24  }
0xd6: {  	[dreg:$0xf] =	wrdreg s14  }
0xd7: {  	_ =	task.clear_ibuf [dreg:s21], $0x10FFFF;
	_ =	strace $0x90000046  }
0xd8: {  	s29 =	simm.s32 $0x9;
	_ =	strace $0x80000048  }
0xd9: {  	_ =	swait.ge [sflag:s29], $0x1  }
0xda: {  	[sflag:s29] =	ssyncadd.s32 $0xFFFFFFFF  }
0xdb: {  	_ =	strace $0x90000048  }
0xdc: {  	_ =	sfence  }
0xdd: {  	s30 =	sld [smem:$0x0];
	_ =	sdelay $0x2  }
0xde: {  	s31 =	sshll.u32 s1, $0xD;
	s1 =	sshrl.u32 s1, $0x2  }
0xdf: {  	s3 =	sand.u32 $0x4000, s31;
	s1 =	sadd.s32 s1, s30  }
0xe0: {  	s0 =	sor.u32 s3, s0;
	s1 =	sshll.u32 s1, $0x11  }
0xe1: {  	s0 =	sor.u32 s1, s0  }
0xe2: {  	s0 =	sadd.s32 $0x8F2B, s0  }
0xe3: {  	[sflag:s0] =	ssyncadd.remote.s32 $0x1  }
0xe4: {  	_ =	sfence.sel $0xFFFF  }
0xe5: {  	[dreg:$0x0] =	wrdreg $0xFFFFFFFF;
	(pc) =	sbr.abs _section_cstart, $3  }
0xe6: {  	[dreg:$0x1] =	wrdreg $0xFFFFFFFF  }
0xe7: {  	_ =	task.clear_ibuf [dreg:s21], $0x2FFFF;
	_ =	strace $0x9FFFFFFF  }
0xe8: {  	(tm) =	ssettm $0x7FFFFFFF  }
0xe9: {  	_ =	shalt  }
tec
_tile_task_arg_handler_lowered:
.L_overlay_start_1:
0x0: {  	(tag) =	ssettag $0x1  }
0x1: {  	s0 =	rddreg [dreg:$0x0]  }
0x2: {  	s1 =	rddreg [dreg:$0x1]  }
0x3: {  	s2 =	rddreg [dreg:$0x2]  }
0x4: {  	s3 =	rddreg [dreg:$0x3]  }
0x5: {  	s4 =	rddreg [dreg:$0x4]  }
0x6: {  	s5 =	rddreg [dreg:$0x5]  }
0x7: {  	s6 =	rddreg [dreg:$0x6]  }
0x8: {  	s7 =	rddreg [dreg:$0x7]  }
0x9: {  	s8 =	rddreg [dreg:$0x8]  }
0xa: {  	s9 =	rddreg [dreg:$0x9]  }
0xb: {  	s10 =	rddreg [dreg:$0xa]  }
0xc: {  	s11 =	rddreg [dreg:$0xb]  }
0xd: {  	s12 =	rddreg [dreg:$0xc]  }
0xe: {  	s13 =	rddreg [dreg:$0xd]  }
0xf: {  	[smem:s0] =	sst s1  }
0x10: {  	[smem:s0+$0x1] =	sst s2  }
0x11: {  	[smem:s0+$0x2] =	sst s3  }
0x12: {  	[smem:s0+$0x3] =	sst s4  }
0x13: {  	[smem:s0+$0x4] =	sst s5  }
0x14: {  	[smem:s0+$0x5] =	sst s6  }
0x15: {  	[smem:s0+$0x6] =	sst s7  }
0x16: {  	[smem:s0+$0x7] =	sst s8  }
0x17: {  	[smem:s0+$0x8] =	sst s9  }
0x18: {  	[smem:s0+$0x9] =	sst s10  }
0x19: {  	[smem:s0+$0xA] =	sst s11  }
0x1a: {  	[smem:s0+$0xB] =	sst s12  }
0x1b: {  	[smem:s0+$0xC] =	sst s13;
	_ =	shalt  }
.Lfunc_end2:
execute0_lowered:
.L_overlay_start_2:
0x1c: {  	(tag) =	ssettag $0x2  }
0x1d: {  	s4 =	rddreg [dreg:$0x0]  }
0x1e: {  	s5 =	rddreg [dreg:$0x1]  }
0x1f: {  	s0 =	rddreg [dreg:$0xc];
	s15 =	simm.s32 $0x0  }
0x20: {  	s1 =	srdreg.scid;
	[smem:$0x7FF] =	sst s15  }
0x21: {  	s3 =	stileid.u32;
	s2 =	sld [smem:$0x0]  }
0x22: {  	s6 =	rddreg [dreg:$0xd];
	s1 =	sand.u32 $0x1, s1;
	s3 =	sshll.u32 s3, $0x1  }
0x23: {  	s0 =	sadd.s32 $0x400, s0;
	s7 =	ssub.s32 $0x2, s1;
	s1 =	sor.u32 s1, s3  }
0x24: {  	s9 =	sshll.u32 s1, $0xF;
	s1 =	sshll.u32 s1, $0xC;
	[dreg:$0xe] =	wrdreg s2  }
0x25: {  	s10 =	sadd.s32 s4, s1;
	_ =	strace $0x80000047;
	[dreg:$0xf] =	wrdreg s0  }
0x26: {  	s11 =	sadd.s32 $0x800, s4;
	[dreg:$0x11] =	wrdreg s10  }
0x27: {  	s1 =	sadd.s32 s1, s11;
	[dreg:$0x12] =	wrdreg s11  }
0x28: {  	s13 =	sor.u32 $0x2000, s9;
	[dreg:$0x14] =	wrdreg s1  }
0x29: {  	s14 =	sor.u32 $0x3000, s9;
	[dreg:$0x17] =	wrdreg s13  }
0x2a: {  	s16 =	sor.u32 $0x4000, s9;
	[dreg:$0x18] =	wrdreg s14  }
0x2b: {  	s29 =	simm.s32 $0xC000;
	s19 =	sor.u32 $0x5000, s9;
	[dreg:$0x19] =	wrdreg s16  }
0x2c: {  	s31 =	simm.s32 $0x1;
	s20 =	sor.u32 $0x6000, s9;
	[dreg:$0x1d] =	wrdreg s19  }
0x2d: {  	s30 =	simm.s32 $0x5;
	s21 =	sor.u32 $0x7000, s9;
	[dreg:$0x1e] =	wrdreg s20  }
0x2e: {  	s25 =	sadd.s32 $0x800, s5;
	s26 =	sadd.s32 $0x10, s6;
	[dreg:$0x1f] =	wrdreg s21  }
0x2f: {  	s28 =	sadd.s32 $0x20, s6;
	s24 =	sadd.s32 $0x8000, s9;
	[dreg:$0x10] =	wrdreg s9  }
0x30: {  	s8 =	sshrl.u32 s7, $0x1;
	s18 =	sshrl.u32 s16, $0x3;
	[smem:$0x7FA] =	sst s24  }
0x31: {  	s23 =	sshrl.u32 s21, $0x3;
	s2 =	simm.s32 $0x0;
	[smem:$0x7FB] =	sst s25  }
0x32: {  	s0 =	ssub.s32 s7, s8;
	s7 =	sor.u32 $0x1000, s9;
	[smem:$0x7FC] =	sst s26  }
0x33: {  	s1 =	sshrl.u32 s14, $0x3;
	[smem:$0x7FD] =	sst s28;
	s11 =	sadd.s32 $0x30, s6  }
0x34: {  	s24 =	sadd.s32 $0x50, s6;
	s26 =	simm.s32 $0x8000;
	s14 =	simm.s32 $0x80  }
0x35: {  	s25 =	simm.s32 $0x400;
	s16 =	simm.s32 $0x14000;
	s0 =	smax.u32 s0, $0x1  }
0x36: {  	[dreg:$0x13] =	wrdreg s7;
	s12 =	sshrl.u32 s7, $0x3;
	s17 =	sadd.s32 s4, s1  }
0x37: {  	s1 =	sshrl.u32 s20, $0x3;
	[dreg:$0x15] =	wrdreg s0;
	s0 =	sadd.s32 s4, s12  }
0x38: {  	s20 =	sadd.s32 $0x40, s6;
	[dreg:$0x16] =	wrdreg s0;
	s0 =	sshrl.u32 s13, $0x3  }
0x39: {  	s6 =	simm.s32 $0x6;
	[dreg:$0x1b] =	wrdreg s17;
	s0 =	sadd.s32 s4, s0  }
.Ltmp0:
0x3a: {  	[dreg:$0x1a] =	wrdreg s0;
	s0 =	sadd.s32 s4, s18;
	(pc) =	sbr.rel .LBB3_1-.Ltmp0, $4  }
0x3b: {  	s22 =	sadd.s32 s4, s1;
	[dreg:$0x1c] =	wrdreg s0;
	s0 =	sshrl.u32 s19, $0x3  }
0x3c: {  	[smem:$0x7F8] =	sst s22;
	s22 =	simm.s32 $0x2;
	s0 =	sadd.s32 s4, s0  }
0x3d: {  	s18 =	simm.s32 $0x10000;
	[smem:$0x7F7] =	sst s0;
	s0 =	sadd.s32 s4, s23  }
0x3e: {  	s19 =	simm.s32 $0x4;
	[smem:$0x7F9] =	sst s0;
	s0 =	simm.s32 $0x3  }
.LBB3_75:
0x3f: {  	_ =	swait.ge [sflag:s30], $0x4000  }
0x40: {  	[sflag:s30] =	ssyncset.done $0x0  }
0x41: {  	[sflag:s30] =	ssyncadd.s32 $0xFFFFC000  }
0x42: {  	_ =	swait.ge [sflag:s30], $0x4000  }
0x43: {  	[sflag:s30] =	ssyncset.done $0x0  }
0x44: {  	[sflag:s30] =	ssyncadd.s32 $0xFFFFC000  }
0x45: {  	_ =	swait.ge [sflag:s6], $0x4000  }
0x46: {  	[sflag:s6] =	ssyncset.done $0x0  }
0x47: {  	[sflag:s6] =	ssyncadd.s32 $0xFFFFC000  }
0x48: {  	_ =	swait.ge [sflag:s6], $0x4000  }
0x49: {  	s2 =	sld [smem:$0x7F6];
	_ =	sdelay $0x2  }
0x4a: {  	s1 =	rddreg [dreg:$0x15];
	s2 =	sadd.s32 $0x1, s2  }
0x4b: {  	p0 =	sne.s32 s2, s1  }
.Ltmp1:
0x4c: {  	_ = 	snop;
	(pc) =	sbr.rel @!p0 .LBB3_76-.Ltmp1, $3  }
0x4d: {  	_ =	sdelay $0x1  }
0x4e: {  	[sflag:s6] =	ssyncset.done $0x0  }
0x4f: {  	[sflag:s6] =	ssyncadd.s32 $0xFFFFC000  }
.LBB3_1:
0x50: {  	[smem:$0x7F6] =	sst s2  }
0x51: {  	s1 =	rddreg [dreg:$0xf];
	s23 =	simm.s32 $0x18000;
	s28 =	simm.s32 $0x7  }
0x52: {  	[tilespmem:s23], [sflag:$0x7] =	stream.linear.gather [hbm4b:s1+s15], $0x80, $0x38;
	[tilespmem:$0x18080] =	vst v63  }
0x53: {  	_ =	swait.ge [sflag:s28], $0x80  }
0x54: {  	[sflag:s28] =	ssyncset.done $0x0  }
0x55: {  	[sflag:s28] =	ssyncadd.s32 $0xFFFFFF80  }
0x56: {  	v0 =	vld [tilespmem:$0x18000];
	_ =	sdelay $0x4  }
0x57: {  	(v2sf) =	vpush v0, $0x0;
	_ =	sdelay $0xd  }
0x58: {  	s4 =	sld [smem:$0x7FA]  }
0x59: {  	s1 =	spop (v2sf)  }
0x5a: {  	s3 =	rddreg [dreg:$0x10];
	s2 =	sadd.s32 $0x100000, s1  }
0x5b: {  	p0 =	slt.s32 s3, s1;
	p1 =	sgt.s32 s4, s2  }
0x5c: {  	p2 =	por p0, p1  }
.Ltmp2:
0x5d: {  	_ = 	snop;
	(pc) =	sbr.rel @!p2 .LBB3_5-.Ltmp2, $4  }
0x5e: {  	_ = 	snop  }
0x5f: {  	p3 =	sgt.s32 s4, s1;
	p4 =	slt.s32 s3, s2  }
0x60: {  	p6 =	por !p3, !p4  }
0x61: {  	s3 =	ssub.s32 s3, s1;
	p1 =	por !p6, !p6  }
.Ltmp3:
0x62: {  	(pc) =	sbr.rel @!p1 .LBB3_6-.Ltmp3, $1  }
0x63: {  	_ =	sdelay $0x3  }
0x64: {  	p1 =	por !p2, !p1  }
0x65: {  	p1 =	por !p1, !p1  }
.Ltmp4:
0x66: {  	_ = 	snop;
	(pc) =	sbr.rel @!p1 .LBB3_7-.Ltmp4, $1  }
0x67: {  	_ =	sdelay $0x3  }
0x68: {  	s4 =	rddreg [dreg:$0x6]  }
0x69: {  	s3 =	sshrl.u32 s3, $0x3;
	s5 =	rddreg [dreg:$0x11]  }
0x6a: {  	s8 =	rddreg [dreg:$0x13];
	s3 =	sadd.s32 s4, s3  }
0x6b: {  	s9 =	ssub.s32 s8, s1;
	s3 =	smov.u32 @p0 s5  }
0x6c: {  	[tilespmem:s15], [sflag:$0x1] =	stream.linear.gather [hbm4b:s3+s15], $0x1000, $0x38;
	[tilespmem:$0x18080] =	vst v63  }
0x6d: {  	s3 =	sshrl.u32 s9, $0x3  }
0x6e: {  	p0 =	sge.s32 s8, s2;
	s5 =	rddreg [dreg:$0x16];
	s3 =	sadd.s32 s4, s3  }
0x6f: {  	s12 =	rddreg [dreg:$0x17];
	p1 =	slt.s32 s8, s1;
	s3 =	smov.u32 @p0 s5  }
0x70: {  	s10 =	simm.s32 $0x1000;
	s13 =	ssub.s32 s12, s1;
	s3 =	smov.u32 @p1 s5  }
0x71: {  	[tilespmem:s10], [sflag:$0x1] =	stream.linear.gather [hbm4b:s3+s15], $0x1000, $0x38;
	[tilespmem:$0x18080] =	vst v63  }
0x72: {  	s3 =	sshrl.u32 s13, $0x3  }
0x73: {  	p0 =	sge.s32 s12, s2;
	s5 =	rddreg [dreg:$0x1a];
	s3 =	sadd.s32 s4, s3  }
0x74: {  	s21 =	rddreg [dreg:$0x18];
	p1 =	slt.s32 s12, s1;
	s3 =	smov.u32 @p0 s5  }
0x75: {  	s17 =	simm.s32 $0x2000;
	s23 =	ssub.s32 s21, s1;
	s3 =	smov.u32 @p1 s5  }
0x76: {  	[tilespmem:s17], [sflag:$0x1] =	stream.linear.gather [hbm4b:s3+s15], $0x1000, $0x38;
	[tilespmem:$0x18080] =	vst v63  }
0x77: {  	s3 =	sshrl.u32 s23, $0x3  }
0x78: {  	p0 =	sge.s32 s21, s2;
	s5 =	rddreg [dreg:$0x1b];
	s3 =	sadd.s32 s4, s3  }
0x79: {  	s7 =	rddreg [dreg:$0x19];
	p1 =	slt.s32 s21, s1;
	s3 =	smov.u32 @p0 s5  }
0x7a: {  	s28 =	simm.s32 $0x3000;
	s8 =	ssub.s32 s7, s1;
	s3 =	smov.u32 @p1 s5  }
0x7b: {  	[tilespmem:s28], [sflag:$0x1] =	stream.linear.gather [hbm4b:s3+s15], $0x1000, $0x38;
	[tilespmem:$0x18080] =	vst v63  }
0x7c: {  	s9 =	simm.s32 $0x4000;
	s3 =	sshrl.u32 s8, $0x3  }
0x7d: {  	p0 =	sge.s32 s7, s2;
	s5 =	rddreg [dreg:$0x1c];
	s3 =	sadd.s32 s4, s3  }
0x7e: {  	s10 =	rddreg [dreg:$0x1d];
	p1 =	slt.s32 s7, s1;
	s3 =	smov.u32 @p0 s5  }
0x7f: {  	s12 =	ssub.s32 s10, s1;
	s3 =	smov.u32 @p1 s5;
	s5 =	sld [smem:$0x7F7]  }
0x80: {  	[tilespmem:s9], [sflag:$0x1] =	stream.linear.gather [hbm4b:s3+s15], $0x1000, $0x38;
	[tilespmem:$0x18080] =	vst v63  }
0x81: {  	s3 =	sshrl.u32 s12, $0x3  }
0x82: {  	s13 =	simm.s32 $0x5000;
	p0 =	sge.s32 s10, s2;
	s3 =	sadd.s32 s4, s3  }
0x83: {  	s17 =	rddreg [dreg:$0x1e];
	p1 =	slt.s32 s10, s1;
	s3 =	smov.u32 @p0 s5  }
0x84: {  	s21 =	ssub.s32 s17, s1;
	s3 =	smov.u32 @p1 s5;
	s5 =	sld [smem:$0x7F8]  }
0x85: {  	[tilespmem:s13], [sflag:$0x1] =	stream.linear.gather [hbm4b:s3+s15], $0x1000, $0x38;
	[tilespmem:$0x18080] =	vst v63  }
0x86: {  	s3 =	sshrl.u32 s21, $0x3  }
0x87: {  	p0 =	sge.s32 s17, s2;
	s3 =	sadd.s32 s4, s3  }
0x88: {  	p1 =	slt.s32 s17, s1;
	s3 =	smov.u32 @p0 s5  }
0x89: {  	s23 =	simm.s32 $0x6000;
	s3 =	smov.u32 @p1 s5  }
0x8a: {  	[tilespmem:s23], [sflag:$0x1] =	stream.linear.gather [hbm4b:s3+s15], $0x1000, $0x38;
	[tilespmem:$0x18080] =	vst v63  }
0x8b: {  	s3 =	rddreg [dreg:$0x1f]  }
0x8c: {  	p0 =	slt.s32 s3, s1  }
0x8d: {  	p1 =	sge.s32 @!p0 s3, s2  }
0x8e: {  	p0 =	por p0, p1  }
0x8f: {  	s3 =	sld @p0 [smem:$0x7F9];
	_ =	sdelay $0x1  }
.Ltmp5:
0x90: {  	_ = 	snop;
	(pc) =	sbr.rel .LBB3_7-.Ltmp5, $4  }
0x91: {  	s3 =	ssub.s32 @!p0 s3, s1  }
0x92: {  	s3 =	sshrl.u32 @!p0 s3, $0x3  }
0x93: {  	s28 =	simm.s32 $0x7000;
	s3 =	sadd.s32 @!p0 s4, s3  }
0x94: {  	[tilespmem:s28], [sflag:$0x1] =	stream.linear.gather [hbm4b:s3+s15], $0x1000, $0x38;
	[tilespmem:$0x18080] =	vst v63  }
.LBB3_5:
0x95: {  	s4 =	sshrl.u32 s3, $0x3  }
.Ltmp6:
0x96: {  	s5 =	rddreg [dreg:$0x6];
	s23 =	sadd.s32 $0x4000, s3;
	(pc) =	sbr.rel @p1 .LBB3_7-.Ltmp6, $4  }
0x97: {  	s4 =	sadd.s32 s5, s4;
	s3 =	sshrl.u32 s23, $0x3  }
0x98: {  	[tilespmem:s15], [sflag:$0x1] =	stream.linear.gather [hbm4b:s4+s15], $0x4000, $0x38;
	[tilespmem:$0x18080] =	vst v63  }
0x99: {  	s28 =	simm.s32 $0x4000;
	s3 =	sadd.s32 s5, s3  }
0x9a: {  	[tilespmem:s28], [sflag:$0x1] =	stream.linear.gather [hbm4b:s3+s15], $0x4000, $0x38;
	[tilespmem:$0x18080] =	vst v63  }
.LBB3_6:
0x9b: {  	s3 =	rddreg [dreg:$0x11]  }
0x9c: {  	[tilespmem:s15], [sflag:$0x1] =	stream.linear.gather [hbm4b:s3+s15], $0x4000, $0x38;
	[tilespmem:$0x18080] =	vst v63  }
0x9d: {  	s28 =	rddreg [dreg:$0x14];
	s4 =	simm.s32 $0x4000  }
0x9e: {  	[tilespmem:s4], [sflag:$0x1] =	stream.linear.gather [hbm4b:s28+s15], $0x4000, $0x38;
	[tilespmem:$0x18080] =	vst v63  }
.LBB3_7:
.Ltmp7:
0x9f: {  	(pc) =	sbr.rel .LBB3_8-.Ltmp7, $2  }
0xa0: {  	_ =	sdelay $0x2  }
0xa1: {  	s5 =	simm.s32 $0x0  }
.LBB3_74:
0xa2: {  	p0 =	sne.s32 s5, $0x4  }
.Ltmp8:
0xa3: {  	_ = 	snop;
	(pc) =	sbr.rel @!p0 .LBB3_75-.Ltmp8, $4  }
0xa4: {  	s3 =	sadd.s32 s3, s24  }
0xa5: {  	[hbm4b:s3+s14] =	stream.strided.scatter [tilespmem:s18], [sflag:$0x6], $0x4000, s25, s14, $0x38;
	[tilespmem:$0x18080] =	vst v63  }
0xa6: {  	s28 =	sadd.s32 s4, s24  }
0xa7: {  	[hbm4b:s28+s14] =	stream.strided.scatter [tilespmem:s16], [sflag:$0x6], $0x4000, s25, s14, $0x38;
	[tilespmem:$0x18080] =	vst v63  }
.LBB3_8:
0xa8: {  	p3 =	seq.s32 s5, $0x0  }
0xa9: {  	s4 =	simm.s32 @!p3 $0x5  }
0xaa: {  	_ =	swait.ge @!p3 [sflag:s4], $0x4000  }
0xab: {  	s3 =	sshll.u32 s5, $0x14;
	s7 =	rddreg [dreg:$0x10]  }
0xac: {  	s3 =	sor.u32 s7, s3  }
0xad: {  	s7 =	sadd.s32 $0x8000, s3  }
0xae: {  	p0 =	sge.s32 s3, s1;
	p1 =	sle.s32 s7, s2  }
0xaf: {  	p0 =	por !p0, !p1  }
0xb0: {  	[sflag:s4] =	ssyncset.done @!p3 $0x0;
	p2 =	por !p0, !p0  }
.Ltmp9:
0xb1: {  	[sflag:s4] =	ssyncadd.s32 @!p3 $0xFFFFC000;
	(pc) =	sbr.rel @!p2 .LBB3_9-.Ltmp9, $4  }
0xb2: {  	_ =	swait.ge @!p3 [sflag:s4], $0x4000;
	p4 =	sge.s32 s3, s2  }
0xb3: {  	s13 =	ssub.s32 s3, s1;
	[sflag:s4] =	ssyncset.done @!p3 $0x0;
	p6 =	sle.s32 s7, s1  }
0xb4: {  	s28 =	sadd.s32 $0x4000, s13;
	s8 =	sshrl.u32 s13, $0x3;
	p1 =	por p4, p6  }
0xb5: {  	[sflag:s4] =	ssyncadd.s32 @!p3 $0xFFFFC000;
	s7 =	sshrl.u32 s28, $0x3;
	p0 =	por p2, p1  }
.Ltmp10:
0xb6: {  	s9 =	rddreg [dreg:$0x7];
	(pc) =	sbr.rel @!p1 .LBB3_14-.Ltmp10, $4  }
.Ltmp11:
0xb7: {  	s4 =	sadd.s32 s9, s8;
	(pc) =	sbr.rel @p1 .LBB3_13-.Ltmp11, $4  }
0xb8: {  	[tilespmem:s26], [sflag:$0x2] =	stream.linear.gather [hbm4b:s4+s15], $0x4000, $0x38;
	[tilespmem:$0x18080] =	vst v63  }
0xb9: {  	s28 =	sadd.s32 s9, s7  }
0xba: {  	[tilespmem:s29], [sflag:$0x2] =	stream.linear.gather [hbm4b:s28+s15], $0x4000, $0x38;
	[tilespmem:$0x18080] =	vst v63  }
0xbb: {  	_ = 	snop  }
.LBB3_9:
.Ltmp12:
0xbc: {  	(pc) =	sbr.rel @!p1 .LBB3_10-.Ltmp12, $1  }
0xbd: {  	_ =	sdelay $0x3  }
.LBB3_13:
0xbe: {  	s9 =	rddreg [dreg:$0x1]  }
0xbf: {  	s4 =	sshrl.u32 s3, $0x3;
	s28 =	sld [smem:$0x7FB]  }
0xc0: {  	s9 =	sadd.s32 s9, s4  }
0xc1: {  	[tilespmem:s26], [sflag:$0x2] =	stream.linear.gather [hbm4b:s9+s15], $0x4000, $0x38;
	[tilespmem:$0x18080] =	vst v63  }
0xc2: {  	s4 =	sadd.s32 s4, s28  }
0xc3: {  	[tilespmem:s29], [sflag:$0x2] =	stream.linear.gather [hbm4b:s4+s15], $0x4000, $0x38;
	[tilespmem:$0x18080] =	vst v63  }
.LBB3_14:
0xc4: {  	_ =	swait.ge [sflag:s31], $0x4000  }
0xc5: {  	[sflag:s31] =	ssyncset.done $0x0  }
0xc6: {  	[sflag:s31] =	ssyncadd.s32 $0xFFFFC000  }
0xc7: {  	_ =	swait.ge [sflag:s31], $0x4000  }
0xc8: {  	[sflag:s31] =	ssyncset.done $0x0  }
0xc9: {  	[sflag:s31] =	ssyncadd.s32 $0xFFFFC000  }
.LBB3_15:
0xca: {  	s10 =	rddreg [dreg:$0xd];
	s28 =	sshrl.u32 s3, $0x7  }
0xcb: {  	s4 =	sadd.s32 s10, s3;
	s9 =	sor.u32 $0x80, s28  }
0xcc: {  	[hbm4b:s4+s14] =	stream.strided.scatter [tilespmem:s15], [sflag:$0x4], $0x4000, s25, s14, $0x38;
	[tilespmem:$0x18080] =	vst v63  }
0xcd: {  	s4 =	sshll.u32 s9, $0x7  }
0xce: {  	s12 =	simm.s32 $0x4000;
	s10 =	sadd.s32 s10, s4  }
0xcf: {  	[hbm4b:s10+s14] =	stream.strided.scatter [tilespmem:s12], [sflag:$0x4], $0x4000, s25, s14, $0x38;
	[tilespmem:$0x18080] =	vst v63  }
0xd0: {  	s10 =	simm.s32 @!p3 $0x6  }
0xd1: {  	_ =	swait.ge @!p3 [sflag:s10], $0x4000  }
.Ltmp13:
0xd2: {  	[sflag:s10] =	ssyncset.done @!p3 $0x0;
	(pc) =	sbr.rel @!p2 .LBB3_16-.Ltmp13, $4  }
0xd3: {  	[sflag:s10] =	ssyncadd.s32 @!p3 $0xFFFFC000  }
0xd4: {  	_ =	swait.ge @!p3 [sflag:s10], $0x4000  }
0xd5: {  	[sflag:s10] =	ssyncset.done @!p3 $0x0  }
0xd6: {  	[sflag:s10] =	ssyncadd.s32 @!p3 $0xFFFFC000  }
.Ltmp14:
0xd7: {  	s12 =	rddreg [dreg:$0x8];
	(pc) =	sbr.rel @!p1 .LBB3_21-.Ltmp14, $4  }
.Ltmp15:
0xd8: {  	s10 =	sadd.s32 s12, s8;
	(pc) =	sbr.rel @p1 .LBB3_20-.Ltmp15, $4  }
0xd9: {  	[tilespmem:s18], [sflag:$0x3] =	stream.linear.gather [hbm4b:s10+s15], $0x4000, $0x38;
	[tilespmem:$0x18080] =	vst v63  }
0xda: {  	s28 =	sadd.s32 s12, s7  }
0xdb: {  	[tilespmem:s16], [sflag:$0x3] =	stream.linear.gather [hbm4b:s28+s15], $0x4000, $0x38;
	[tilespmem:$0x18080] =	vst v63  }
0xdc: {  	_ = 	snop  }
.LBB3_16:
.Ltmp16:
0xdd: {  	(pc) =	sbr.rel @!p1 .LBB3_17-.Ltmp16, $1  }
0xde: {  	_ =	sdelay $0x3  }
.LBB3_20:
0xdf: {  	s10 =	sshrl.u32 s3, $0x3;
	s12 =	rddreg [dreg:$0x2]  }
0xe0: {  	s28 =	sshll.u32 s9, $0x4;
	s10 =	sadd.s32 s12, s10  }
0xe1: {  	[tilespmem:s18], [sflag:$0x3] =	stream.linear.gather [hbm4b:s10+s15], $0x4000, $0x38;
	[tilespmem:$0x18080] =	vst v63  }
0xe2: {  	s10 =	sadd.s32 s12, s28  }
0xe3: {  	[tilespmem:s16], [sflag:$0x3] =	stream.linear.gather [hbm4b:s10+s15], $0x4000, $0x38;
	[tilespmem:$0x18080] =	vst v63  }
.LBB3_21:
0xe4: {  	_ =	swait.ge [sflag:s22], $0x4000  }
0xe5: {  	[sflag:s22] =	ssyncset.done $0x0  }
0xe6: {  	[sflag:s22] =	ssyncadd.s32 $0xFFFFC000  }
0xe7: {  	_ =	swait.ge [sflag:s22], $0x4000  }
0xe8: {  	[sflag:s22] =	ssyncset.done $0x0  }
0xe9: {  	[sflag:s22] =	ssyncadd.s32 $0xFFFFC000  }
.LBB3_22:
0xea: {  	s12 =	sld [smem:$0x7FC];
	_ =	sdelay $0x2  }
0xeb: {  	s10 =	sadd.s32 s3, s12  }
0xec: {  	[hbm4b:s10+s14] =	stream.strided.scatter [tilespmem:s26], [sflag:$0x5], $0x4000, s25, s14, $0x38;
	[tilespmem:$0x18080] =	vst v63  }
0xed: {  	s28 =	sadd.s32 s4, s12  }
0xee: {  	[hbm4b:s28+s14] =	stream.strided.scatter [tilespmem:s29], [sflag:$0x5], $0x4000, s25, s14, $0x38;
	[tilespmem:$0x18080] =	vst v63  }
0xef: {  	_ =	swait.ge [sflag:s19], $0x4000  }
.Ltmp17:
0xf0: {  	[sflag:s19] =	ssyncset.done $0x0;
	(pc) =	sbr.rel @!p2 .LBB3_23-.Ltmp17, $4  }
0xf1: {  	[sflag:s19] =	ssyncadd.s32 $0xFFFFC000  }
0xf2: {  	_ =	swait.ge [sflag:s19], $0x4000  }
0xf3: {  	[sflag:s19] =	ssyncset.done $0x0  }
0xf4: {  	[sflag:s19] =	ssyncadd.s32 $0xFFFFC000  }
.Ltmp18:
0xf5: {  	s12 =	rddreg [dreg:$0x9];
	(pc) =	sbr.rel @!p1 .LBB3_28-.Ltmp18, $4  }
.Ltmp19:
0xf6: {  	s10 =	sadd.s32 s12, s8;
	(pc) =	sbr.rel @p1 .LBB3_27-.Ltmp19, $4  }
0xf7: {  	[tilespmem:s15], [sflag:$0x1] =	stream.linear.gather [hbm4b:s10+s15], $0x4000, $0x38;
	[tilespmem:$0x18080] =	vst v63  }
0xf8: {  	s28 =	simm.s32 $0x4000;
	s23 =	sadd.s32 s12, s7  }
0xf9: {  	[tilespmem:s28], [sflag:$0x1] =	stream.linear.gather [hbm4b:s23+s15], $0x4000, $0x38;
	[tilespmem:$0x18080] =	vst v63  }
0xfa: {  	_ = 	snop  }
.LBB3_23:
.Ltmp20:
0xfb: {  	(pc) =	sbr.rel @!p1 .LBB3_24-.Ltmp20, $1  }
0xfc: {  	_ =	sdelay $0x3  }
.LBB3_27:
0xfd: {  	s10 =	sshrl.u32 s3, $0x3;
	s12 =	rddreg [dreg:$0x3]  }
0xfe: {  	s23 =	sshll.u32 s9, $0x4;
	s10 =	sadd.s32 s12, s10  }
0xff: {  	[tilespmem:s15], [sflag:$0x1] =	stream.linear.gather [hbm4b:s10+s15], $0x4000, $0x38;
	[tilespmem:$0x18080] =	vst v63  }
0x100: {  	s28 =	simm.s32 $0x4000;
	s10 =	sadd.s32 s12, s23  }
0x101: {  	[tilespmem:s28], [sflag:$0x1] =	stream.linear.gather [hbm4b:s10+s15], $0x4000, $0x38;
	[tilespmem:$0x18080] =	vst v63  }
.LBB3_28:
0x102: {  	_ =	swait.ge [sflag:s0], $0x4000  }
0x103: {  	[sflag:s0] =	ssyncset.done $0x0  }
0x104: {  	[sflag:s0] =	ssyncadd.s32 $0xFFFFC000  }
0x105: {  	_ =	swait.ge [sflag:s0], $0x4000  }
0x106: {  	[sflag:s0] =	ssyncset.done $0x0  }
0x107: {  	[sflag:s0] =	ssyncadd.s32 $0xFFFFC000  }
.LBB3_29:
.Ltmp21:
0x108: {  	(pc) =	sbr.rel .LBB3_30-.Ltmp21, $2  }
0x109: {  	_ =	sdelay $0x2  }
0x10a: {  	s10 =	simm.s32 $0x0;
	s23 =	simm.s32 $0x10040  }
.LBB3_34:
0x10b: {  	s10 =	sadd.s32 $0x1, s10  }
0x10c: {  	p3 =	sne.s32 s10, $0x8  }
.Ltmp22:
0x10d: {  	_ = 	snop;
	(pc) =	sbr.rel @!p3 .LBB3_35-.Ltmp22, $2  }
0x10e: {  	_ =	sdelay $0x2  }
0x10f: {  	s23 =	sadd.s32 $0x1000, s23  }
.LBB3_30:
0x110: {  	s12 =	sshll.u32 s10, $0xC  }
0x111: {  	s12 =	sor.u32 s3, s12  }
0x112: {  	p3 =	slt.s32 s12, s1  }
0x113: {  	p4 =	sge.s32 @!p3 s12, s2  }
0x114: {  	p3 =	por p3, p4  }
.Ltmp23:
0x115: {  	_ = 	snop;
	(pc) =	sbr.rel @p3 .LBB3_34-.Ltmp23, $1  }
0x116: {  	_ =	sdelay $0x3  }
0x117: {  	v0 =	vld [tilespmem:s23+$0x30]  }
0x118: {  	v1 =	vld [tilespmem:s23+$0xFFFFFFD0]  }
0x119: {  	v2 =	vld [tilespmem:s23+$0xFFFFFFE0]  }
0x11a: {  	v3 =	vld [tilespmem:s23+$0xFFFFFFF0]  }
0x11b: {  	v7 =	vld [tilespmem:s23+$0xFFFFFFC0]  }
0x11c: {  	v4 =	vld [tilespmem:s23+$0x0]  }
0x11d: {  	v5 =	vld [tilespmem:s23+$0x10];
	v0 =	vmax.f32 v0, $1.000000050e-03  }
0x11e: {  	v6 =	vld [tilespmem:s23+$0x20];
	s17 =	sadd.s32 $0x80, s23;
	v1 =	vmax.f32 v1, $1.000000050e-03;
	v0 =	vmin.f32 v0, $9.990000120e-01  }
0x11f: {  	v2 =	vmax.f32 v2, $1.000000050e-03;
	v1 =	vmin.f32 v1, $9.990000120e-01;
	[tilespmem:s23+$0x30] =	vst v0;
	v0 =	vld [tilespmem:s17+$0x30]  }
0x120: {  	v8 =	vld [tilespmem:s17+$0xFFFFFFD0];
	v7 =	vmax.f32 v7, $1.000000050e-03;
	[tilespmem:s23+$0xFFFFFFD0] =	vst v1;
	v1 =	vmin.f32 v2, $9.990000120e-01  }
0x121: {  	v9 =	vld [tilespmem:s17+$0xFFFFFFE0];
	v7 =	vmin.f32 v7, $9.990000120e-01;
	v2 =	vmax.f32 v3, $1.000000050e-03;
	[tilespmem:s23+$0xFFFFFFE0] =	vst v1;
	v1 =	vmax.f32 v4, $1.000000050e-03  }
0x122: {  	v3 =	vmax.f32 v5, $1.000000050e-03;
	[tilespmem:s23+$0xFFFFFFC0] =	vst v7;
	v2 =	vmin.f32 v2, $9.990000120e-01;
	v4 =	vmin.f32 v1, $9.990000120e-01;
	v1 =	vld [tilespmem:s17+$0xFFFFFFF0]  }
0x123: {  	v5 =	vmin.f32 v3, $9.990000120e-01;
	v3 =	vld [tilespmem:s17+$0x0];
	[tilespmem:s23+$0xFFFFFFF0] =	vst v2  }
0x124: {  	v2 =	vld [tilespmem:s17+$0x10];
	[tilespmem:s23+$0x0] =	vst v4;
	v4 =	vmax.f32 v0, $1.000000050e-03  }
0x125: {  	[tilespmem:s23+$0x10] =	vst v5;
	v5 =	vmax.f32 v6, $1.000000050e-03;
	v6 =	vmax.f32 v8, $1.000000050e-03;
	v0 =	vld [tilespmem:s17+$0x20];
	v8 =	vmin.f32 v4, $9.990000120e-01  }
0x126: {  	s21 =	simm.s32 $0x80;
	s12 =	smov.u32 s23;
	s28 =	sadd.s32 $0x80, s17;
	v7 =	vmax.f32 v9, $1.000000050e-03;
	v5 =	vmin.f32 v5, $9.990000120e-01;
	v6 =	vmin.f32 v6, $9.990000120e-01;
	v4 =	vld [tilespmem:s17+$0xFFFFFFC0];
	[tilespmem:s17+$0x30] =	vst v8  }
.LBB3_32:
0x127: {  	v8 =	vld [tilespmem:s28+$0x30];
	s21 =	sadd.s32 $0x80, s21;
	[tilespmem:s17+$0xFFFFFFD0] =	vst v6;
	v6 =	vmin.f32 v7, $9.990000120e-01;
	v1 =	vmax.f32 v1, $1.000000050e-03  }
0x128: {  	v7 =	vld [tilespmem:s28+$0xFFFFFFD0];
	p3 =	slt.u32 s21, $0xF80;
	[tilespmem:s17+$0xFFFFFFE0] =	vst v6;
	v3 =	vmax.f32 v3, $1.000000050e-03  }
0x129: {  	v6 =	vmin.f32 v1, $9.990000120e-01;
	v9 =	vld [tilespmem:s28+$0xFFFFFFE0];
	v10 =	vmin.f32 v3, $9.990000120e-01;
	v2 =	vmax.f32 v2, $1.000000050e-03;
	[tilespmem:s12+$0x20] =	vst v5;
	s12 =	smov.u32 s17;
	s17 =	smov.u32 s28  }
.Ltmp24:
0x12a: {  	v1 =	vld [tilespmem:s28+$0xFFFFFFF0];
	[tilespmem:s12+$0xFFFFFFF0] =	vst v6;
	v6 =	vmin.f32 v2, $9.990000120e-01;
	v0 =	vmax.f32 v0, $1.000000050e-03;
	(pc) =	sbr.rel @p3 .LBB3_32-.Ltmp24, $4  }
0x12b: {  	v3 =	vld [tilespmem:s28+$0x0];
	v4 =	vmax.f32 v4, $1.000000050e-03;
	[tilespmem:s12+$0x0] =	vst v10;
	v5 =	vmin.f32 v0, $9.990000120e-01  }
0x12c: {  	v2 =	vld [tilespmem:s28+$0x10];
	v8 =	vmax.f32 v8, $1.000000050e-03;
	v4 =	vmin.f32 v4, $9.990000120e-01;
	[tilespmem:s12+$0x10] =	vst v6  }
0x12d: {  	v6 =	vmax.f32 v7, $1.000000050e-03;
	v0 =	vld [tilespmem:s28+$0x20];
	v8 =	vmin.f32 v8, $9.990000120e-01;
	[tilespmem:s12+$0xFFFFFFC0] =	vst v4  }
0x12e: {  	s28 =	sadd.s32 $0x80, s28;
	v4 =	vld [tilespmem:s17+$0xFFFFFFC0];
	v6 =	vmin.f32 v6, $9.990000120e-01;
	v7 =	vmax.f32 v9, $1.000000050e-03;
	[tilespmem:s17+$0x30] =	vst v8  }
0x12f: {  	[tilespmem:s17+$0xFFFFFFD0] =	vst v6  }
0x130: {  	v61 =	vmin.f32 v7, $9.990000120e-01;
	v1 =	vmax.f32 v1, $1.000000050e-03;
	[tilespmem:s12+$0x20] =	vst v5;
	v3 =	vmax.f32 v3, $1.000000050e-03  }
0x131: {  	[tilespmem:s17+$0xFFFFFFE0] =	vst v61;
	v1 =	vmin.f32 v1, $9.990000120e-01;
	v3 =	vmin.f32 v3, $9.990000120e-01  }
.Ltmp25:
0x132: {  	v2 =	vmax.f32 v2, $1.000000050e-03;
	[tilespmem:s17+$0xFFFFFFF0] =	vst v1;
	(pc) =	sbr.rel .LBB3_34-.Ltmp25, $4  }
0x133: {  	v62 =	vmin.f32 v2, $9.990000120e-01;
	[tilespmem:s17+$0x0] =	vst v3;
	v0 =	vmax.f32 v0, $1.000000050e-03  }
0x134: {  	v63 =	vmax.f32 v4, $1.000000050e-03;
	[tilespmem:s17+$0x10] =	vst v62;
	v0 =	vmin.f32 v0, $9.990000120e-01  }
0x135: {  	v2 =	vmin.f32 v63, $9.990000120e-01;
	[tilespmem:s17+$0x20] =	vst v0  }
0x136: {  	[tilespmem:s17+$0xFFFFFFC0] =	vst v2  }
.LBB3_35:
0x137: {  	s12 =	sld [smem:$0x7FD];
	_ =	sdelay $0x2  }
0x138: {  	s10 =	sadd.s32 s3, s12  }
0x139: {  	[hbm4b:s10+s14] =	stream.strided.scatter [tilespmem:s18], [sflag:$0x6], $0x4000, s25, s14, $0x38;
	[tilespmem:$0x18080] =	vst v63  }
0x13a: {  	s28 =	sadd.s32 s4, s12  }
0x13b: {  	[hbm4b:s28+s14] =	stream.strided.scatter [tilespmem:s16], [sflag:$0x6], $0x4000, s25, s14, $0x38;
	[tilespmem:$0x18080] =	vst v63  }
0x13c: {  	_ =	swait.ge [sflag:s30], $0x4000  }
.Ltmp26:
0x13d: {  	[sflag:s30] =	ssyncset.done $0x0;
	(pc) =	sbr.rel @!p2 .LBB3_36-.Ltmp26, $4  }
0x13e: {  	[sflag:s30] =	ssyncadd.s32 $0xFFFFC000  }
0x13f: {  	_ =	swait.ge [sflag:s30], $0x4000  }
0x140: {  	[sflag:s30] =	ssyncset.done $0x0  }
0x141: {  	[sflag:s30] =	ssyncadd.s32 $0xFFFFC000  }
.Ltmp27:
0x142: {  	s12 =	rddreg [dreg:$0xa];
	(pc) =	sbr.rel @!p1 .LBB3_41-.Ltmp27, $4  }
.Ltmp28:
0x143: {  	s10 =	sadd.s32 s12, s8;
	(pc) =	sbr.rel @p1 .LBB3_40-.Ltmp28, $4  }
0x144: {  	[tilespmem:s26], [sflag:$0x2] =	stream.linear.gather [hbm4b:s10+s15], $0x4000, $0x38;
	[tilespmem:$0x18080] =	vst v63  }
0x145: {  	s28 =	sadd.s32 s12, s7  }
0x146: {  	[tilespmem:s29], [sflag:$0x2] =	stream.linear.gather [hbm4b:s28+s15], $0x4000, $0x38;
	[tilespmem:$0x18080] =	vst v63  }
0x147: {  	_ = 	snop  }
.LBB3_36:
.Ltmp29:
0x148: {  	(pc) =	sbr.rel @!p1 .LBB3_37-.Ltmp29, $1  }
0x149: {  	_ =	sdelay $0x3  }
.LBB3_40:
0x14a: {  	s10 =	sshrl.u32 s3, $0x3;
	s12 =	rddreg [dreg:$0x4]  }
0x14b: {  	s28 =	sshll.u32 s9, $0x4;
	s10 =	sadd.s32 s12, s10  }
0x14c: {  	[tilespmem:s26], [sflag:$0x2] =	stream.linear.gather [hbm4b:s10+s15], $0x4000, $0x38;
	[tilespmem:$0x18080] =	vst v63  }
0x14d: {  	s10 =	sadd.s32 s12, s28  }
0x14e: {  	[tilespmem:s29], [sflag:$0x2] =	stream.linear.gather [hbm4b:s10+s15], $0x4000, $0x38;
	[tilespmem:$0x18080] =	vst v63  }
.LBB3_41:
0x14f: {  	_ =	swait.ge [sflag:s31], $0x4000  }
0x150: {  	[sflag:s31] =	ssyncset.done $0x0  }
0x151: {  	[sflag:s31] =	ssyncadd.s32 $0xFFFFC000  }
0x152: {  	_ =	swait.ge [sflag:s31], $0x4000  }
0x153: {  	[sflag:s31] =	ssyncset.done $0x0  }
0x154: {  	[sflag:s31] =	ssyncadd.s32 $0xFFFFC000  }
.LBB3_42:
.Ltmp30:
0x155: {  	(pc) =	sbr.rel .LBB3_43-.Ltmp30, $2  }
0x156: {  	_ =	sdelay $0x2  }
0x157: {  	s10 =	simm.s32 $0x0;
	s12 =	simm.s32 $0x40  }
.LBB3_47:
0x158: {  	s10 =	sadd.s32 $0x1, s10  }
0x159: {  	p3 =	sne.s32 s10, $0x8  }
.Ltmp31:
0x15a: {  	_ = 	snop;
	(pc) =	sbr.rel @!p3 .LBB3_48-.Ltmp31, $2  }
0x15b: {  	_ =	sdelay $0x2  }
0x15c: {  	s12 =	sadd.s32 $0x1000, s12  }
.LBB3_43:
0x15d: {  	s17 =	sshll.u32 s10, $0xC  }
0x15e: {  	s17 =	sor.u32 s3, s17  }
0x15f: {  	p3 =	slt.s32 s17, s1  }
0x160: {  	p4 =	sge.s32 @!p3 s17, s2  }
0x161: {  	p3 =	por p3, p4  }
.Ltmp32:
0x162: {  	_ = 	snop;
	(pc) =	sbr.rel @p3 .LBB3_47-.Ltmp32, $1  }
0x163: {  	_ =	sdelay $0x3  }
0x164: {  	v0 =	vld [tilespmem:s12+$0x30]  }
0x165: {  	v1 =	vld [tilespmem:s12+$0xFFFFFFD0]  }
0x166: {  	v2 =	vld [tilespmem:s12+$0xFFFFFFE0]  }
0x167: {  	v3 =	vld [tilespmem:s12+$0xFFFFFFF0]  }
0x168: {  	v7 =	vld [tilespmem:s12+$0xFFFFFFC0]  }
0x169: {  	v4 =	vld [tilespmem:s12+$0x0]  }
0x16a: {  	v5 =	vld [tilespmem:s12+$0x10];
	v0 =	vmax.f32 v0, $1.000000050e-03  }
0x16b: {  	v6 =	vld [tilespmem:s12+$0x20];
	s17 =	sadd.s32 $0x80, s12;
	v1 =	vmax.f32 v1, $1.000000050e-03;
	v0 =	vmin.f32 v0, $9.990000120e-01  }
0x16c: {  	v2 =	vmax.f32 v2, $1.000000050e-03;
	v1 =	vmin.f32 v1, $9.990000120e-01;
	[tilespmem:s12+$0x30] =	vst v0;
	v0 =	vld [tilespmem:s17+$0x30]  }
0x16d: {  	v8 =	vld [tilespmem:s17+$0xFFFFFFD0];
	v7 =	vmax.f32 v7, $1.000000050e-03;
	[tilespmem:s12+$0xFFFFFFD0] =	vst v1;
	v1 =	vmin.f32 v2, $9.990000120e-01  }
0x16e: {  	v9 =	vld [tilespmem:s17+$0xFFFFFFE0];
	v7 =	vmin.f32 v7, $9.990000120e-01;
	v2 =	vmax.f32 v3, $1.000000050e-03;
	[tilespmem:s12+$0xFFFFFFE0] =	vst v1;
	v1 =	vmax.f32 v4, $1.000000050e-03  }
0x16f: {  	v3 =	vmax.f32 v5, $1.000000050e-03;
	[tilespmem:s12+$0xFFFFFFC0] =	vst v7;
	v2 =	vmin.f32 v2, $9.990000120e-01;
	v4 =	vmin.f32 v1, $9.990000120e-01;
	v1 =	vld [tilespmem:s17+$0xFFFFFFF0]  }
0x170: {  	v5 =	vmin.f32 v3, $9.990000120e-01;
	v3 =	vld [tilespmem:s17+$0x0];
	[tilespmem:s12+$0xFFFFFFF0] =	vst v2  }
0x171: {  	v2 =	vld [tilespmem:s17+$0x10];
	[tilespmem:s12+$0x0] =	vst v4;
	v4 =	vmax.f32 v0, $1.000000050e-03  }
0x172: {  	[tilespmem:s12+$0x10] =	vst v5;
	v5 =	vmax.f32 v6, $1.000000050e-03;
	v6 =	vmax.f32 v8, $1.000000050e-03;
	v0 =	vld [tilespmem:s17+$0x20];
	v8 =	vmin.f32 v4, $9.990000120e-01  }
0x173: {  	s21 =	simm.s32 $0x80;
	s23 =	smov.u32 s12;
	s28 =	sadd.s32 $0x80, s17;
	v7 =	vmax.f32 v9, $1.000000050e-03;
	v5 =	vmin.f32 v5, $9.990000120e-01;
	v6 =	vmin.f32 v6, $9.990000120e-01;
	v4 =	vld [tilespmem:s17+$0xFFFFFFC0];
	[tilespmem:s17+$0x30] =	vst v8  }
.LBB3_45:
0x174: {  	v8 =	vld [tilespmem:s28+$0x30];
	s21 =	sadd.s32 $0x80, s21;
	[tilespmem:s17+$0xFFFFFFD0] =	vst v6;
	v6 =	vmin.f32 v7, $9.990000120e-01;
	v1 =	vmax.f32 v1, $1.000000050e-03  }
0x175: {  	v7 =	vld [tilespmem:s28+$0xFFFFFFD0];
	p3 =	slt.u32 s21, $0xF80;
	[tilespmem:s17+$0xFFFFFFE0] =	vst v6;
	v3 =	vmax.f32 v3, $1.000000050e-03  }
0x176: {  	v6 =	vmin.f32 v1, $9.990000120e-01;
	v9 =	vld [tilespmem:s28+$0xFFFFFFE0];
	v10 =	vmin.f32 v3, $9.990000120e-01;
	v2 =	vmax.f32 v2, $1.000000050e-03;
	[tilespmem:s23+$0x20] =	vst v5;
	s23 =	smov.u32 s17;
	s17 =	smov.u32 s28  }
.Ltmp33:
0x177: {  	v1 =	vld [tilespmem:s28+$0xFFFFFFF0];
	[tilespmem:s23+$0xFFFFFFF0] =	vst v6;
	v6 =	vmin.f32 v2, $9.990000120e-01;
	v0 =	vmax.f32 v0, $1.000000050e-03;
	(pc) =	sbr.rel @p3 .LBB3_45-.Ltmp33, $4  }
0x178: {  	v3 =	vld [tilespmem:s28+$0x0];
	v4 =	vmax.f32 v4, $1.000000050e-03;
	[tilespmem:s23+$0x0] =	vst v10;
	v5 =	vmin.f32 v0, $9.990000120e-01  }
0x179: {  	v2 =	vld [tilespmem:s28+$0x10];
	v8 =	vmax.f32 v8, $1.000000050e-03;
	v4 =	vmin.f32 v4, $9.990000120e-01;
	[tilespmem:s23+$0x10] =	vst v6  }
0x17a: {  	v6 =	vmax.f32 v7, $1.000000050e-03;
	v0 =	vld [tilespmem:s28+$0x20];
	v8 =	vmin.f32 v8, $9.990000120e-01;
	[tilespmem:s23+$0xFFFFFFC0] =	vst v4  }
0x17b: {  	s28 =	sadd.s32 $0x80, s28;
	v4 =	vld [tilespmem:s17+$0xFFFFFFC0];
	v6 =	vmin.f32 v6, $9.990000120e-01;
	v7 =	vmax.f32 v9, $1.000000050e-03;
	[tilespmem:s17+$0x30] =	vst v8  }
0x17c: {  	[tilespmem:s17+$0xFFFFFFD0] =	vst v6  }
0x17d: {  	v61 =	vmin.f32 v7, $9.990000120e-01;
	v1 =	vmax.f32 v1, $1.000000050e-03;
	[tilespmem:s23+$0x20] =	vst v5;
	v3 =	vmax.f32 v3, $1.000000050e-03  }
0x17e: {  	[tilespmem:s17+$0xFFFFFFE0] =	vst v61;
	v1 =	vmin.f32 v1, $9.990000120e-01;
	v3 =	vmin.f32 v3, $9.990000120e-01  }
.Ltmp34:
0x17f: {  	v2 =	vmax.f32 v2, $1.000000050e-03;
	[tilespmem:s17+$0xFFFFFFF0] =	vst v1;
	(pc) =	sbr.rel .LBB3_47-.Ltmp34, $4  }
0x180: {  	v62 =	vmin.f32 v2, $9.990000120e-01;
	[tilespmem:s17+$0x0] =	vst v3;
	v0 =	vmax.f32 v0, $1.000000050e-03  }
0x181: {  	v63 =	vmax.f32 v4, $1.000000050e-03;
	[tilespmem:s17+$0x10] =	vst v62;
	v0 =	vmin.f32 v0, $9.990000120e-01  }
0x182: {  	v2 =	vmin.f32 v63, $9.990000120e-01;
	[tilespmem:s17+$0x20] =	vst v0  }
0x183: {  	[tilespmem:s17+$0xFFFFFFC0] =	vst v2  }
.LBB3_48:
0x184: {  	s10 =	sadd.s32 s3, s11  }
0x185: {  	[hbm4b:s10+s14] =	stream.strided.scatter [tilespmem:s15], [sflag:$0x4], $0x4000, s25, s14, $0x38;
	[tilespmem:$0x18080] =	vst v63  }
0x186: {  	s28 =	sadd.s32 s4, s11;
	s12 =	simm.s32 $0x4000  }
0x187: {  	[hbm4b:s28+s14] =	stream.strided.scatter [tilespmem:s12], [sflag:$0x4], $0x4000, s25, s14, $0x38;
	[tilespmem:$0x18080] =	vst v63  }
0x188: {  	_ =	swait.ge [sflag:s6], $0x4000  }
.Ltmp35:
0x189: {  	[sflag:s6] =	ssyncset.done $0x0;
	(pc) =	sbr.rel @!p2 .LBB3_49-.Ltmp35, $4  }
0x18a: {  	[sflag:s6] =	ssyncadd.s32 $0xFFFFC000  }
0x18b: {  	_ =	swait.ge [sflag:s6], $0x4000  }
0x18c: {  	[sflag:s6] =	ssyncset.done $0x0  }
0x18d: {  	[sflag:s6] =	ssyncadd.s32 $0xFFFFC000  }
.Ltmp36:
0x18e: {  	s10 =	rddreg [dreg:$0xb];
	(pc) =	sbr.rel @!p1 .LBB3_54-.Ltmp36, $4  }
.Ltmp37:
0x18f: {  	s8 =	sadd.s32 s10, s8;
	(pc) =	sbr.rel @p1 .LBB3_53-.Ltmp37, $4  }
0x190: {  	[tilespmem:s18], [sflag:$0x3] =	stream.linear.gather [hbm4b:s8+s15], $0x4000, $0x38;
	[tilespmem:$0x18080] =	vst v63  }
0x191: {  	s7 =	sadd.s32 s10, s7  }
0x192: {  	[tilespmem:s16], [sflag:$0x3] =	stream.linear.gather [hbm4b:s7+s15], $0x4000, $0x38;
	[tilespmem:$0x18080] =	vst v63  }
0x193: {  	_ = 	snop  }
.LBB3_49:
.Ltmp38:
0x194: {  	(pc) =	sbr.rel @!p1 .LBB3_50-.Ltmp38, $1  }
0x195: {  	_ =	sdelay $0x3  }
.LBB3_53:
0x196: {  	s7 =	sshrl.u32 s3, $0x3;
	s8 =	rddreg [dreg:$0x5]  }
0x197: {  	s28 =	sshll.u32 s9, $0x4;
	s7 =	sadd.s32 s8, s7  }
0x198: {  	[tilespmem:s18], [sflag:$0x3] =	stream.linear.gather [hbm4b:s7+s15], $0x4000, $0x38;
	[tilespmem:$0x18080] =	vst v63  }
0x199: {  	s7 =	sadd.s32 s8, s28  }
0x19a: {  	[tilespmem:s16], [sflag:$0x3] =	stream.linear.gather [hbm4b:s7+s15], $0x4000, $0x38;
	[tilespmem:$0x18080] =	vst v63  }
.LBB3_54:
0x19b: {  	_ =	swait.ge [sflag:s22], $0x4000  }
0x19c: {  	[sflag:s22] =	ssyncset.done $0x0  }
0x19d: {  	[sflag:s22] =	ssyncadd.s32 $0xFFFFC000  }
0x19e: {  	_ =	swait.ge [sflag:s22], $0x4000  }
0x19f: {  	[sflag:s22] =	ssyncset.done $0x0  }
0x1a0: {  	[sflag:s22] =	ssyncadd.s32 $0xFFFFC000  }
.LBB3_55:
.Ltmp39:
0x1a1: {  	(pc) =	sbr.rel .LBB3_56-.Ltmp39, $2  }
0x1a2: {  	_ =	sdelay $0x2  }
0x1a3: {  	s7 =	simm.s32 $0x0;
	s8 =	simm.s32 $0x8040  }
.LBB3_60:
0x1a4: {  	s7 =	sadd.s32 $0x1, s7  }
0x1a5: {  	p1 =	sne.s32 s7, $0x8  }
.Ltmp40:
0x1a6: {  	_ = 	snop;
	(pc) =	sbr.rel @!p1 .LBB3_61-.Ltmp40, $2  }
0x1a7: {  	_ =	sdelay $0x2  }
0x1a8: {  	s8 =	sadd.s32 $0x1000, s8  }
.LBB3_56:
0x1a9: {  	s9 =	sshll.u32 s7, $0xC  }
0x1aa: {  	s9 =	sor.u32 s3, s9  }
0x1ab: {  	p1 =	slt.s32 s9, s1  }
0x1ac: {  	p2 =	sge.s32 @!p1 s9, s2  }
0x1ad: {  	p1 =	por p1, p2  }
.Ltmp41:
0x1ae: {  	_ = 	snop;
	(pc) =	sbr.rel @p1 .LBB3_60-.Ltmp41, $1  }
0x1af: {  	_ =	sdelay $0x3  }
0x1b0: {  	v0 =	vld [tilespmem:s8+$0x30]  }
0x1b1: {  	v1 =	vld [tilespmem:s8+$0xFFFFFFD0]  }
0x1b2: {  	v2 =	vld [tilespmem:s8+$0xFFFFFFE0]  }
0x1b3: {  	v3 =	vld [tilespmem:s8+$0xFFFFFFF0]  }
0x1b4: {  	v7 =	vld [tilespmem:s8+$0xFFFFFFC0]  }
0x1b5: {  	v4 =	vld [tilespmem:s8+$0x0]  }
0x1b6: {  	v5 =	vld [tilespmem:s8+$0x10];
	v0 =	vmax.f32 v0, $1.000000050e-03  }
0x1b7: {  	v6 =	vld [tilespmem:s8+$0x20];
	s9 =	sadd.s32 $0x80, s8;
	v1 =	vmax.f32 v1, $1.000000050e-03;
	v0 =	vmin.f32 v0, $9.990000120e-01  }
0x1b8: {  	v2 =	vmax.f32 v2, $1.000000050e-03;
	v1 =	vmin.f32 v1, $9.990000120e-01;
	[tilespmem:s8+$0x30] =	vst v0;
	v0 =	vld [tilespmem:s9+$0x30]  }
0x1b9: {  	v8 =	vld [tilespmem:s9+$0xFFFFFFD0];
	v7 =	vmax.f32 v7, $1.000000050e-03;
	[tilespmem:s8+$0xFFFFFFD0] =	vst v1;
	v1 =	vmin.f32 v2, $9.990000120e-01  }
0x1ba: {  	v9 =	vld [tilespmem:s9+$0xFFFFFFE0];
	v7 =	vmin.f32 v7, $9.990000120e-01;
	v2 =	vmax.f32 v3, $1.000000050e-03;
	[tilespmem:s8+$0xFFFFFFE0] =	vst v1;
	v1 =	vmax.f32 v4, $1.000000050e-03  }
0x1bb: {  	v3 =	vmax.f32 v5, $1.000000050e-03;
	[tilespmem:s8+$0xFFFFFFC0] =	vst v7;
	v2 =	vmin.f32 v2, $9.990000120e-01;
	v4 =	vmin.f32 v1, $9.990000120e-01;
	v1 =	vld [tilespmem:s9+$0xFFFFFFF0]  }
0x1bc: {  	v5 =	vmin.f32 v3, $9.990000120e-01;
	v3 =	vld [tilespmem:s9+$0x0];
	[tilespmem:s8+$0xFFFFFFF0] =	vst v2  }
0x1bd: {  	v2 =	vld [tilespmem:s9+$0x10];
	[tilespmem:s8+$0x0] =	vst v4;
	v4 =	vmax.f32 v0, $1.000000050e-03  }
0x1be: {  	[tilespmem:s8+$0x10] =	vst v5;
	v5 =	vmax.f32 v6, $1.000000050e-03;
	v6 =	vmax.f32 v8, $1.000000050e-03;
	v0 =	vld [tilespmem:s9+$0x20];
	v8 =	vmin.f32 v4, $9.990000120e-01  }
0x1bf: {  	s10 =	simm.s32 $0x80;
	s12 =	smov.u32 s8;
	s13 =	sadd.s32 $0x80, s9;
	v7 =	vmax.f32 v9, $1.000000050e-03;
	v5 =	vmin.f32 v5, $9.990000120e-01;
	v6 =	vmin.f32 v6, $9.990000120e-01;
	v4 =	vld [tilespmem:s9+$0xFFFFFFC0];
	[tilespmem:s9+$0x30] =	vst v8  }
.LBB3_58:
0x1c0: {  	v8 =	vld [tilespmem:s13+$0x30];
	s10 =	sadd.s32 $0x80, s10;
	[tilespmem:s9+$0xFFFFFFD0] =	vst v6;
	v6 =	vmin.f32 v7, $9.990000120e-01;
	v1 =	vmax.f32 v1, $1.000000050e-03  }
0x1c1: {  	v7 =	vld [tilespmem:s13+$0xFFFFFFD0];
	p1 =	slt.u32 s10, $0xF80;
	[tilespmem:s9+$0xFFFFFFE0] =	vst v6;
	v3 =	vmax.f32 v3, $1.000000050e-03  }
0x1c2: {  	v6 =	vmin.f32 v1, $9.990000120e-01;
	v9 =	vld [tilespmem:s13+$0xFFFFFFE0];
	v10 =	vmin.f32 v3, $9.990000120e-01;
	v2 =	vmax.f32 v2, $1.000000050e-03;
	[tilespmem:s12+$0x20] =	vst v5;
	s12 =	smov.u32 s9;
	s9 =	smov.u32 s13  }
.Ltmp42:
0x1c3: {  	v1 =	vld [tilespmem:s13+$0xFFFFFFF0];
	[tilespmem:s12+$0xFFFFFFF0] =	vst v6;
	v6 =	vmin.f32 v2, $9.990000120e-01;
	v0 =	vmax.f32 v0, $1.000000050e-03;
	(pc) =	sbr.rel @p1 .LBB3_58-.Ltmp42, $4  }
0x1c4: {  	v3 =	vld [tilespmem:s13+$0x0];
	v4 =	vmax.f32 v4, $1.000000050e-03;
	[tilespmem:s12+$0x0] =	vst v10;
	v5 =	vmin.f32 v0, $9.990000120e-01  }
0x1c5: {  	v2 =	vld [tilespmem:s13+$0x10];
	v8 =	vmax.f32 v8, $1.000000050e-03;
	v4 =	vmin.f32 v4, $9.990000120e-01;
	[tilespmem:s12+$0x10] =	vst v6  }
0x1c6: {  	v6 =	vmax.f32 v7, $1.000000050e-03;
	v0 =	vld [tilespmem:s13+$0x20];
	v8 =	vmin.f32 v8, $9.990000120e-01;
	[tilespmem:s12+$0xFFFFFFC0] =	vst v4  }
0x1c7: {  	s13 =	sadd.s32 $0x80, s13;
	v4 =	vld [tilespmem:s9+$0xFFFFFFC0];
	v6 =	vmin.f32 v6, $9.990000120e-01;
	v7 =	vmax.f32 v9, $1.000000050e-03;
	[tilespmem:s9+$0x30] =	vst v8  }
0x1c8: {  	[tilespmem:s9+$0xFFFFFFD0] =	vst v6  }
0x1c9: {  	v61 =	vmin.f32 v7, $9.990000120e-01;
	v1 =	vmax.f32 v1, $1.000000050e-03;
	[tilespmem:s12+$0x20] =	vst v5;
	v3 =	vmax.f32 v3, $1.000000050e-03  }
0x1ca: {  	[tilespmem:s9+$0xFFFFFFE0] =	vst v61;
	v1 =	vmin.f32 v1, $9.990000120e-01;
	v3 =	vmin.f32 v3, $9.990000120e-01  }
.Ltmp43:
0x1cb: {  	v2 =	vmax.f32 v2, $1.000000050e-03;
	[tilespmem:s9+$0xFFFFFFF0] =	vst v1;
	(pc) =	sbr.rel .LBB3_60-.Ltmp43, $4  }
0x1cc: {  	v62 =	vmin.f32 v2, $9.990000120e-01;
	[tilespmem:s9+$0x0] =	vst v3;
	v0 =	vmax.f32 v0, $1.000000050e-03  }
0x1cd: {  	v63 =	vmax.f32 v4, $1.000000050e-03;
	[tilespmem:s9+$0x10] =	vst v62;
	v0 =	vmin.f32 v0, $9.990000120e-01  }
0x1ce: {  	v2 =	vmin.f32 v63, $9.990000120e-01;
	[tilespmem:s9+$0x20] =	vst v0  }
0x1cf: {  	[tilespmem:s9+$0xFFFFFFC0] =	vst v2  }
.LBB3_61:
0x1d0: {  	s7 =	sadd.s32 s3, s20  }
0x1d1: {  	[hbm4b:s7+s14] =	stream.strided.scatter [tilespmem:s26], [sflag:$0x5], $0x4000, s25, s14, $0x38;
	[tilespmem:$0x18080] =	vst v63  }
0x1d2: {  	s28 =	sadd.s32 s4, s20  }
0x1d3: {  	[hbm4b:s28+s14] =	stream.strided.scatter [tilespmem:s29], [sflag:$0x5], $0x4000, s25, s14, $0x38;
	[tilespmem:$0x18080] =	vst v63  }
0x1d4: {  	p1 =	seq.s32 s5, $0x3;
	_ =	swait.ge [sflag:s19], $0x4000  }
.Ltmp44:
0x1d5: {  	[sflag:s19] =	ssyncset.done $0x0;
	(pc) =	sbr.rel @p1 .LBB3_68-.Ltmp44, $4  }
0x1d6: {  	[sflag:s19] =	ssyncadd.s32 $0xFFFFC000  }
0x1d7: {  	_ =	swait.ge [sflag:s19], $0x4000  }
0x1d8: {  	[sflag:s19] =	ssyncset.done $0x0  }
0x1d9: {  	s5 =	sadd.s32 $0x1, s5;
	[sflag:s19] =	ssyncadd.s32 $0xFFFFC000  }
0x1da: {  	s7 =	sshll.u32 s5, $0x14;
	s8 =	rddreg [dreg:$0x10]  }
0x1db: {  	s7 =	sor.u32 s8, s7  }
0x1dc: {  	s8 =	sadd.s32 $0x8000, s7  }
0x1dd: {  	p1 =	slt.s32 s7, s1;
	p2 =	sgt.s32 s8, s2  }
0x1de: {  	p3 =	por p1, p2  }
.Ltmp45:
0x1df: {  	_ = 	snop;
	(pc) =	sbr.rel @!p3 .LBB3_66-.Ltmp45, $4  }
0x1e0: {  	_ = 	snop  }
0x1e1: {  	p5 =	slt.s32 s7, s2;
	p4 =	sgt.s32 s8, s1  }
0x1e2: {  	p6 =	por !p5, !p4  }
0x1e3: {  	s8 =	ssub.s32 s7, s1;
	p2 =	por !p6, !p6  }
.Ltmp46:
0x1e4: {  	(pc) =	sbr.rel @!p2 .LBB3_67-.Ltmp46, $1  }
0x1e5: {  	_ =	sdelay $0x3  }
0x1e6: {  	p2 =	por !p3, !p2  }
0x1e7: {  	p2 =	por !p2, !p2  }
.Ltmp47:
0x1e8: {  	_ = 	snop;
	(pc) =	sbr.rel @!p2 .LBB3_68-.Ltmp47, $1  }
0x1e9: {  	_ =	sdelay $0x3  }
0x1ea: {  	s12 =	rddreg [dreg:$0x6]  }
0x1eb: {  	s8 =	smov.u32 @p1 s7;
	s10 =	rddreg [dreg:$0x0]  }
0x1ec: {  	s21 =	sor.u32 $0x1000, s7;
	s9 =	smov.u32 s12;
	s8 =	sshrl.u32 s8, $0x3  }
0x1ed: {  	p4 =	slt.s32 s21, s1;
	p2 =	sge.s32 s21, s2;
	s9 =	smov.u32 @p1 s10  }
0x1ee: {  	p1 =	por p4, p2;
	s8 =	sadd.s32 s9, s8;
	s9 =	smov.u32 s1  }
0x1ef: {  	[tilespmem:s15], [sflag:$0x1] =	stream.linear.gather [hbm4b:s8+s15], $0x1000, $0x38;
	[tilespmem:$0x18080] =	vst v63  }
0x1f0: {  	s23 =	simm.s32 $0x1000;
	s28 =	sor.u32 $0x2000, s7;
	s9 =	simm.s32 @p1 $0x0  }
0x1f1: {  	p5 =	slt.s32 s28, s1;
	s8 =	ssub.s32 s21, s9;
	s9 =	smov.u32 s12  }
0x1f2: {  	p6 =	sge.s32 s28, s2;
	s9 =	smov.u32 @p1 s10;
	s8 =	sshrl.u32 s8, $0x3  }
0x1f3: {  	p1 =	por p5, p6;
	s8 =	sadd.s32 s9, s8;
	s9 =	smov.u32 s1  }
0x1f4: {  	[tilespmem:s23], [sflag:$0x1] =	stream.linear.gather [hbm4b:s8+s15], $0x1000, $0x38;
	[tilespmem:$0x18080] =	vst v63  }
0x1f5: {  	s13 =	simm.s32 $0x2000;
	s17 =	sor.u32 $0x3000, s7;
	s9 =	simm.s32 @p1 $0x0  }
0x1f6: {  	p3 =	slt.s32 s17, s1;
	s8 =	ssub.s32 s28, s9;
	s9 =	smov.u32 s12  }
0x1f7: {  	p4 =	sge.s32 s17, s2;
	s9 =	smov.u32 @p1 s10;
	s8 =	sshrl.u32 s8, $0x3  }
0x1f8: {  	p1 =	por p3, p4;
	s8 =	sadd.s32 s9, s8;
	s9 =	smov.u32 s1  }
0x1f9: {  	[tilespmem:s13], [sflag:$0x1] =	stream.linear.gather [hbm4b:s8+s15], $0x1000, $0x38;
	[tilespmem:$0x18080] =	vst v63  }
0x1fa: {  	s21 =	simm.s32 $0x3000;
	s23 =	sor.u32 $0x4000, s7;
	s9 =	simm.s32 @p1 $0x0  }
0x1fb: {  	p5 =	slt.s32 s23, s1;
	s8 =	ssub.s32 s17, s9;
	s9 =	smov.u32 s12  }
0x1fc: {  	p6 =	sge.s32 s23, s2;
	s9 =	smov.u32 @p1 s10;
	s8 =	sshrl.u32 s8, $0x3  }
0x1fd: {  	p1 =	por p5, p6;
	s8 =	sadd.s32 s9, s8;
	s9 =	smov.u32 s1  }
0x1fe: {  	[tilespmem:s21], [sflag:$0x1] =	stream.linear.gather [hbm4b:s8+s15], $0x1000, $0x38;
	[tilespmem:$0x18080] =	vst v63  }
0x1ff: {  	s28 =	simm.s32 $0x4000;
	s13 =	sor.u32 $0x5000, s7;
	s9 =	simm.s32 @p1 $0x0  }
0x200: {  	p3 =	slt.s32 s13, s1;
	s8 =	ssub.s32 s23, s9;
	s9 =	smov.u32 s12  }
0x201: {  	p4 =	sge.s32 s13, s2;
	s9 =	smov.u32 @p1 s10;
	s8 =	sshrl.u32 s8, $0x3  }
0x202: {  	p1 =	por p3, p4;
	s8 =	sadd.s32 s9, s8;
	s9 =	smov.u32 s1  }
0x203: {  	[tilespmem:s28], [sflag:$0x1] =	stream.linear.gather [hbm4b:s8+s15], $0x1000, $0x38;
	[tilespmem:$0x18080] =	vst v63  }
0x204: {  	s17 =	simm.s32 $0x5000;
	s21 =	sor.u32 $0x6000, s7;
	s9 =	simm.s32 @p1 $0x0  }
0x205: {  	p5 =	slt.s32 s21, s1;
	s8 =	ssub.s32 s13, s9;
	s9 =	smov.u32 s12  }
0x206: {  	p6 =	sge.s32 s21, s2;
	s9 =	smov.u32 @p1 s10;
	s8 =	sshrl.u32 s8, $0x3  }
0x207: {  	p1 =	por p5, p6;
	s8 =	sadd.s32 s9, s8;
	s9 =	smov.u32 s1  }
0x208: {  	[tilespmem:s17], [sflag:$0x1] =	stream.linear.gather [hbm4b:s8+s15], $0x1000, $0x38;
	[tilespmem:$0x18080] =	vst v63  }
0x209: {  	s9 =	simm.s32 @p1 $0x0  }
0x20a: {  	s7 =	sor.u32 $0x7000, s7;
	s8 =	ssub.s32 s21, s9;
	s9 =	smov.u32 s12  }
0x20b: {  	s9 =	smov.u32 @p1 s10;
	s8 =	sshrl.u32 s8, $0x3;
	p1 =	slt.s32 s7, s1  }
0x20c: {  	s23 =	simm.s32 $0x6000;
	s8 =	sadd.s32 s9, s8;
	p2 =	sge.s32 @!p1 s7, s2  }
0x20d: {  	[tilespmem:s23], [sflag:$0x1] =	stream.linear.gather [hbm4b:s8+s15], $0x1000, $0x38;
	[tilespmem:$0x18080] =	vst v63  }
0x20e: {  	p1 =	por p1, p2  }
0x20f: {  	s7 =	sshrl.u32 @p1 s7, $0x3;
	s8 =	rddreg @p1 [dreg:$0x0]  }
.Ltmp48:
0x210: {  	s7 =	sadd.s32 @p1 s8, s7;
	(pc) =	sbr.rel .LBB3_68-.Ltmp48, $4  }
0x211: {  	s7 =	ssub.s32 @!p1 s7, s1  }
0x212: {  	s7 =	sshrl.u32 @!p1 s7, $0x3  }
0x213: {  	s28 =	simm.s32 $0x7000;
	s7 =	sadd.s32 @!p1 s12, s7  }
0x214: {  	[tilespmem:s28], [sflag:$0x1] =	stream.linear.gather [hbm4b:s7+s15], $0x1000, $0x38;
	[tilespmem:$0x18080] =	vst v63  }
.LBB3_10:
.Ltmp49:
0x215: {  	(pc) =	sbr.rel @p0 .LBB3_14-.Ltmp49, $1  }
0x216: {  	_ =	sdelay $0x3  }
0x217: {  	p4 =	slt.s32 s3, s1;
	s12 =	rddreg [dreg:$0x7]  }
0x218: {  	s4 =	smov.u32 s13;
	s10 =	rddreg [dreg:$0x1];
	s28 =	sor.u32 $0x1000, s3  }
0x219: {  	s4 =	smov.u32 @p4 s3;
	s9 =	smov.u32 s12;
	p6 =	slt.s32 s28, s1  }
0x21a: {  	p5 =	sge.s32 s28, s2;
	s9 =	smov.u32 @p4 s10;
	s4 =	sshrl.u32 s4, $0x3  }
0x21b: {  	p4 =	por p6, p5;
	s4 =	sadd.s32 s9, s4;
	s9 =	smov.u32 s1  }
0x21c: {  	[tilespmem:s26], [sflag:$0x2] =	stream.linear.gather [hbm4b:s4+s15], $0x1000, $0x38;
	[tilespmem:$0x18080] =	vst v63  }
0x21d: {  	s17 =	simm.s32 $0x9000;
	s21 =	sor.u32 $0x2000, s3;
	s9 =	simm.s32 @p4 $0x0  }
0x21e: {  	p5 =	slt.s32 s21, s1;
	s4 =	ssub.s32 s28, s9;
	s9 =	smov.u32 s12  }
0x21f: {  	p6 =	sge.s32 s21, s2;
	s9 =	smov.u32 @p4 s10;
	s4 =	sshrl.u32 s4, $0x3  }
0x220: {  	p4 =	por p5, p6;
	s4 =	sadd.s32 s9, s4;
	s9 =	smov.u32 s1  }
0x221: {  	[tilespmem:s17], [sflag:$0x2] =	stream.linear.gather [hbm4b:s4+s15], $0x1000, $0x38;
	[tilespmem:$0x18080] =	vst v63  }
0x222: {  	s23 =	simm.s32 $0xA000;
	s28 =	sor.u32 $0x3000, s3;
	s9 =	simm.s32 @p4 $0x0  }
0x223: {  	p5 =	slt.s32 s28, s1;
	s4 =	ssub.s32 s21, s9;
	s9 =	smov.u32 s12  }
0x224: {  	p6 =	sge.s32 s28, s2;
	s9 =	smov.u32 @p4 s10;
	s4 =	sshrl.u32 s4, $0x3  }
0x225: {  	p4 =	por p5, p6;
	s4 =	sadd.s32 s9, s4;
	s9 =	smov.u32 s1  }
0x226: {  	[tilespmem:s23], [sflag:$0x2] =	stream.linear.gather [hbm4b:s4+s15], $0x1000, $0x38;
	[tilespmem:$0x18080] =	vst v63  }
0x227: {  	s17 =	simm.s32 $0xB000;
	s21 =	sor.u32 $0x4000, s3;
	s9 =	simm.s32 @p4 $0x0  }
0x228: {  	p5 =	slt.s32 s21, s1;
	s4 =	ssub.s32 s28, s9;
	s9 =	smov.u32 s12  }
0x229: {  	p6 =	sge.s32 s21, s2;
	s9 =	smov.u32 @p4 s10;
	s4 =	sshrl.u32 s4, $0x3  }
0x22a: {  	p4 =	por p5, p6;
	s4 =	sadd.s32 s9, s4;
	s9 =	smov.u32 s1  }
0x22b: {  	[tilespmem:s17], [sflag:$0x2] =	stream.linear.gather [hbm4b:s4+s15], $0x1000, $0x38;
	[tilespmem:$0x18080] =	vst v63  }
0x22c: {  	s23 =	sor.u32 $0x5000, s3;
	s9 =	simm.s32 @p4 $0x0  }
0x22d: {  	p5 =	slt.s32 s23, s1;
	s4 =	ssub.s32 s21, s9;
	s9 =	smov.u32 s12  }
0x22e: {  	p6 =	sge.s32 s23, s2;
	s9 =	smov.u32 @p4 s10;
	s4 =	sshrl.u32 s4, $0x3  }
0x22f: {  	p4 =	por p5, p6;
	s4 =	sadd.s32 s9, s4;
	s9 =	smov.u32 s1  }
0x230: {  	[tilespmem:s29], [sflag:$0x2] =	stream.linear.gather [hbm4b:s4+s15], $0x1000, $0x38;
	[tilespmem:$0x18080] =	vst v63  }
0x231: {  	s28 =	simm.s32 $0xD000;
	s17 =	sor.u32 $0x6000, s3;
	s9 =	simm.s32 @p4 $0x0  }
0x232: {  	p5 =	slt.s32 s17, s1;
	s4 =	ssub.s32 s23, s9;
	s9 =	smov.u32 s12  }
0x233: {  	p6 =	sge.s32 s17, s2;
	s9 =	smov.u32 @p4 s10;
	s4 =	sshrl.u32 s4, $0x3  }
0x234: {  	p4 =	por p5, p6;
	s4 =	sadd.s32 s9, s4;
	s9 =	smov.u32 s1  }
0x235: {  	[tilespmem:s28], [sflag:$0x2] =	stream.linear.gather [hbm4b:s4+s15], $0x1000, $0x38;
	[tilespmem:$0x18080] =	vst v63  }
0x236: {  	s21 =	simm.s32 $0xE000;
	s23 =	sor.u32 $0x7000, s3;
	s9 =	simm.s32 @p4 $0x0  }
0x237: {  	p5 =	slt.s32 s23, s1;
	s4 =	ssub.s32 s17, s9;
	s9 =	smov.u32 s12  }
0x238: {  	p6 =	sge.s32 s23, s2;
	s9 =	smov.u32 @p4 s10;
	s4 =	sshrl.u32 s4, $0x3  }
0x239: {  	p4 =	por p5, p6;
	s4 =	sadd.s32 s9, s4;
	s9 =	smov.u32 s1  }
0x23a: {  	[tilespmem:s21], [sflag:$0x2] =	stream.linear.gather [hbm4b:s4+s15], $0x1000, $0x38;
	[tilespmem:$0x18080] =	vst v63  }
0x23b: {  	s9 =	simm.s32 @p4 $0x0  }
0x23c: {  	s4 =	ssub.s32 s23, s9;
	s9 =	smov.u32 s12  }
0x23d: {  	s9 =	smov.u32 @p4 s10;
	s4 =	sshrl.u32 s4, $0x3  }
0x23e: {  	s28 =	simm.s32 $0xF000;
	s4 =	sadd.s32 s9, s4  }
0x23f: {  	[tilespmem:s28], [sflag:$0x2] =	stream.linear.gather [hbm4b:s4+s15], $0x1000, $0x38;
	[tilespmem:$0x18080] =	vst v63  }
0x240: {  	_ =	swait.ge [sflag:s31], $0x1000  }
0x241: {  	[sflag:s31] =	ssyncset.done $0x0  }
0x242: {  	[sflag:s31] =	ssyncadd.s32 $0xFFFFF000  }
0x243: {  	_ =	swait.ge [sflag:s31], $0x1000  }
0x244: {  	[sflag:s31] =	ssyncset.done $0x0  }
0x245: {  	[sflag:s31] =	ssyncadd.s32 $0xFFFFF000  }
0x246: {  	_ =	swait.ge [sflag:s31], $0x1000  }
0x247: {  	[sflag:s31] =	ssyncset.done $0x0  }
0x248: {  	[sflag:s31] =	ssyncadd.s32 $0xFFFFF000  }
0x249: {  	_ =	swait.ge [sflag:s31], $0x1000  }
0x24a: {  	[sflag:s31] =	ssyncset.done $0x0  }
0x24b: {  	[sflag:s31] =	ssyncadd.s32 $0xFFFFF000  }
0x24c: {  	_ =	swait.ge [sflag:s31], $0x1000  }
0x24d: {  	[sflag:s31] =	ssyncset.done $0x0  }
0x24e: {  	[sflag:s31] =	ssyncadd.s32 $0xFFFFF000  }
0x24f: {  	_ =	swait.ge [sflag:s31], $0x1000  }
0x250: {  	[sflag:s31] =	ssyncset.done $0x0  }
0x251: {  	[sflag:s31] =	ssyncadd.s32 $0xFFFFF000  }
0x252: {  	_ =	swait.ge [sflag:s31], $0x1000  }
.Ltmp50:
0x253: {  	[sflag:s31] =	ssyncset.done $0x0;
	(pc) =	sbr.rel .LBB3_15-.Ltmp50, $4  }
0x254: {  	[sflag:s31] =	ssyncadd.s32 $0xFFFFF000  }
0x255: {  	_ =	swait.ge [sflag:s31], $0x1000  }
0x256: {  	[sflag:s31] =	ssyncset.done $0x0  }
0x257: {  	[sflag:s31] =	ssyncadd.s32 $0xFFFFF000  }
.LBB3_17:
.Ltmp51:
0x258: {  	(pc) =	sbr.rel @p0 .LBB3_21-.Ltmp51, $1  }
0x259: {  	_ =	sdelay $0x3  }
0x25a: {  	p3 =	slt.s32 s3, s1;
	s21 =	rddreg [dreg:$0x8]  }
0x25b: {  	s10 =	smov.u32 s13;
	s17 =	rddreg [dreg:$0x2];
	s28 =	sor.u32 $0x1000, s3  }
0x25c: {  	s10 =	smov.u32 @p3 s3;
	s12 =	smov.u32 s21;
	p6 =	slt.s32 s28, s1  }
0x25d: {  	p4 =	sge.s32 s28, s2;
	s12 =	smov.u32 @p3 s17;
	s10 =	sshrl.u32 s10, $0x3  }
0x25e: {  	p3 =	por p6, p4;
	s10 =	sadd.s32 s12, s10;
	s12 =	smov.u32 s1  }
0x25f: {  	[tilespmem:s18], [sflag:$0x3] =	stream.linear.gather [hbm4b:s10+s15], $0x1000, $0x38;
	[tilespmem:$0x18080] =	vst v63  }
0x260: {  	s12 =	simm.s32 @p3 $0x0  }
0x261: {  	s10 =	ssub.s32 s28, s12;
	s12 =	smov.u32 s21  }
0x262: {  	s23 =	simm.s32 $0x11000;
	s28 =	sor.u32 $0x2000, s3;
	s12 =	smov.u32 @p3 s17  }
0x263: {  	s10 =	sshrl.u32 s10, $0x3;
	p5 =	slt.s32 s28, s1;
	p6 =	sge.s32 s28, s2  }
0x264: {  	s10 =	sadd.s32 s12, s10;
	p3 =	por p5, p6;
	s12 =	smov.u32 s1  }
0x265: {  	[tilespmem:s23], [sflag:$0x3] =	stream.linear.gather [hbm4b:s10+s15], $0x1000, $0x38;
	[tilespmem:$0x18080] =	vst v63  }
0x266: {  	s12 =	simm.s32 @p3 $0x0  }
0x267: {  	s10 =	ssub.s32 s28, s12;
	s12 =	smov.u32 s21  }
0x268: {  	s23 =	simm.s32 $0x12000;
	s28 =	sor.u32 $0x3000, s3;
	s12 =	smov.u32 @p3 s17  }
0x269: {  	s10 =	sshrl.u32 s10, $0x3;
	p5 =	slt.s32 s28, s1;
	p6 =	sge.s32 s28, s2  }
0x26a: {  	s10 =	sadd.s32 s12, s10;
	p3 =	por p5, p6;
	s12 =	smov.u32 s1  }
0x26b: {  	[tilespmem:s23], [sflag:$0x3] =	stream.linear.gather [hbm4b:s10+s15], $0x1000, $0x38;
	[tilespmem:$0x18080] =	vst v63  }
0x26c: {  	s12 =	simm.s32 @p3 $0x0  }
0x26d: {  	s10 =	ssub.s32 s28, s12;
	s12 =	smov.u32 s21  }
0x26e: {  	s23 =	simm.s32 $0x13000;
	s28 =	sor.u32 $0x4000, s3;
	s12 =	smov.u32 @p3 s17  }
0x26f: {  	s10 =	sshrl.u32 s10, $0x3;
	p5 =	slt.s32 s28, s1;
	p6 =	sge.s32 s28, s2  }
0x270: {  	s10 =	sadd.s32 s12, s10;
	p3 =	por p5, p6;
	s12 =	smov.u32 s1  }
0x271: {  	[tilespmem:s23], [sflag:$0x3] =	stream.linear.gather [hbm4b:s10+s15], $0x1000, $0x38;
	[tilespmem:$0x18080] =	vst v63  }
0x272: {  	s12 =	simm.s32 @p3 $0x0;
	s23 =	sor.u32 $0x5000, s3  }
0x273: {  	s10 =	ssub.s32 s28, s12;
	s12 =	smov.u32 s21;
	p5 =	slt.s32 s23, s1  }
0x274: {  	p6 =	sge.s32 s23, s2;
	s12 =	smov.u32 @p3 s17;
	s10 =	sshrl.u32 s10, $0x3  }
0x275: {  	p3 =	por p5, p6;
	s10 =	sadd.s32 s12, s10;
	s12 =	smov.u32 s1  }
0x276: {  	[tilespmem:s16], [sflag:$0x3] =	stream.linear.gather [hbm4b:s10+s15], $0x1000, $0x38;
	[tilespmem:$0x18080] =	vst v63  }
0x277: {  	s12 =	simm.s32 @p3 $0x0  }
0x278: {  	s10 =	ssub.s32 s23, s12;
	s12 =	smov.u32 s21  }
0x279: {  	s28 =	simm.s32 $0x15000;
	s23 =	sor.u32 $0x6000, s3;
	s12 =	smov.u32 @p3 s17  }
0x27a: {  	s10 =	sshrl.u32 s10, $0x3;
	p5 =	slt.s32 s23, s1;
	p6 =	sge.s32 s23, s2  }
0x27b: {  	s10 =	sadd.s32 s12, s10;
	p3 =	por p5, p6;
	s12 =	smov.u32 s1  }
0x27c: {  	[tilespmem:s28], [sflag:$0x3] =	stream.linear.gather [hbm4b:s10+s15], $0x1000, $0x38;
	[tilespmem:$0x18080] =	vst v63  }
0x27d: {  	s12 =	simm.s32 @p3 $0x0  }
0x27e: {  	s10 =	ssub.s32 s23, s12;
	s12 =	smov.u32 s21  }
0x27f: {  	s28 =	simm.s32 $0x16000;
	s23 =	sor.u32 $0x7000, s3;
	s12 =	smov.u32 @p3 s17  }
0x280: {  	s10 =	sshrl.u32 s10, $0x3;
	p5 =	slt.s32 s23, s1;
	p6 =	sge.s32 s23, s2  }
0x281: {  	s10 =	sadd.s32 s12, s10;
	p3 =	por p5, p6;
	s12 =	smov.u32 s1  }
0x282: {  	[tilespmem:s28], [sflag:$0x3] =	stream.linear.gather [hbm4b:s10+s15], $0x1000, $0x38;
	[tilespmem:$0x18080] =	vst v63  }
0x283: {  	s12 =	simm.s32 @p3 $0x0  }
0x284: {  	s10 =	ssub.s32 s23, s12;
	s12 =	smov.u32 s21  }
0x285: {  	s12 =	smov.u32 @p3 s17;
	s10 =	sshrl.u32 s10, $0x3  }
0x286: {  	s28 =	simm.s32 $0x17000;
	s10 =	sadd.s32 s12, s10  }
0x287: {  	[tilespmem:s28], [sflag:$0x3] =	stream.linear.gather [hbm4b:s10+s15], $0x1000, $0x38;
	[tilespmem:$0x18080] =	vst v63  }
0x288: {  	_ =	swait.ge [sflag:s22], $0x1000  }
0x289: {  	[sflag:s22] =	ssyncset.done $0x0  }
0x28a: {  	[sflag:s22] =	ssyncadd.s32 $0xFFFFF000  }
0x28b: {  	_ =	swait.ge [sflag:s22], $0x1000  }
0x28c: {  	[sflag:s22] =	ssyncset.done $0x0  }
0x28d: {  	[sflag:s22] =	ssyncadd.s32 $0xFFFFF000  }
0x28e: {  	_ =	swait.ge [sflag:s22], $0x1000  }
0x28f: {  	[sflag:s22] =	ssyncset.done $0x0  }
0x290: {  	[sflag:s22] =	ssyncadd.s32 $0xFFFFF000  }
0x291: {  	_ =	swait.ge [sflag:s22], $0x1000  }
0x292: {  	[sflag:s22] =	ssyncset.done $0x0  }
0x293: {  	[sflag:s22] =	ssyncadd.s32 $0xFFFFF000  }
0x294: {  	_ =	swait.ge [sflag:s22], $0x1000  }
0x295: {  	[sflag:s22] =	ssyncset.done $0x0  }
0x296: {  	[sflag:s22] =	ssyncadd.s32 $0xFFFFF000  }
0x297: {  	_ =	swait.ge [sflag:s22], $0x1000  }
0x298: {  	[sflag:s22] =	ssyncset.done $0x0  }
0x299: {  	[sflag:s22] =	ssyncadd.s32 $0xFFFFF000  }
0x29a: {  	_ =	swait.ge [sflag:s22], $0x1000  }
.Ltmp52:
0x29b: {  	[sflag:s22] =	ssyncset.done $0x0;
	(pc) =	sbr.rel .LBB3_22-.Ltmp52, $4  }
0x29c: {  	[sflag:s22] =	ssyncadd.s32 $0xFFFFF000  }
0x29d: {  	_ =	swait.ge [sflag:s22], $0x1000  }
0x29e: {  	[sflag:s22] =	ssyncset.done $0x0  }
0x29f: {  	[sflag:s22] =	ssyncadd.s32 $0xFFFFF000  }
.LBB3_24:
.Ltmp53:
0x2a0: {  	(pc) =	sbr.rel @p0 .LBB3_28-.Ltmp53, $1  }
0x2a1: {  	_ =	sdelay $0x3  }
0x2a2: {  	p3 =	slt.s32 s3, s1;
	s21 =	rddreg [dreg:$0x9]  }
0x2a3: {  	s10 =	smov.u32 s13;
	s17 =	rddreg [dreg:$0x3];
	s23 =	sor.u32 $0x1000, s3  }
0x2a4: {  	s10 =	smov.u32 @p3 s3;
	s12 =	smov.u32 s21;
	p6 =	slt.s32 s23, s1  }
0x2a5: {  	p4 =	sge.s32 s23, s2;
	s12 =	smov.u32 @p3 s17;
	s10 =	sshrl.u32 s10, $0x3  }
0x2a6: {  	p3 =	por p6, p4;
	s10 =	sadd.s32 s12, s10;
	s12 =	smov.u32 s1  }
0x2a7: {  	[tilespmem:s15], [sflag:$0x1] =	stream.linear.gather [hbm4b:s10+s15], $0x1000, $0x38;
	[tilespmem:$0x18080] =	vst v63  }
0x2a8: {  	s12 =	simm.s32 @p3 $0x0  }
0x2a9: {  	s10 =	ssub.s32 s23, s12;
	s12 =	smov.u32 s21  }
0x2aa: {  	s28 =	simm.s32 $0x1000;
	s23 =	sor.u32 $0x2000, s3;
	s12 =	smov.u32 @p3 s17  }
0x2ab: {  	s10 =	sshrl.u32 s10, $0x3;
	p5 =	slt.s32 s23, s1;
	p6 =	sge.s32 s23, s2  }
0x2ac: {  	s10 =	sadd.s32 s12, s10;
	p3 =	por p5, p6;
	s12 =	smov.u32 s1  }
0x2ad: {  	[tilespmem:s28], [sflag:$0x1] =	stream.linear.gather [hbm4b:s10+s15], $0x1000, $0x38;
	[tilespmem:$0x18080] =	vst v63  }
0x2ae: {  	s12 =	simm.s32 @p3 $0x0  }
0x2af: {  	s10 =	ssub.s32 s23, s12;
	s12 =	smov.u32 s21  }
0x2b0: {  	s28 =	simm.s32 $0x2000;
	s23 =	sor.u32 $0x3000, s3;
	s12 =	smov.u32 @p3 s17  }
0x2b1: {  	s10 =	sshrl.u32 s10, $0x3;
	p5 =	slt.s32 s23, s1;
	p6 =	sge.s32 s23, s2  }
0x2b2: {  	s10 =	sadd.s32 s12, s10;
	p3 =	por p5, p6;
	s12 =	smov.u32 s1  }
0x2b3: {  	[tilespmem:s28], [sflag:$0x1] =	stream.linear.gather [hbm4b:s10+s15], $0x1000, $0x38;
	[tilespmem:$0x18080] =	vst v63  }
0x2b4: {  	s12 =	simm.s32 @p3 $0x0  }
0x2b5: {  	s10 =	ssub.s32 s23, s12;
	s12 =	smov.u32 s21  }
0x2b6: {  	s28 =	simm.s32 $0x3000;
	s23 =	sor.u32 $0x4000, s3;
	s12 =	smov.u32 @p3 s17  }
0x2b7: {  	s10 =	sshrl.u32 s10, $0x3;
	p5 =	slt.s32 s23, s1;
	p6 =	sge.s32 s23, s2  }
0x2b8: {  	s10 =	sadd.s32 s12, s10;
	p3 =	por p5, p6;
	s12 =	smov.u32 s1  }
0x2b9: {  	[tilespmem:s28], [sflag:$0x1] =	stream.linear.gather [hbm4b:s10+s15], $0x1000, $0x38;
	[tilespmem:$0x18080] =	vst v63  }
0x2ba: {  	s12 =	simm.s32 @p3 $0x0  }
0x2bb: {  	s10 =	ssub.s32 s23, s12;
	s12 =	smov.u32 s21  }
0x2bc: {  	s28 =	simm.s32 $0x4000;
	s23 =	sor.u32 $0x5000, s3;
	s12 =	smov.u32 @p3 s17  }
0x2bd: {  	s10 =	sshrl.u32 s10, $0x3;
	p5 =	slt.s32 s23, s1;
	p6 =	sge.s32 s23, s2  }
0x2be: {  	s10 =	sadd.s32 s12, s10;
	p3 =	por p5, p6;
	s12 =	smov.u32 s1  }
0x2bf: {  	[tilespmem:s28], [sflag:$0x1] =	stream.linear.gather [hbm4b:s10+s15], $0x1000, $0x38;
	[tilespmem:$0x18080] =	vst v63  }
0x2c0: {  	s12 =	simm.s32 @p3 $0x0  }
0x2c1: {  	s10 =	ssub.s32 s23, s12;
	s12 =	smov.u32 s21  }
0x2c2: {  	s28 =	simm.s32 $0x5000;
	s23 =	sor.u32 $0x6000, s3;
	s12 =	smov.u32 @p3 s17  }
0x2c3: {  	s10 =	sshrl.u32 s10, $0x3;
	p5 =	slt.s32 s23, s1;
	p6 =	sge.s32 s23, s2  }
0x2c4: {  	s10 =	sadd.s32 s12, s10;
	p3 =	por p5, p6;
	s12 =	smov.u32 s1  }
0x2c5: {  	[tilespmem:s28], [sflag:$0x1] =	stream.linear.gather [hbm4b:s10+s15], $0x1000, $0x38;
	[tilespmem:$0x18080] =	vst v63  }
0x2c6: {  	s12 =	simm.s32 @p3 $0x0  }
0x2c7: {  	s10 =	ssub.s32 s23, s12;
	s12 =	smov.u32 s21  }
0x2c8: {  	s28 =	simm.s32 $0x6000;
	s23 =	sor.u32 $0x7000, s3;
	s12 =	smov.u32 @p3 s17  }
0x2c9: {  	s10 =	sshrl.u32 s10, $0x3;
	p5 =	slt.s32 s23, s1;
	p6 =	sge.s32 s23, s2  }
0x2ca: {  	s10 =	sadd.s32 s12, s10;
	p3 =	por p5, p6;
	s12 =	smov.u32 s1  }
0x2cb: {  	[tilespmem:s28], [sflag:$0x1] =	stream.linear.gather [hbm4b:s10+s15], $0x1000, $0x38;
	[tilespmem:$0x18080] =	vst v63  }
0x2cc: {  	s12 =	simm.s32 @p3 $0x0  }
0x2cd: {  	s10 =	ssub.s32 s23, s12;
	s12 =	smov.u32 s21  }
0x2ce: {  	s12 =	smov.u32 @p3 s17;
	s10 =	sshrl.u32 s10, $0x3  }
0x2cf: {  	s28 =	simm.s32 $0x7000;
	s10 =	sadd.s32 s12, s10  }
0x2d0: {  	[tilespmem:s28], [sflag:$0x1] =	stream.linear.gather [hbm4b:s10+s15], $0x1000, $0x38;
	[tilespmem:$0x18080] =	vst v63  }
0x2d1: {  	_ =	swait.ge [sflag:s0], $0x1000  }
0x2d2: {  	[sflag:s0] =	ssyncset.done $0x0  }
0x2d3: {  	[sflag:s0] =	ssyncadd.s32 $0xFFFFF000  }
0x2d4: {  	_ =	swait.ge [sflag:s0], $0x1000  }
0x2d5: {  	[sflag:s0] =	ssyncset.done $0x0  }
0x2d6: {  	[sflag:s0] =	ssyncadd.s32 $0xFFFFF000  }
0x2d7: {  	_ =	swait.ge [sflag:s0], $0x1000  }
0x2d8: {  	[sflag:s0] =	ssyncset.done $0x0  }
0x2d9: {  	[sflag:s0] =	ssyncadd.s32 $0xFFFFF000  }
0x2da: {  	_ =	swait.ge [sflag:s0], $0x1000  }
0x2db: {  	[sflag:s0] =	ssyncset.done $0x0  }
0x2dc: {  	[sflag:s0] =	ssyncadd.s32 $0xFFFFF000  }
0x2dd: {  	_ =	swait.ge [sflag:s0], $0x1000  }
0x2de: {  	[sflag:s0] =	ssyncset.done $0x0  }
0x2df: {  	[sflag:s0] =	ssyncadd.s32 $0xFFFFF000  }
0x2e0: {  	_ =	swait.ge [sflag:s0], $0x1000  }
0x2e1: {  	[sflag:s0] =	ssyncset.done $0x0  }
0x2e2: {  	[sflag:s0] =	ssyncadd.s32 $0xFFFFF000  }
0x2e3: {  	_ =	swait.ge [sflag:s0], $0x1000  }
.Ltmp54:
0x2e4: {  	[sflag:s0] =	ssyncset.done $0x0;
	(pc) =	sbr.rel .LBB3_29-.Ltmp54, $4  }
0x2e5: {  	[sflag:s0] =	ssyncadd.s32 $0xFFFFF000  }
0x2e6: {  	_ =	swait.ge [sflag:s0], $0x1000  }
0x2e7: {  	[sflag:s0] =	ssyncset.done $0x0  }
0x2e8: {  	[sflag:s0] =	ssyncadd.s32 $0xFFFFF000  }
.LBB3_37:
.Ltmp55:
0x2e9: {  	(pc) =	sbr.rel @p0 .LBB3_41-.Ltmp55, $1  }
0x2ea: {  	_ =	sdelay $0x3  }
0x2eb: {  	p3 =	slt.s32 s3, s1;
	s21 =	rddreg [dreg:$0xa]  }
0x2ec: {  	s10 =	smov.u32 s13;
	s17 =	rddreg [dreg:$0x4];
	s28 =	sor.u32 $0x1000, s3  }
0x2ed: {  	s10 =	smov.u32 @p3 s3;
	s12 =	smov.u32 s21;
	p6 =	slt.s32 s28, s1  }
0x2ee: {  	p4 =	sge.s32 s28, s2;
	s12 =	smov.u32 @p3 s17;
	s10 =	sshrl.u32 s10, $0x3  }
0x2ef: {  	p3 =	por p6, p4;
	s10 =	sadd.s32 s12, s10;
	s12 =	smov.u32 s1  }
0x2f0: {  	[tilespmem:s26], [sflag:$0x2] =	stream.linear.gather [hbm4b:s10+s15], $0x1000, $0x38;
	[tilespmem:$0x18080] =	vst v63  }
0x2f1: {  	s12 =	simm.s32 @p3 $0x0  }
0x2f2: {  	s10 =	ssub.s32 s28, s12;
	s12 =	smov.u32 s21  }
0x2f3: {  	s23 =	simm.s32 $0x9000;
	s28 =	sor.u32 $0x2000, s3;
	s12 =	smov.u32 @p3 s17  }
0x2f4: {  	s10 =	sshrl.u32 s10, $0x3;
	p5 =	slt.s32 s28, s1;
	p6 =	sge.s32 s28, s2  }
0x2f5: {  	s10 =	sadd.s32 s12, s10;
	p3 =	por p5, p6;
	s12 =	smov.u32 s1  }
0x2f6: {  	[tilespmem:s23], [sflag:$0x2] =	stream.linear.gather [hbm4b:s10+s15], $0x1000, $0x38;
	[tilespmem:$0x18080] =	vst v63  }
0x2f7: {  	s12 =	simm.s32 @p3 $0x0  }
0x2f8: {  	s10 =	ssub.s32 s28, s12;
	s12 =	smov.u32 s21  }
0x2f9: {  	s23 =	simm.s32 $0xA000;
	s28 =	sor.u32 $0x3000, s3;
	s12 =	smov.u32 @p3 s17  }
0x2fa: {  	s10 =	sshrl.u32 s10, $0x3;
	p5 =	slt.s32 s28, s1;
	p6 =	sge.s32 s28, s2  }
0x2fb: {  	s10 =	sadd.s32 s12, s10;
	p3 =	por p5, p6;
	s12 =	smov.u32 s1  }
0x2fc: {  	[tilespmem:s23], [sflag:$0x2] =	stream.linear.gather [hbm4b:s10+s15], $0x1000, $0x38;
	[tilespmem:$0x18080] =	vst v63  }
0x2fd: {  	s12 =	simm.s32 @p3 $0x0  }
0x2fe: {  	s10 =	ssub.s32 s28, s12;
	s12 =	smov.u32 s21  }
0x2ff: {  	s23 =	simm.s32 $0xB000;
	s28 =	sor.u32 $0x4000, s3;
	s12 =	smov.u32 @p3 s17  }
0x300: {  	s10 =	sshrl.u32 s10, $0x3;
	p5 =	slt.s32 s28, s1;
	p6 =	sge.s32 s28, s2  }
0x301: {  	s10 =	sadd.s32 s12, s10;
	p3 =	por p5, p6;
	s12 =	smov.u32 s1  }
0x302: {  	[tilespmem:s23], [sflag:$0x2] =	stream.linear.gather [hbm4b:s10+s15], $0x1000, $0x38;
	[tilespmem:$0x18080] =	vst v63  }
0x303: {  	s12 =	simm.s32 @p3 $0x0;
	s23 =	sor.u32 $0x5000, s3  }
0x304: {  	s10 =	ssub.s32 s28, s12;
	s12 =	smov.u32 s21;
	p5 =	slt.s32 s23, s1  }
0x305: {  	p6 =	sge.s32 s23, s2;
	s12 =	smov.u32 @p3 s17;
	s10 =	sshrl.u32 s10, $0x3  }
0x306: {  	p3 =	por p5, p6;
	s10 =	sadd.s32 s12, s10;
	s12 =	smov.u32 s1  }
0x307: {  	[tilespmem:s29], [sflag:$0x2] =	stream.linear.gather [hbm4b:s10+s15], $0x1000, $0x38;
	[tilespmem:$0x18080] =	vst v63  }
0x308: {  	s12 =	simm.s32 @p3 $0x0  }
0x309: {  	s10 =	ssub.s32 s23, s12;
	s12 =	smov.u32 s21  }
0x30a: {  	s28 =	simm.s32 $0xD000;
	s23 =	sor.u32 $0x6000, s3;
	s12 =	smov.u32 @p3 s17  }
0x30b: {  	s10 =	sshrl.u32 s10, $0x3;
	p5 =	slt.s32 s23, s1;
	p6 =	sge.s32 s23, s2  }
0x30c: {  	s10 =	sadd.s32 s12, s10;
	p3 =	por p5, p6;
	s12 =	smov.u32 s1  }
0x30d: {  	[tilespmem:s28], [sflag:$0x2] =	stream.linear.gather [hbm4b:s10+s15], $0x1000, $0x38;
	[tilespmem:$0x18080] =	vst v63  }
0x30e: {  	s12 =	simm.s32 @p3 $0x0  }
0x30f: {  	s10 =	ssub.s32 s23, s12;
	s12 =	smov.u32 s21  }
0x310: {  	s28 =	simm.s32 $0xE000;
	s23 =	sor.u32 $0x7000, s3;
	s12 =	smov.u32 @p3 s17  }
0x311: {  	s10 =	sshrl.u32 s10, $0x3;
	p5 =	slt.s32 s23, s1;
	p6 =	sge.s32 s23, s2  }
0x312: {  	s10 =	sadd.s32 s12, s10;
	p3 =	por p5, p6;
	s12 =	smov.u32 s1  }
0x313: {  	[tilespmem:s28], [sflag:$0x2] =	stream.linear.gather [hbm4b:s10+s15], $0x1000, $0x38;
	[tilespmem:$0x18080] =	vst v63  }
0x314: {  	s12 =	simm.s32 @p3 $0x0  }
0x315: {  	s10 =	ssub.s32 s23, s12;
	s12 =	smov.u32 s21  }
0x316: {  	s12 =	smov.u32 @p3 s17;
	s10 =	sshrl.u32 s10, $0x3  }
0x317: {  	s28 =	simm.s32 $0xF000;
	s10 =	sadd.s32 s12, s10  }
0x318: {  	[tilespmem:s28], [sflag:$0x2] =	stream.linear.gather [hbm4b:s10+s15], $0x1000, $0x38;
	[tilespmem:$0x18080] =	vst v63  }
0x319: {  	_ =	swait.ge [sflag:s31], $0x1000  }
0x31a: {  	[sflag:s31] =	ssyncset.done $0x0  }
0x31b: {  	[sflag:s31] =	ssyncadd.s32 $0xFFFFF000  }
0x31c: {  	_ =	swait.ge [sflag:s31], $0x1000  }
0x31d: {  	[sflag:s31] =	ssyncset.done $0x0  }
0x31e: {  	[sflag:s31] =	ssyncadd.s32 $0xFFFFF000  }
0x31f: {  	_ =	swait.ge [sflag:s31], $0x1000  }
0x320: {  	[sflag:s31] =	ssyncset.done $0x0  }
0x321: {  	[sflag:s31] =	ssyncadd.s32 $0xFFFFF000  }
0x322: {  	_ =	swait.ge [sflag:s31], $0x1000  }
0x323: {  	[sflag:s31] =	ssyncset.done $0x0  }
0x324: {  	[sflag:s31] =	ssyncadd.s32 $0xFFFFF000  }
0x325: {  	_ =	swait.ge [sflag:s31], $0x1000  }
0x326: {  	[sflag:s31] =	ssyncset.done $0x0  }
0x327: {  	[sflag:s31] =	ssyncadd.s32 $0xFFFFF000  }
0x328: {  	_ =	swait.ge [sflag:s31], $0x1000  }
0x329: {  	[sflag:s31] =	ssyncset.done $0x0  }
0x32a: {  	[sflag:s31] =	ssyncadd.s32 $0xFFFFF000  }
0x32b: {  	_ =	swait.ge [sflag:s31], $0x1000  }
.Ltmp56:
0x32c: {  	[sflag:s31] =	ssyncset.done $0x0;
	(pc) =	sbr.rel .LBB3_42-.Ltmp56, $4  }
0x32d: {  	[sflag:s31] =	ssyncadd.s32 $0xFFFFF000  }
0x32e: {  	_ =	swait.ge [sflag:s31], $0x1000  }
0x32f: {  	[sflag:s31] =	ssyncset.done $0x0  }
0x330: {  	[sflag:s31] =	ssyncadd.s32 $0xFFFFF000  }
.LBB3_50:
.Ltmp57:
0x331: {  	(pc) =	sbr.rel @p0 .LBB3_54-.Ltmp57, $1  }
0x332: {  	_ =	sdelay $0x3  }
0x333: {  	s10 =	rddreg [dreg:$0xb]  }
0x334: {  	p1 =	slt.s32 s3, s1;
	s9 =	rddreg [dreg:$0x5];
	s28 =	sor.u32 $0x1000, s3  }
0x335: {  	s13 =	smov.u32 @p1 s3;
	s7 =	smov.u32 s10;
	p6 =	slt.s32 s28, s1  }
0x336: {  	p2 =	sge.s32 s28, s2;
	s7 =	smov.u32 @p1 s9;
	s8 =	sshrl.u32 s13, $0x3  }
0x337: {  	p1 =	por p6, p2;
	s7 =	sadd.s32 s7, s8;
	s8 =	smov.u32 s1  }
0x338: {  	[tilespmem:s18], [sflag:$0x3] =	stream.linear.gather [hbm4b:s7+s15], $0x1000, $0x38;
	[tilespmem:$0x18080] =	vst v63  }
0x339: {  	s12 =	simm.s32 $0x11000;
	s13 =	sor.u32 $0x2000, s3;
	s8 =	simm.s32 @p1 $0x0  }
0x33a: {  	p3 =	slt.s32 s13, s1;
	s7 =	ssub.s32 s28, s8;
	s8 =	smov.u32 s10  }
0x33b: {  	p4 =	sge.s32 s13, s2;
	s8 =	smov.u32 @p1 s9;
	s7 =	sshrl.u32 s7, $0x3  }
0x33c: {  	p1 =	por p3, p4;
	s7 =	sadd.s32 s8, s7;
	s8 =	smov.u32 s1  }
0x33d: {  	[tilespmem:s12], [sflag:$0x3] =	stream.linear.gather [hbm4b:s7+s15], $0x1000, $0x38;
	[tilespmem:$0x18080] =	vst v63  }
0x33e: {  	s17 =	simm.s32 $0x12000;
	s21 =	sor.u32 $0x3000, s3;
	s8 =	simm.s32 @p1 $0x0  }
0x33f: {  	p5 =	slt.s32 s21, s1;
	s7 =	ssub.s32 s13, s8;
	s8 =	smov.u32 s10  }
0x340: {  	p6 =	sge.s32 s21, s2;
	s8 =	smov.u32 @p1 s9;
	s7 =	sshrl.u32 s7, $0x3  }
0x341: {  	p1 =	por p5, p6;
	s7 =	sadd.s32 s8, s7;
	s8 =	smov.u32 s1  }
0x342: {  	[tilespmem:s17], [sflag:$0x3] =	stream.linear.gather [hbm4b:s7+s15], $0x1000, $0x38;
	[tilespmem:$0x18080] =	vst v63  }
0x343: {  	s23 =	simm.s32 $0x13000;
	s28 =	sor.u32 $0x4000, s3;
	s8 =	simm.s32 @p1 $0x0  }
0x344: {  	p3 =	slt.s32 s28, s1;
	s7 =	ssub.s32 s21, s8;
	s8 =	smov.u32 s10  }
0x345: {  	p4 =	sge.s32 s28, s2;
	s8 =	smov.u32 @p1 s9;
	s7 =	sshrl.u32 s7, $0x3  }
0x346: {  	p1 =	por p3, p4;
	s7 =	sadd.s32 s8, s7;
	s8 =	smov.u32 s1  }
0x347: {  	[tilespmem:s23], [sflag:$0x3] =	stream.linear.gather [hbm4b:s7+s15], $0x1000, $0x38;
	[tilespmem:$0x18080] =	vst v63  }
0x348: {  	s12 =	sor.u32 $0x5000, s3;
	s8 =	simm.s32 @p1 $0x0  }
0x349: {  	p5 =	slt.s32 s12, s1;
	s7 =	ssub.s32 s28, s8;
	s8 =	smov.u32 s10  }
0x34a: {  	p6 =	sge.s32 s12, s2;
	s8 =	smov.u32 @p1 s9;
	s7 =	sshrl.u32 s7, $0x3  }
0x34b: {  	p1 =	por p5, p6;
	s7 =	sadd.s32 s8, s7;
	s8 =	smov.u32 s1  }
0x34c: {  	[tilespmem:s16], [sflag:$0x3] =	stream.linear.gather [hbm4b:s7+s15], $0x1000, $0x38;
	[tilespmem:$0x18080] =	vst v63  }
0x34d: {  	s13 =	simm.s32 $0x15000;
	s17 =	sor.u32 $0x6000, s3;
	s8 =	simm.s32 @p1 $0x0  }
0x34e: {  	p3 =	slt.s32 s17, s1;
	s7 =	ssub.s32 s12, s8;
	s8 =	smov.u32 s10  }
0x34f: {  	p4 =	sge.s32 s17, s2;
	s8 =	smov.u32 @p1 s9;
	s7 =	sshrl.u32 s7, $0x3  }
0x350: {  	p1 =	por p3, p4;
	s7 =	sadd.s32 s8, s7;
	s8 =	smov.u32 s1  }
0x351: {  	[tilespmem:s13], [sflag:$0x3] =	stream.linear.gather [hbm4b:s7+s15], $0x1000, $0x38;
	[tilespmem:$0x18080] =	vst v63  }
0x352: {  	s21 =	simm.s32 $0x16000;
	s23 =	sor.u32 $0x7000, s3;
	s8 =	simm.s32 @p1 $0x0  }
0x353: {  	p5 =	slt.s32 s23, s1;
	s7 =	ssub.s32 s17, s8;
	s8 =	smov.u32 s10  }
0x354: {  	p6 =	sge.s32 s23, s2;
	s8 =	smov.u32 @p1 s9;
	s7 =	sshrl.u32 s7, $0x3  }
0x355: {  	p1 =	por p5, p6;
	s7 =	sadd.s32 s8, s7;
	s8 =	smov.u32 s1  }
0x356: {  	[tilespmem:s21], [sflag:$0x3] =	stream.linear.gather [hbm4b:s7+s15], $0x1000, $0x38;
	[tilespmem:$0x18080] =	vst v63  }
0x357: {  	s8 =	simm.s32 @p1 $0x0  }
0x358: {  	s7 =	ssub.s32 s23, s8;
	s8 =	smov.u32 s10  }
0x359: {  	s8 =	smov.u32 @p1 s9;
	s7 =	sshrl.u32 s7, $0x3  }
0x35a: {  	s28 =	simm.s32 $0x17000;
	s7 =	sadd.s32 s8, s7  }
0x35b: {  	[tilespmem:s28], [sflag:$0x3] =	stream.linear.gather [hbm4b:s7+s15], $0x1000, $0x38;
	[tilespmem:$0x18080] =	vst v63  }
0x35c: {  	_ =	swait.ge [sflag:s22], $0x1000  }
0x35d: {  	[sflag:s22] =	ssyncset.done $0x0  }
0x35e: {  	[sflag:s22] =	ssyncadd.s32 $0xFFFFF000  }
0x35f: {  	_ =	swait.ge [sflag:s22], $0x1000  }
0x360: {  	[sflag:s22] =	ssyncset.done $0x0  }
0x361: {  	[sflag:s22] =	ssyncadd.s32 $0xFFFFF000  }
0x362: {  	_ =	swait.ge [sflag:s22], $0x1000  }
0x363: {  	[sflag:s22] =	ssyncset.done $0x0  }
0x364: {  	[sflag:s22] =	ssyncadd.s32 $0xFFFFF000  }
0x365: {  	_ =	swait.ge [sflag:s22], $0x1000  }
0x366: {  	[sflag:s22] =	ssyncset.done $0x0  }
0x367: {  	[sflag:s22] =	ssyncadd.s32 $0xFFFFF000  }
0x368: {  	_ =	swait.ge [sflag:s22], $0x1000  }
0x369: {  	[sflag:s22] =	ssyncset.done $0x0  }
0x36a: {  	[sflag:s22] =	ssyncadd.s32 $0xFFFFF000  }
0x36b: {  	_ =	swait.ge [sflag:s22], $0x1000  }
0x36c: {  	[sflag:s22] =	ssyncset.done $0x0  }
0x36d: {  	[sflag:s22] =	ssyncadd.s32 $0xFFFFF000  }
0x36e: {  	_ =	swait.ge [sflag:s22], $0x1000  }
.Ltmp58:
0x36f: {  	[sflag:s22] =	ssyncset.done $0x0;
	(pc) =	sbr.rel .LBB3_55-.Ltmp58, $4  }
0x370: {  	[sflag:s22] =	ssyncadd.s32 $0xFFFFF000  }
0x371: {  	_ =	swait.ge [sflag:s22], $0x1000  }
0x372: {  	[sflag:s22] =	ssyncset.done $0x0  }
0x373: {  	[sflag:s22] =	ssyncadd.s32 $0xFFFFF000  }
.LBB3_66:
0x374: {  	s9 =	sshrl.u32 s8, $0x3  }
.Ltmp59:
0x375: {  	s10 =	rddreg [dreg:$0x6];
	s23 =	sadd.s32 $0x4000, s8;
	(pc) =	sbr.rel @p2 .LBB3_68-.Ltmp59, $4  }
0x376: {  	s9 =	sadd.s32 s10, s9;
	s8 =	sshrl.u32 s23, $0x3  }
0x377: {  	[tilespmem:s15], [sflag:$0x1] =	stream.linear.gather [hbm4b:s9+s15], $0x4000, $0x38;
	[tilespmem:$0x18080] =	vst v63  }
0x378: {  	s28 =	simm.s32 $0x4000;
	s8 =	sadd.s32 s10, s8  }
0x379: {  	[tilespmem:s28], [sflag:$0x1] =	stream.linear.gather [hbm4b:s8+s15], $0x4000, $0x38;
	[tilespmem:$0x18080] =	vst v63  }
.LBB3_67:
0x37a: {  	s7 =	sshrl.u32 s7, $0x3;
	s8 =	rddreg [dreg:$0x0]  }
0x37b: {  	s23 =	rddreg [dreg:$0x12];
	s8 =	sadd.s32 s8, s7  }
0x37c: {  	[tilespmem:s15], [sflag:$0x1] =	stream.linear.gather [hbm4b:s8+s15], $0x4000, $0x38;
	[tilespmem:$0x18080] =	vst v63  }
0x37d: {  	s28 =	simm.s32 $0x4000;
	s7 =	sadd.s32 s7, s23  }
0x37e: {  	[tilespmem:s28], [sflag:$0x1] =	stream.linear.gather [hbm4b:s7+s15], $0x4000, $0x38;
	[tilespmem:$0x18080] =	vst v63  }
.LBB3_68:
0x37f: {  	s7 =	simm.s32 @p0 $0x3  }
0x380: {  	_ =	swait.ge @p0 [sflag:s7], $0x4000  }
0x381: {  	[sflag:s7] =	ssyncset.done @p0 $0x0  }
0x382: {  	[sflag:s7] =	ssyncadd.s32 @p0 $0xFFFFC000  }
0x383: {  	_ =	swait.ge @p0 [sflag:s7], $0x4000  }
0x384: {  	[sflag:s7] =	ssyncset.done @p0 $0x0  }
0x385: {  	[sflag:s7] =	ssyncadd.s32 @p0 $0xFFFFC000;
	s7 =	simm.s32 @!p0 $0x3  }
0x386: {  	_ =	swait.ge @!p0 [sflag:s7], $0x1000  }
0x387: {  	[sflag:s7] =	ssyncset.done @!p0 $0x0  }
0x388: {  	[sflag:s7] =	ssyncadd.s32 @!p0 $0xFFFFF000  }
0x389: {  	_ =	swait.ge @!p0 [sflag:s7], $0x1000  }
0x38a: {  	[sflag:s7] =	ssyncset.done @!p0 $0x0  }
0x38b: {  	[sflag:s7] =	ssyncadd.s32 @!p0 $0xFFFFF000  }
0x38c: {  	_ =	swait.ge @!p0 [sflag:s7], $0x1000  }
0x38d: {  	[sflag:s7] =	ssyncset.done @!p0 $0x0  }
0x38e: {  	[sflag:s7] =	ssyncadd.s32 @!p0 $0xFFFFF000  }
0x38f: {  	_ =	swait.ge @!p0 [sflag:s7], $0x1000  }
0x390: {  	[sflag:s7] =	ssyncset.done @!p0 $0x0  }
0x391: {  	[sflag:s7] =	ssyncadd.s32 @!p0 $0xFFFFF000  }
0x392: {  	_ =	swait.ge @!p0 [sflag:s7], $0x1000  }
0x393: {  	[sflag:s7] =	ssyncset.done @!p0 $0x0  }
0x394: {  	[sflag:s7] =	ssyncadd.s32 @!p0 $0xFFFFF000  }
0x395: {  	_ =	swait.ge @!p0 [sflag:s7], $0x1000  }
0x396: {  	[sflag:s7] =	ssyncset.done @!p0 $0x0  }
0x397: {  	[sflag:s7] =	ssyncadd.s32 @!p0 $0xFFFFF000  }
0x398: {  	_ =	swait.ge @!p0 [sflag:s7], $0x1000  }
.Ltmp60:
0x399: {  	[sflag:s7] =	ssyncset.done @!p0 $0x0;
	(pc) =	sbr.rel .LBB3_69-.Ltmp60, $4  }
0x39a: {  	[sflag:s7] =	ssyncadd.s32 @!p0 $0xFFFFF000  }
0x39b: {  	_ =	swait.ge @!p0 [sflag:s7], $0x1000  }
0x39c: {  	[sflag:s7] =	ssyncset.done @!p0 $0x0  }
0x39d: {  	s8 =	simm.s32 $0x10040;
	[sflag:s7] =	ssyncadd.s32 @!p0 $0xFFFFF000;
	s7 =	simm.s32 $0x0  }
.LBB3_73:
0x39e: {  	s7 =	sadd.s32 $0x1, s7  }
0x39f: {  	p0 =	sne.s32 s7, $0x8  }
.Ltmp61:
0x3a0: {  	_ = 	snop;
	(pc) =	sbr.rel @!p0 .LBB3_74-.Ltmp61, $2  }
0x3a1: {  	_ =	sdelay $0x2  }
0x3a2: {  	s8 =	sadd.s32 $0x1000, s8  }
.LBB3_69:
0x3a3: {  	s9 =	sshll.u32 s7, $0xC  }
0x3a4: {  	s9 =	sor.u32 s3, s9  }
0x3a5: {  	p0 =	slt.s32 s9, s1  }
0x3a6: {  	p1 =	sge.s32 @!p0 s9, s2  }
0x3a7: {  	p0 =	por p0, p1  }
.Ltmp62:
0x3a8: {  	_ = 	snop;
	(pc) =	sbr.rel @p0 .LBB3_73-.Ltmp62, $1  }
0x3a9: {  	_ =	sdelay $0x3  }
0x3aa: {  	v0 =	vld [tilespmem:s8+$0x30]  }
0x3ab: {  	v1 =	vld [tilespmem:s8+$0xFFFFFFD0]  }
0x3ac: {  	v2 =	vld [tilespmem:s8+$0xFFFFFFE0]  }
0x3ad: {  	v3 =	vld [tilespmem:s8+$0xFFFFFFF0]  }
0x3ae: {  	v7 =	vld [tilespmem:s8+$0xFFFFFFC0]  }
0x3af: {  	v4 =	vld [tilespmem:s8+$0x0]  }
0x3b0: {  	v5 =	vld [tilespmem:s8+$0x10];
	v0 =	vmax.f32 v0, $1.000000050e-03  }
0x3b1: {  	v6 =	vld [tilespmem:s8+$0x20];
	s9 =	sadd.s32 $0x80, s8;
	v1 =	vmax.f32 v1, $1.000000050e-03;
	v0 =	vmin.f32 v0, $9.990000120e-01  }
0x3b2: {  	v2 =	vmax.f32 v2, $1.000000050e-03;
	v1 =	vmin.f32 v1, $9.990000120e-01;
	[tilespmem:s8+$0x30] =	vst v0;
	v0 =	vld [tilespmem:s9+$0x30]  }
0x3b3: {  	v8 =	vld [tilespmem:s9+$0xFFFFFFD0];
	v7 =	vmax.f32 v7, $1.000000050e-03;
	[tilespmem:s8+$0xFFFFFFD0] =	vst v1;
	v1 =	vmin.f32 v2, $9.990000120e-01  }
0x3b4: {  	v9 =	vld [tilespmem:s9+$0xFFFFFFE0];
	v7 =	vmin.f32 v7, $9.990000120e-01;
	v2 =	vmax.f32 v3, $1.000000050e-03;
	[tilespmem:s8+$0xFFFFFFE0] =	vst v1;
	v1 =	vmax.f32 v4, $1.000000050e-03  }
0x3b5: {  	v3 =	vmax.f32 v5, $1.000000050e-03;
	[tilespmem:s8+$0xFFFFFFC0] =	vst v7;
	v2 =	vmin.f32 v2, $9.990000120e-01;
	v4 =	vmin.f32 v1, $9.990000120e-01;
	v1 =	vld [tilespmem:s9+$0xFFFFFFF0]  }
0x3b6: {  	v5 =	vmin.f32 v3, $9.990000120e-01;
	v3 =	vld [tilespmem:s9+$0x0];
	[tilespmem:s8+$0xFFFFFFF0] =	vst v2  }
0x3b7: {  	v2 =	vld [tilespmem:s9+$0x10];
	[tilespmem:s8+$0x0] =	vst v4;
	v4 =	vmax.f32 v0, $1.000000050e-03  }
0x3b8: {  	[tilespmem:s8+$0x10] =	vst v5;
	v5 =	vmax.f32 v6, $1.000000050e-03;
	v6 =	vmax.f32 v8, $1.000000050e-03;
	v0 =	vld [tilespmem:s9+$0x20];
	v8 =	vmin.f32 v4, $9.990000120e-01  }
0x3b9: {  	s10 =	simm.s32 $0x80;
	s12 =	smov.u32 s8;
	s13 =	sadd.s32 $0x80, s9;
	v7 =	vmax.f32 v9, $1.000000050e-03;
	v5 =	vmin.f32 v5, $9.990000120e-01;
	v6 =	vmin.f32 v6, $9.990000120e-01;
	v4 =	vld [tilespmem:s9+$0xFFFFFFC0];
	[tilespmem:s9+$0x30] =	vst v8  }
.LBB3_71:
0x3ba: {  	v8 =	vld [tilespmem:s13+$0x30];
	s10 =	sadd.s32 $0x80, s10;
	[tilespmem:s9+$0xFFFFFFD0] =	vst v6;
	v6 =	vmin.f32 v7, $9.990000120e-01;
	v1 =	vmax.f32 v1, $1.000000050e-03  }
0x3bb: {  	v7 =	vld [tilespmem:s13+$0xFFFFFFD0];
	p0 =	slt.u32 s10, $0xF80;
	[tilespmem:s9+$0xFFFFFFE0] =	vst v6;
	v3 =	vmax.f32 v3, $1.000000050e-03  }
0x3bc: {  	v6 =	vmin.f32 v1, $9.990000120e-01;
	v9 =	vld [tilespmem:s13+$0xFFFFFFE0];
	v10 =	vmin.f32 v3, $9.990000120e-01;
	v2 =	vmax.f32 v2, $1.000000050e-03;
	[tilespmem:s12+$0x20] =	vst v5;
	s12 =	smov.u32 s9;
	s9 =	smov.u32 s13  }
.Ltmp63:
0x3bd: {  	v1 =	vld [tilespmem:s13+$0xFFFFFFF0];
	[tilespmem:s12+$0xFFFFFFF0] =	vst v6;
	v6 =	vmin.f32 v2, $9.990000120e-01;
	v0 =	vmax.f32 v0, $1.000000050e-03;
	(pc) =	sbr.rel @p0 .LBB3_71-.Ltmp63, $4  }
0x3be: {  	v3 =	vld [tilespmem:s13+$0x0];
	v4 =	vmax.f32 v4, $1.000000050e-03;
	[tilespmem:s12+$0x0] =	vst v10;
	v5 =	vmin.f32 v0, $9.990000120e-01  }
0x3bf: {  	v2 =	vld [tilespmem:s13+$0x10];
	v8 =	vmax.f32 v8, $1.000000050e-03;
	v4 =	vmin.f32 v4, $9.990000120e-01;
	[tilespmem:s12+$0x10] =	vst v6  }
0x3c0: {  	v6 =	vmax.f32 v7, $1.000000050e-03;
	v0 =	vld [tilespmem:s13+$0x20];
	v8 =	vmin.f32 v8, $9.990000120e-01;
	[tilespmem:s12+$0xFFFFFFC0] =	vst v4  }
0x3c1: {  	s13 =	sadd.s32 $0x80, s13;
	v4 =	vld [tilespmem:s9+$0xFFFFFFC0];
	v6 =	vmin.f32 v6, $9.990000120e-01;
	v7 =	vmax.f32 v9, $1.000000050e-03;
	[tilespmem:s9+$0x30] =	vst v8  }
0x3c2: {  	[tilespmem:s9+$0xFFFFFFD0] =	vst v6  }
0x3c3: {  	v61 =	vmin.f32 v7, $9.990000120e-01;
	v1 =	vmax.f32 v1, $1.000000050e-03;
	[tilespmem:s12+$0x20] =	vst v5;
	v3 =	vmax.f32 v3, $1.000000050e-03  }
0x3c4: {  	[tilespmem:s9+$0xFFFFFFE0] =	vst v61;
	v1 =	vmin.f32 v1, $9.990000120e-01;
	v3 =	vmin.f32 v3, $9.990000120e-01  }
.Ltmp64:
0x3c5: {  	v2 =	vmax.f32 v2, $1.000000050e-03;
	[tilespmem:s9+$0xFFFFFFF0] =	vst v1;
	(pc) =	sbr.rel .LBB3_73-.Ltmp64, $4  }
0x3c6: {  	v62 =	vmin.f32 v2, $9.990000120e-01;
	[tilespmem:s9+$0x0] =	vst v3;
	v0 =	vmax.f32 v0, $1.000000050e-03  }
0x3c7: {  	v63 =	vmax.f32 v4, $1.000000050e-03;
	[tilespmem:s9+$0x10] =	vst v62;
	v0 =	vmin.f32 v0, $9.990000120e-01  }
0x3c8: {  	v2 =	vmin.f32 v63, $9.990000120e-01;
	[tilespmem:s9+$0x20] =	vst v0  }
0x3c9: {  	[tilespmem:s9+$0xFFFFFFC0] =	vst v2  }
.LBB3_76:
0x3ca: {  	_ =	sfence.sel $0x180000  }
0x3cb: {  	[bflag:$0x0] =	sbarrier.arrive $0xFFFF  }
0x3cc: {  	_ =	strace $0x90000047  }
0x3cd: {  	s0 =	stileid.u32;
	[bflag:$0x2] =	sbarrier.arrive $0xFFFF  }
0x3ce: {  	p0 =	sne.s32 s0, $0x0;
	s0 =	rddreg [dreg:$0xe]  }
0x3cf: {  	s0 =	sadd.s32 @!p0 $0x100000, s0  }
0x3d0: {  	[sflag:s0] =	ssyncadd.tile.s32 @!p0 $0x1;
	_ =	shalt  }
.Lfunc_end3:
_tile_overlayer_lowered:
.L_overlay_start_3:
0x3d1: {  	(tag) =	ssettag $0x3  }
0x3d2: {  	s0 =	rddreg [dreg:$0x0];
	s2 =	stileid.u32  }
0x3d3: {  	s1 =	rddreg [dreg:$0x1];
	p0 =	sne.s32 s2, $0x0  }
0x3d4: {  	s3 =	rddreg [dreg:$0x2];
	[bflag:$0x3] =	sbarrier.arrive $0xFFFF;
	s2 =	simm.s32 @!p0 $0x1C07  }
0x3d5: {  	[timem:s3], [sflag:s2] =	dma.local @!p0 [hbm:s0], s1  }
0x3d6: {  	s0 =	simm.s32 @!p0 $0x7  }
0x3d7: {  	_ =	swait.ge @!p0 [sflag:s0], s1  }
0x3d8: {  	s1 =	ssub.s32 @!p0 $0x0, s1;
	[sflag:s0] =	ssyncset.done @!p0 $0x0  }
0x3d9: {  	[sflag:s0] =	ssyncadd.s32 @!p0 s1  }
0x3da: {  	[bflag:$0x3] =	sbarrier.arrive $0xFFFF  }
0x3db: {  	_ =	shalt  }

</sc_bundles>
